<compile_context>
chip_gen: v7x
topology: tpu7x:2x2x1
jax: 0.10.2.dev20260603
libtpu: 0.0.44.dev20260713+nightly
codegen_flags: <defaults>
</compile_context>

<pallas_src>
import functools

import jax
import jax.numpy as jnp
from jax import lax
from jax.experimental import pallas as pl
from jax.experimental.pallas import tpu as pltpu
from jax.experimental.pallas import tpu_sc as plsc

N_NODES = 10000
N_EDGES = 160000
D = 256
DH = 128
EPS = 1e-5

NC = 2
NS = 16
EDGES_PER_TILE = N_EDGES // NS
CH_E = 2000
N_STAGE = EDGES_PER_TILE // CH_E
CHUNK = 80
NCHUNK = CH_E // CHUNK
NRING = 4
ROWS_PER_TILE = 640
TAIL_ROWS = N_NODES - 15 * ROWS_PER_TILE


_sc_mesh = plsc.VectorSubcoreMesh(
    core_axis_name="c", subcore_axis_name="s", num_cores=NC, num_subcores=NS
)


@functools.partial(
    pl.kernel,
    out_type=[jax.ShapeDtypeStruct((N_NODES, DH), jnp.float32),
              jax.ShapeDtypeStruct((N_NODES, DH), jnp.float32)],
    mesh=_sc_mesh,
    scratch_types=[
        pltpu.VMEM((CH_E,), jnp.int32),
        pltpu.VMEM((CH_E,), jnp.int32),
        [pltpu.VMEM((CHUNK, DH), jnp.float32) for _ in range(NRING)],
        pltpu.VMEM_SHARED((N_NODES, DH), jnp.float32),
        [pltpu.SemaphoreType.DMA for _ in range(NRING)],
        [pltpu.SemaphoreType.DMA for _ in range(2)],
    ],
)
def _sc_agg(x_hbm, src_hbm, dst_hbm, zeros_hbm, out_lo, out_hi,
            src_c, dst_c, rows, agg_sh, gsem, ssem):
    c = lax.axis_index("c")
    s = lax.axis_index("s")

    col = pl.ds(c * DH, DH)

    @pl.when(s < 15)
    def _():
        pltpu.sync_copy(zeros_hbm,
                        agg_sh.at[pl.ds(s * ROWS_PER_TILE, ROWS_PER_TILE)])

    @pl.when(s == 15)
    def _():
        pltpu.sync_copy(zeros_hbm.at[pl.ds(0, TAIL_ROWS)],
                        agg_sh.at[pl.ds(15 * ROWS_PER_TILE, TAIL_ROWS)])

    plsc.subcore_barrier()

    def _issue(off, i):
        return pltpu.async_copy(
            x_hbm.at[src_c.at[pl.ds(off, CHUNK)], col], rows[i], gsem[i])

    def _wait(i):
        pltpu.make_async_copy(
            x_hbm.at[src_c.at[pl.ds(0, CHUNK)], col], rows[i], gsem[i]).wait()

    def _scatter(off, i):
        pltpu.sync_copy(rows[i],
                        agg_sh.at[dst_c.at[pl.ds(off, CHUNK)]], add=True)

    def _stage(st, _):
        eb = s * EDGES_PER_TILE + st * CH_E
        pltpu.sync_copy(src_hbm.at[pl.ds(eb, CH_E)], src_c)
        pltpu.sync_copy(dst_hbm.at[pl.ds(eb, CH_E)], dst_c)

        for i in range(NRING):
            _issue(i * CHUNK, i)

        def _quad(j, _):
            for i in range(NRING):
                ch = j * NRING + i
                _wait(i)
                _scatter(ch * CHUNK, i)

                @pl.when(ch + NRING < NCHUNK)
                def _():
                    _issue((ch + NRING) * CHUNK, i)
            return 0

        lax.fori_loop(0, NCHUNK // NRING, _quad, 0)

        _wait(0)
        _scatter((NCHUNK - 1) * CHUNK, 0)
        return 0

    lax.fori_loop(0, N_STAGE, _stage, 0)

    plsc.subcore_barrier()

    def _writeout(dst_hbm_ref):
        @pl.when(s < 15)
        def _():
            own = pl.ds(s * ROWS_PER_TILE, ROWS_PER_TILE)
            pltpu.sync_copy(agg_sh.at[own], dst_hbm_ref.at[own])

        @pl.when(s == 15)
        def _():
            own = pl.ds(15 * ROWS_PER_TILE, TAIL_ROWS)
            pltpu.sync_copy(agg_sh.at[own], dst_hbm_ref.at[own])

    @pl.when(c == 0)
    def _():
        _writeout(out_lo)

    @pl.when(c == 1)
    def _():
        _writeout(out_hi)


def _tc_body(x_ref, aggl_ref, aggh_ref, wr_ref, wo_ref, bnw_ref, bnb_ref, o_ref):
    r = lax.dot_general(
        x_ref[...], wo_ref[...], (((1,), (1,)), ((), ())),
        preferred_element_type=jnp.float32, precision=lax.Precision.DEFAULT,
    )
    r = r + lax.dot_general(
        aggl_ref[...], wr_ref[:, :DH], (((1,), (1,)), ((), ())),
        preferred_element_type=jnp.float32, precision=lax.Precision.DEFAULT,
    )
    r = r + lax.dot_general(
        aggh_ref[...], wr_ref[:, DH:], (((1,), (1,)), ((), ())),
        preferred_element_type=jnp.float32, precision=lax.Precision.DEFAULT,
    )
    mean = jnp.sum(r, axis=0) / N_NODES
    var = jnp.sum(r * r, axis=0) / N_NODES - mean * mean
    scale = bnw_ref[0, :] * lax.rsqrt(var + EPS)
    shift = bnb_ref[0, :] - mean * scale
    y = r * scale[None, :] + shift[None, :]
    o_ref[...] = jnp.where(y >= 0, y, 0.1 * y)


def kernel(x, edge_index, W_rel, b_rel, W_root, bn_weight, bn_bias):
    del b_rel
    src = edge_index[0].astype(jnp.int32)
    dst = edge_index[1].astype(jnp.int32)
    zeros = jnp.zeros((ROWS_PER_TILE, DH), jnp.float32)

    agg_lo, agg_hi = _sc_agg(x, src, dst, zeros)

    out = pl.pallas_call(
        _tc_body,
        in_specs=[
            pl.BlockSpec((N_NODES, D), lambda: (0, 0)),
            pl.BlockSpec((N_NODES, DH), lambda: (0, 0)),
            pl.BlockSpec((N_NODES, DH), lambda: (0, 0)),
            pl.BlockSpec((D, D), lambda: (0, 0)),
            pl.BlockSpec((D, D), lambda: (0, 0)),
            pl.BlockSpec((1, D), lambda: (0, 0)),
            pl.BlockSpec((1, D), lambda: (0, 0)),
        ],
        out_specs=pl.BlockSpec((N_NODES, D), lambda: (0, 0)),
        out_shape=jax.ShapeDtypeStruct((N_NODES, D), jnp.float32),
    )(x, agg_lo, agg_hi, W_rel, W_root,
      bn_weight.reshape(1, D), bn_bias.reshape(1, D))

    return out

# --- scband reference (transcript-rebuilt; emitter-appended) ---
"""Pipeline reference for scband-graph-conv-batch-norm-68264210203079 (READ-ONLY COPY).

The authoritative reference and input builder live on the scoring server;
editing this copy changes nothing except your own understanding.
"""

import jax, jax.numpy as jnp
import numpy as np

N_NODES = 10000
N_EDGES = 160000
D_IN = 256
D_OUT = 256
EPS = 1e-5

def setup_inputs(seed: int = 0) -> dict:
    key = jax.random.key(seed)
    k1, k2, k3, k4, k5 = jax.random.split(key, 5)
    x = jax.random.normal(k1, (N_NODES, D_IN), dtype=jnp.float32)
    edge_index = jax.random.randint(k2, (2, N_EDGES), 0, N_NODES, dtype=jnp.int64)
    # GraphConv params: lin_rel (weight+bias) applied to aggregated neighbors, lin_root (no bias) applied to self
    s_rel = 1.0 / np.sqrt(D_IN)
    W_rel = jax.random.uniform(k3, (D_OUT, D_IN), dtype=jnp.float32, minval=-s_rel, maxval=s_rel)
    b_rel = jnp.zeros((D_OUT,), dtype=jnp.float32)
    W_root = jax.random.uniform(k4, (D_OUT, D_IN), dtype=jnp.float32, minval=-s_rel, maxval=s_rel)
    bn_weight = jnp.ones((D_OUT,), dtype=jnp.float32)
    bn_bias = jnp.zeros((D_OUT,), dtype=jnp.float32)
    return {"x": x, "edge_index": edge_index, "W_rel": W_rel, "b_rel": b_rel, "W_root": W_root, "bn_weight": bn_weight, "bn_bias": bn_bias}

def reference(x, edge_index, W_rel, b_rel, W_root, bn_weight, bn_bias):
    src = edge_index[0]
    dst = edge_index[1]
    # GraphConv with aggr='add': aggregate source node features at destination nodes
    agg = jnp.zeros((x.shape[0], x.shape[1]), dtype=x.dtype).at[dst].add(x[src])
    out = agg @ W_rel.T + b_rel + x @ W_root.T
    # NodeLevelBatchNorm (training mode: batch statistics over all nodes)
    mean = jnp.mean(out, axis=0)
    var = jnp.var(out, axis=0)  # biased variance, as used by F.batch_norm for normalization
    out = (out - mean) / jnp.sqrt(var + EPS) * bn_weight + bn_bias
    out = jax.nn.leaky_relu(out, negative_slope=0.1)
    return out

if __name__ == "__main__":
    import jax
    _d = setup_inputs()
    print(jax.jit(kernel)(*tuple(_d.values())))

</pallas_src>

<mosaic_0001>
#map = affine_map<(d0, d1) -> (0, 0)>
#map1 = affine_map<(d0, d1) -> (0)>
module attributes {stable_mosaic.version = 14 : i64} {
  func.func @_sc_agg(%arg0: i32, %arg1: i32, %arg2: memref<10000x256xf32, #tpu.memory_space<hbm>>, %arg3: memref<160000xi32, #tpu.memory_space<hbm>>, %arg4: memref<160000xi32, #tpu.memory_space<hbm>>, %arg5: memref<640x128xf32, #tpu.memory_space<hbm>>, %arg6: memref<10000x128xf32, #tpu.memory_space<hbm>>, %arg7: memref<10000x128xf32, #tpu.memory_space<hbm>>, %arg8: memref<2000xi32, #tpu.memory_space<vmem>>, %arg9: memref<2000xi32, #tpu.memory_space<vmem>>, %arg10: memref<80x128xf32, #tpu.memory_space<vmem>>, %arg11: memref<80x128xf32, #tpu.memory_space<vmem>>, %arg12: memref<80x128xf32, #tpu.memory_space<vmem>>, %arg13: memref<80x128xf32, #tpu.memory_space<vmem>>, %arg14: memref<10000x128xf32, #tpu.memory_space<vmem_shared>>, %arg15: memref<!tpu.dma_semaphore, #tpu.memory_space<semaphore_mem>>, %arg16: memref<!tpu.dma_semaphore, #tpu.memory_space<semaphore_mem>>, %arg17: memref<!tpu.dma_semaphore, #tpu.memory_space<semaphore_mem>>, %arg18: memref<!tpu.dma_semaphore, #tpu.memory_space<semaphore_mem>>, %arg19: memref<!tpu.dma_semaphore, #tpu.memory_space<semaphore_mem>>, %arg20: memref<!tpu.dma_semaphore, #tpu.memory_space<semaphore_mem>>) attributes {dimension_semantics = [#tpu.dimension_semantics<core_parallel>, #tpu.dimension_semantics<subcore_parallel>], iteration_bounds = array<i64: 2, 16>, scalar_prefetch = 0 : i64, scratch_operands = 13 : i64, tpu.core_type = #tpu.core_type<sc_vector_subcore>, window_params = [{transform_indices = #map}, {transform_indices = #map1}, {transform_indices = #map1}, {transform_indices = #map}, {transform_indices = #map}, {transform_indices = #map}]} {
    %mul3A = arith.constant 128 : i32
    %mul3A_0 = arith.muli %arg0, %mul3A : i32
    %lt3A = arith.constant 15 : i32
    %lt3A_1 = arith.cmpi slt, %arg1, %lt3A : i32
    %convert_element_type3A = arith.extui %lt3A_1 : i1 to i32
    %cond3A = arith.constant 0 : i32
    %cond3A_2 = arith.cmpi ne, %convert_element_type3A, %cond3A : i32
    scf.if %cond3A_2 {
      %mul3A_24 = arith.constant 640 : i32
      %mul3A_25 = arith.muli %arg1, %mul3A_24 : i32
      "tpu.region"() ({
        %run_scoped3A = tpu.sem_alloc : memref<!tpu.dma_semaphore, #tpu.memory_space<semaphore_mem>>
        %dma_start3A = arith.constant 0 : i32
        %dma_start3A_26 = tpu.memref_slice %arg14[%mul3A_25, %dma_start3A] : memref<10000x128xf32, #tpu.memory_space<vmem_shared>> -> memref<640x128xf32, #tpu.memory_space<vmem_shared>>
        tpu.enqueue_dma source(%arg5 : memref<640x128xf32, #tpu.memory_space<hbm>>) target(%dma_start3A_26 : memref<640x128xf32, #tpu.memory_space<vmem_shared>>) target_semaphore(%run_scoped3A : memref<!tpu.dma_semaphore, #tpu.memory_space<semaphore_mem>>)
        %dma_wait3A = arith.constant 0 : i32
        %dma_wait3A_27 = tpu.memref_slice %arg14[%mul3A_25, %dma_wait3A] : memref<10000x128xf32, #tpu.memory_space<vmem_shared>> -> memref<640x128xf32, #tpu.memory_space<vmem_shared>>
        tpu.wait_dma2 semaphore(%run_scoped3A : memref<!tpu.dma_semaphore, #tpu.memory_space<semaphore_mem>>) src(%arg5 : memref<640x128xf32, #tpu.memory_space<hbm>>) dst(%dma_wait3A_27 : memref<640x128xf32, #tpu.memory_space<vmem_shared>>)
        tpu.yield
      }) : () -> ()
    } else {
    }
    %eq3A = arith.constant 15 : i32
    %eq3A_3 = arith.cmpi eq, %arg1, %eq3A : i32
    %convert_element_type3A_4 = arith.extui %eq3A_3 : i1 to i32
    %cond3A_5 = arith.constant 0 : i32
    %cond3A_6 = arith.cmpi ne, %convert_element_type3A_4, %cond3A_5 : i32
    scf.if %cond3A_6 {
      "tpu.region"() ({
        %run_scoped3A = tpu.sem_alloc : memref<!tpu.dma_semaphore, #tpu.memory_space<semaphore_mem>>
        %dma_start3A = arith.constant 9600 : i32
        %dma_start3A_24 = arith.constant 0 : i32
        %dma_start3A_25 = tpu.memref_slice %arg14[%dma_start3A, %dma_start3A_24] : memref<10000x128xf32, #tpu.memory_space<vmem_shared>> -> memref<400x128xf32, #tpu.memory_space<vmem_shared>>
        %dma_start3A_26 = arith.constant 0 : i32
        %dma_start3A_27 = arith.constant 0 : i32
        %dma_start3A_28 = tpu.memref_slice %arg5[%dma_start3A_26, %dma_start3A_27] : memref<640x128xf32, #tpu.memory_space<hbm>> -> memref<400x128xf32, #tpu.memory_space<hbm>>
        tpu.enqueue_dma source(%dma_start3A_28 : memref<400x128xf32, #tpu.memory_space<hbm>>) target(%dma_start3A_25 : memref<400x128xf32, #tpu.memory_space<vmem_shared>>) target_semaphore(%run_scoped3A : memref<!tpu.dma_semaphore, #tpu.memory_space<semaphore_mem>>)
        %dma_wait3A = arith.constant 9600 : i32
        %dma_wait3A_29 = arith.constant 0 : i32
        %dma_wait3A_30 = tpu.memref_slice %arg14[%dma_wait3A, %dma_wait3A_29] : memref<10000x128xf32, #tpu.memory_space<vmem_shared>> -> memref<400x128xf32, #tpu.memory_space<vmem_shared>>
        %dma_wait3A_31 = arith.constant 0 : i32
        %dma_wait3A_32 = arith.constant 0 : i32
        %dma_wait3A_33 = tpu.memref_slice %arg5[%dma_wait3A_31, %dma_wait3A_32] : memref<640x128xf32, #tpu.memory_space<hbm>> -> memref<400x128xf32, #tpu.memory_space<hbm>>
        tpu.wait_dma2 semaphore(%run_scoped3A : memref<!tpu.dma_semaphore, #tpu.memory_space<semaphore_mem>>) src(%dma_wait3A_33 : memref<400x128xf32, #tpu.memory_space<hbm>>) dst(%dma_wait3A_30 : memref<400x128xf32, #tpu.memory_space<vmem_shared>>)
        tpu.yield
      }) : () -> ()
    } else {
    }
    %barrier3A = arith.constant 0 : index
    tpu.barrier barrier_id(%barrier3A)
    %scan3A = arith.constant 0 : i32
    %scan3A_7 = arith.constant 0 : i32
    %scan3A_8 = arith.constant 5 : i32
    %scan3A_9 = arith.addi %scan3A_7, %scan3A_8 : i32
    %scan3A_10 = arith.constant 1 : i32
    %scan3A_11 = scf.for %scan3A_24 = %scan3A_7 to %scan3A_9 step %scan3A_10 iter_args(%scan3A_25 = %scan3A) -> (i32)  : i32 {
      %mul3A_26 = arith.constant 10000 : i32
      %mul3A_27 = arith.muli %arg1, %mul3A_26 : i32
      %mul3A_28 = arith.constant 2000 : i32
      %mul3A_29 = arith.muli %scan3A_24, %mul3A_28 : i32
      %add3A = arith.addi %mul3A_27, %mul3A_29 : i32
      "tpu.region"() ({
        %run_scoped3A = tpu.sem_alloc : memref<!tpu.dma_semaphore, #tpu.memory_space<semaphore_mem>>
        %dma_start3A_56 = tpu.memref_slice %arg3[%add3A] : memref<160000xi32, #tpu.memory_space<hbm>> -> memref<2000xi32, #tpu.memory_space<hbm>>
        %dma_start3A_57 = tpu.memref_slice %arg3[%add3A] : memref<160000xi32, #tpu.memory_space<hbm>> -> memref<2000xi32, #tpu.memory_space<hbm>>
        tpu.enqueue_dma source(%dma_start3A_57 : memref<2000xi32, #tpu.memory_space<hbm>>) target(%arg8 : memref<2000xi32, #tpu.memory_space<vmem>>) target_semaphore(%run_scoped3A : memref<!tpu.dma_semaphore, #tpu.memory_space<semaphore_mem>>)
        %dma_wait3A_58 = tpu.memref_slice %arg3[%add3A] : memref<160000xi32, #tpu.memory_space<hbm>> -> memref<2000xi32, #tpu.memory_space<hbm>>
        %dma_wait3A_59 = tpu.memref_slice %arg3[%add3A] : memref<160000xi32, #tpu.memory_space<hbm>> -> memref<2000xi32, #tpu.memory_space<hbm>>
        tpu.wait_dma2 semaphore(%run_scoped3A : memref<!tpu.dma_semaphore, #tpu.memory_space<semaphore_mem>>) src(%dma_wait3A_59 : memref<2000xi32, #tpu.memory_space<hbm>>) dst(%arg8 : memref<2000xi32, #tpu.memory_space<vmem>>)
        tpu.yield
      }) : () -> ()
      "tpu.region"() ({
        %run_scoped3A = tpu.sem_alloc : memref<!tpu.dma_semaphore, #tpu.memory_space<semaphore_mem>>
        %dma_start3A_56 = tpu.memref_slice %arg4[%add3A] : memref<160000xi32, #tpu.memory_space<hbm>> -> memref<2000xi32, #tpu.memory_space<hbm>>
        %dma_start3A_57 = tpu.memref_slice %arg4[%add3A] : memref<160000xi32, #tpu.memory_space<hbm>> -> memref<2000xi32, #tpu.memory_space<hbm>>
        tpu.enqueue_dma source(%dma_start3A_57 : memref<2000xi32, #tpu.memory_space<hbm>>) target(%arg9 : memref<2000xi32, #tpu.memory_space<vmem>>) target_semaphore(%run_scoped3A : memref<!tpu.dma_semaphore, #tpu.memory_space<semaphore_mem>>)
        %dma_wait3A_58 = tpu.memref_slice %arg4[%add3A] : memref<160000xi32, #tpu.memory_space<hbm>> -> memref<2000xi32, #tpu.memory_space<hbm>>
        %dma_wait3A_59 = tpu.memref_slice %arg4[%add3A] : memref<160000xi32, #tpu.memory_space<hbm>> -> memref<2000xi32, #tpu.memory_space<hbm>>
        tpu.wait_dma2 semaphore(%run_scoped3A : memref<!tpu.dma_semaphore, #tpu.memory_space<semaphore_mem>>) src(%dma_wait3A_59 : memref<2000xi32, #tpu.memory_space<hbm>>) dst(%arg9 : memref<2000xi32, #tpu.memory_space<vmem>>)
        tpu.yield
      }) : () -> ()
      %dma_start3A = arith.constant 0 : i32
      %dma_start3A_30 = tpu.memref_slice %arg8[%dma_start3A] : memref<2000xi32, #tpu.memory_space<vmem>> -> memref<80xi32, #tpu.memory_space<vmem>>
      %dma_start3A_31 = arith.constant 0 : i32
      %dma_start3A_32 = tpu.memref_slice %arg2[%dma_start3A_31, %mul3A_0] : memref<10000x256xf32, #tpu.memory_space<hbm>> -> memref<10000x128xf32, #tpu.memory_space<hbm>>
      tpu.enqueue_indirect_dma source(%dma_start3A_32 : memref<10000x128xf32, #tpu.memory_space<hbm>>) target(%arg10 : memref<80x128xf32, #tpu.memory_space<vmem>>) offsets(%dma_start3A_30 : memref<80xi32, #tpu.memory_space<vmem>>) semaphore(%arg15 : memref<!tpu.dma_semaphore, #tpu.memory_space<semaphore_mem>>)
      %dma_start3A_33 = arith.constant 80 : i32
      %dma_start3A_34 = tpu.memref_slice %arg8[%dma_start3A_33] : memref<2000xi32, #tpu.memory_space<vmem>> -> memref<80xi32, #tpu.memory_space<vmem>>
      %dma_start3A_35 = arith.constant 0 : i32
      %dma_start3A_36 = tpu.memref_slice %arg2[%dma_start3A_35, %mul3A_0] : memref<10000x256xf32, #tpu.memory_space<hbm>> -> memref<10000x128xf32, #tpu.memory_space<hbm>>
      tpu.enqueue_indirect_dma source(%dma_start3A_36 : memref<10000x128xf32, #tpu.memory_space<hbm>>) target(%arg11 : memref<80x128xf32, #tpu.memory_space<vmem>>) offsets(%dma_start3A_34 : memref<80xi32, #tpu.memory_space<vmem>>) semaphore(%arg16 : memref<!tpu.dma_semaphore, #tpu.memory_space<semaphore_mem>>)
      %dma_start3A_37 = arith.constant 160 : i32
      %dma_start3A_38 = tpu.memref_slice %arg8[%dma_start3A_37] : memref<2000xi32, #tpu.memory_space<vmem>> -> memref<80xi32, #tpu.memory_space<vmem>>
      %dma_start3A_39 = arith.constant 0 : i32
      %dma_start3A_40 = tpu.memref_slice %arg2[%dma_start3A_39, %mul3A_0] : memref<10000x256xf32, #tpu.memory_space<hbm>> -> memref<10000x128xf32, #tpu.memory_space<hbm>>
      tpu.enqueue_indirect_dma source(%dma_start3A_40 : memref<10000x128xf32, #tpu.memory_space<hbm>>) target(%arg12 : memref<80x128xf32, #tpu.memory_space<vmem>>) offsets(%dma_start3A_38 : memref<80xi32, #tpu.memory_space<vmem>>) semaphore(%arg17 : memref<!tpu.dma_semaphore, #tpu.memory_space<semaphore_mem>>)
      %dma_start3A_41 = arith.constant 240 : i32
      %dma_start3A_42 = tpu.memref_slice %arg8[%dma_start3A_41] : memref<2000xi32, #tpu.memory_space<vmem>> -> memref<80xi32, #tpu.memory_space<vmem>>
      %dma_start3A_43 = arith.constant 0 : i32
      %dma_start3A_44 = tpu.memref_slice %arg2[%dma_start3A_43, %mul3A_0] : memref<10000x256xf32, #tpu.memory_space<hbm>> -> memref<10000x128xf32, #tpu.memory_space<hbm>>
      tpu.enqueue_indirect_dma source(%dma_start3A_44 : memref<10000x128xf32, #tpu.memory_space<hbm>>) target(%arg13 : memref<80x128xf32, #tpu.memory_space<vmem>>) offsets(%dma_start3A_42 : memref<80xi32, #tpu.memory_space<vmem>>) semaphore(%arg18 : memref<!tpu.dma_semaphore, #tpu.memory_space<semaphore_mem>>)
      %scan3A_45 = arith.constant 0 : i32
      %scan3A_46 = arith.constant 0 : i32
      %scan3A_47 = arith.constant 6 : i32
      %scan3A_48 = arith.addi %scan3A_46, %scan3A_47 : i32
      %scan3A_49 = arith.constant 1 : i32
      %scan3A_50 = scf.for %scan3A_56 = %scan3A_46 to %scan3A_48 step %scan3A_49 iter_args(%scan3A_57 = %scan3A_45) -> (i32)  : i32 {
        %mul3A_58 = arith.constant 4 : i32
        %mul3A_59 = arith.muli %scan3A_56, %mul3A_58 : i32
        %add3A_60 = arith.constant 0 : i32
        %add3A_61 = arith.addi %mul3A_59, %add3A_60 : i32
        %dma_wait3A_62 = arith.constant 0 : i32
        %dma_wait3A_63 = tpu.memref_slice %arg8[%dma_wait3A_62] : memref<2000xi32, #tpu.memory_space<vmem>> -> memref<80xi32, #tpu.memory_space<vmem>>
        %dma_wait3A_64 = arith.constant 0 : i32
        %dma_wait3A_65 = tpu.memref_slice %arg2[%dma_wait3A_64, %mul3A_0] : memref<10000x256xf32, #tpu.memory_space<hbm>> -> memref<10000x128xf32, #tpu.memory_space<hbm>>
        tpu.wait_indirect_dma semaphore(%arg15 : memref<!tpu.dma_semaphore, #tpu.memory_space<semaphore_mem>>) src(%dma_wait3A_65 : memref<10000x128xf32, #tpu.memory_space<hbm>>) dst(%arg10 : memref<80x128xf32, #tpu.memory_space<vmem>>)
        %mul3A_66 = arith.constant 80 : i32
        %mul3A_67 = arith.muli %add3A_61, %mul3A_66 : i32
        "tpu.region"() ({
          %run_scoped3A = tpu.sem_alloc : memref<!tpu.dma_semaphore, #tpu.memory_space<semaphore_mem>>
          %dma_start3A_127 = tpu.memref_slice %arg9[%mul3A_67] : memref<2000xi32, #tpu.memory_space<vmem>> -> memref<80xi32, #tpu.memory_space<vmem>>
          %dma_start3A_128 = arith.constant 0 : i32
          %dma_start3A_129 = arith.constant 0 : i32
          %dma_start3A_130 = tpu.memref_slice %arg14[%dma_start3A_128, %dma_start3A_129] : memref<10000x128xf32, #tpu.memory_space<vmem_shared>> -> memref<10000x128xf32, #tpu.memory_space<vmem_shared>>
          tpu.enqueue_indirect_dma source(%arg10 : memref<80x128xf32, #tpu.memory_space<vmem>>) target(%dma_start3A_130 : memref<10000x128xf32, #tpu.memory_space<vmem_shared>>) offsets(%dma_start3A_127 : memref<80xi32, #tpu.memory_space<vmem>>) semaphore(%run_scoped3A : memref<!tpu.dma_semaphore, #tpu.memory_space<semaphore_mem>>) {add = true}
          %dma_wait3A_131 = tpu.memref_slice %arg9[%mul3A_67] : memref<2000xi32, #tpu.memory_space<vmem>> -> memref<80xi32, #tpu.memory_space<vmem>>
          %dma_wait3A_132 = arith.constant 0 : i32
          %dma_wait3A_133 = arith.constant 0 : i32
          %dma_wait3A_134 = tpu.memref_slice %arg14[%dma_wait3A_132, %dma_wait3A_133] : memref<10000x128xf32, #tpu.memory_space<vmem_shared>> -> memref<10000x128xf32, #tpu.memory_space<vmem_shared>>
          tpu.wait_indirect_dma semaphore(%run_scoped3A : memref<!tpu.dma_semaphore, #tpu.memory_space<semaphore_mem>>) src(%arg10 : memref<80x128xf32, #tpu.memory_space<vmem>>) dst(%dma_wait3A_134 : memref<10000x128xf32, #tpu.memory_space<vmem_shared>>)
          tpu.yield
        }) : () -> ()
        %add3A_68 = arith.constant 4 : i32
        %add3A_69 = arith.addi %add3A_61, %add3A_68 : i32
        %lt3A_70 = arith.constant 25 : i32
        %lt3A_71 = arith.cmpi slt, %add3A_69, %lt3A_70 : i32
        %convert_element_type3A_72 = arith.extui %lt3A_71 : i1 to i32
        %cond3A_73 = arith.constant 0 : i32
        %cond3A_74 = arith.cmpi ne, %convert_element_type3A_72, %cond3A_73 : i32
        scf.if %cond3A_74 {
          %add3A_127 = arith.constant 4 : i32
          %add3A_128 = arith.addi %add3A_61, %add3A_127 : i32
          %mul3A_129 = arith.constant 80 : i32
          %mul3A_130 = arith.muli %add3A_128, %mul3A_129 : i32
          %dma_start3A_131 = tpu.memref_slice %arg8[%mul3A_130] : memref<2000xi32, #tpu.memory_space<vmem>> -> memref<80xi32, #tpu.memory_space<vmem>>
          %dma_start3A_132 = arith.constant 0 : i32
          %dma_start3A_133 = tpu.memref_slice %arg2[%dma_start3A_132, %mul3A_0] : memref<10000x256xf32, #tpu.memory_space<hbm>> -> memref<10000x128xf32, #tpu.memory_space<hbm>>
          tpu.enqueue_indirect_dma source(%dma_start3A_133 : memref<10000x128xf32, #tpu.memory_space<hbm>>) target(%arg10 : memref<80x128xf32, #tpu.memory_space<vmem>>) offsets(%dma_start3A_131 : memref<80xi32, #tpu.memory_space<vmem>>) semaphore(%arg15 : memref<!tpu.dma_semaphore, #tpu.memory_space<semaphore_mem>>)
        } else {
        }
        %mul3A_75 = arith.constant 4 : i32
        %mul3A_76 = arith.muli %scan3A_56, %mul3A_75 : i32
        %add3A_77 = arith.constant 1 : i32
        %add3A_78 = arith.addi %mul3A_76, %add3A_77 : i32
        %dma_wait3A_79 = arith.constant 0 : i32
        %dma_wait3A_80 = tpu.memref_slice %arg8[%dma_wait3A_79] : memref<2000xi32, #tpu.memory_space<vmem>> -> memref<80xi32, #tpu.memory_space<vmem>>
        %dma_wait3A_81 = arith.constant 0 : i32
        %dma_wait3A_82 = tpu.memref_slice %arg2[%dma_wait3A_81, %mul3A_0] : memref<10000x256xf32, #tpu.memory_space<hbm>> -> memref<10000x128xf32, #tpu.memory_space<hbm>>
        tpu.wait_indirect_dma semaphore(%arg16 : memref<!tpu.dma_semaphore, #tpu.memory_space<semaphore_mem>>) src(%dma_wait3A_82 : memref<10000x128xf32, #tpu.memory_space<hbm>>) dst(%arg11 : memref<80x128xf32, #tpu.memory_space<vmem>>)
        %mul3A_83 = arith.constant 80 : i32
        %mul3A_84 = arith.muli %add3A_78, %mul3A_83 : i32
        "tpu.region"() ({
          %run_scoped3A = tpu.sem_alloc : memref<!tpu.dma_semaphore, #tpu.memory_space<semaphore_mem>>
          %dma_start3A_127 = tpu.memref_slice %arg9[%mul3A_84] : memref<2000xi32, #tpu.memory_space<vmem>> -> memref<80xi32, #tpu.memory_space<vmem>>
          %dma_start3A_128 = arith.constant 0 : i32
          %dma_start3A_129 = arith.constant 0 : i32
          %dma_start3A_130 = tpu.memref_slice %arg14[%dma_start3A_128, %dma_start3A_129] : memref<10000x128xf32, #tpu.memory_space<vmem_shared>> -> memref<10000x128xf32, #tpu.memory_space<vmem_shared>>
          tpu.enqueue_indirect_dma source(%arg11 : memref<80x128xf32, #tpu.memory_space<vmem>>) target(%dma_start3A_130 : memref<10000x128xf32, #tpu.memory_space<vmem_shared>>) offsets(%dma_start3A_127 : memref<80xi32, #tpu.memory_space<vmem>>) semaphore(%run_scoped3A : memref<!tpu.dma_semaphore, #tpu.memory_space<semaphore_mem>>) {add = true}
          %dma_wait3A_131 = tpu.memref_slice %arg9[%mul3A_84] : memref<2000xi32, #tpu.memory_space<vmem>> -> memref<80xi32, #tpu.memory_space<vmem>>
          %dma_wait3A_132 = arith.constant 0 : i32
          %dma_wait3A_133 = arith.constant 0 : i32
          %dma_wait3A_134 = tpu.memref_slice %arg14[%dma_wait3A_132, %dma_wait3A_133] : memref<10000x128xf32, #tpu.memory_space<vmem_shared>> -> memref<10000x128xf32, #tpu.memory_space<vmem_shared>>
          tpu.wait_indirect_dma semaphore(%run_scoped3A : memref<!tpu.dma_semaphore, #tpu.memory_space<semaphore_mem>>) src(%arg11 : memref<80x128xf32, #tpu.memory_space<vmem>>) dst(%dma_wait3A_134 : memref<10000x128xf32, #tpu.memory_space<vmem_shared>>)
          tpu.yield
        }) : () -> ()
        %add3A_85 = arith.constant 4 : i32
        %add3A_86 = arith.addi %add3A_78, %add3A_85 : i32
        %lt3A_87 = arith.constant 25 : i32
        %lt3A_88 = arith.cmpi slt, %add3A_86, %lt3A_87 : i32
        %convert_element_type3A_89 = arith.extui %lt3A_88 : i1 to i32
        %cond3A_90 = arith.constant 0 : i32
        %cond3A_91 = arith.cmpi ne, %convert_element_type3A_89, %cond3A_90 : i32
        scf.if %cond3A_91 {
          %add3A_127 = arith.constant 4 : i32
          %add3A_128 = arith.addi %add3A_78, %add3A_127 : i32
          %mul3A_129 = arith.constant 80 : i32
          %mul3A_130 = arith.muli %add3A_128, %mul3A_129 : i32
          %dma_start3A_131 = tpu.memref_slice %arg8[%mul3A_130] : memref<2000xi32, #tpu.memory_space<vmem>> -> memref<80xi32, #tpu.memory_space<vmem>>
          %dma_start3A_132 = arith.constant 0 : i32
          %dma_start3A_133 = tpu.memref_slice %arg2[%dma_start3A_132, %mul3A_0] : memref<10000x256xf32, #tpu.memory_space<hbm>> -> memref<10000x128xf32, #tpu.memory_space<hbm>>
          tpu.enqueue_indirect_dma source(%dma_start3A_133 : memref<10000x128xf32, #tpu.memory_space<hbm>>) target(%arg11 : memref<80x128xf32, #tpu.memory_space<vmem>>) offsets(%dma_start3A_131 : memref<80xi32, #tpu.memory_space<vmem>>) semaphore(%arg16 : memref<!tpu.dma_semaphore, #tpu.memory_space<semaphore_mem>>)
        } else {
        }
        %mul3A_92 = arith.constant 4 : i32
        %mul3A_93 = arith.muli %scan3A_56, %mul3A_92 : i32
        %add3A_94 = arith.constant 2 : i32
        %add3A_95 = arith.addi %mul3A_93, %add3A_94 : i32
        %dma_wait3A_96 = arith.constant 0 : i32
        %dma_wait3A_97 = tpu.memref_slice %arg8[%dma_wait3A_96] : memref<2000xi32, #tpu.memory_space<vmem>> -> memref<80xi32, #tpu.memory_space<vmem>>
        %dma_wait3A_98 = arith.constant 0 : i32
        %dma_wait3A_99 = tpu.memref_slice %arg2[%dma_wait3A_98, %mul3A_0] : memref<10000x256xf32, #tpu.memory_space<hbm>> -> memref<10000x128xf32, #tpu.memory_space<hbm>>
        tpu.wait_indirect_dma semaphore(%arg17 : memref<!tpu.dma_semaphore, #tpu.memory_space<semaphore_mem>>) src(%dma_wait3A_99 : memref<10000x128xf32, #tpu.memory_space<hbm>>) dst(%arg12 : memref<80x128xf32, #tpu.memory_space<vmem>>)
        %mul3A_100 = arith.constant 80 : i32
        %mul3A_101 = arith.muli %add3A_95, %mul3A_100 : i32
        "tpu.region"() ({
          %run_scoped3A = tpu.sem_alloc : memref<!tpu.dma_semaphore, #tpu.memory_space<semaphore_mem>>
          %dma_start3A_127 = tpu.memref_slice %arg9[%mul3A_101] : memref<2000xi32, #tpu.memory_space<vmem>> -> memref<80xi32, #tpu.memory_space<vmem>>
          %dma_start3A_128 = arith.constant 0 : i32
          %dma_start3A_129 = arith.constant 0 : i32
          %dma_start3A_130 = tpu.memref_slice %arg14[%dma_start3A_128, %dma_start3A_129] : memref<10000x128xf32, #tpu.memory_space<vmem_shared>> -> memref<10000x128xf32, #tpu.memory_space<vmem_shared>>
          tpu.enqueue_indirect_dma source(%arg12 : memref<80x128xf32, #tpu.memory_space<vmem>>) target(%dma_start3A_130 : memref<10000x128xf32, #tpu.memory_space<vmem_shared>>) offsets(%dma_start3A_127 : memref<80xi32, #tpu.memory_space<vmem>>) semaphore(%run_scoped3A : memref<!tpu.dma_semaphore, #tpu.memory_space<semaphore_mem>>) {add = true}
          %dma_wait3A_131 = tpu.memref_slice %arg9[%mul3A_101] : memref<2000xi32, #tpu.memory_space<vmem>> -> memref<80xi32, #tpu.memory_space<vmem>>
          %dma_wait3A_132 = arith.constant 0 : i32
          %dma_wait3A_133 = arith.constant 0 : i32
          %dma_wait3A_134 = tpu.memref_slice %arg14[%dma_wait3A_132, %dma_wait3A_133] : memref<10000x128xf32, #tpu.memory_space<vmem_shared>> -> memref<10000x128xf32, #tpu.memory_space<vmem_shared>>
          tpu.wait_indirect_dma semaphore(%run_scoped3A : memref<!tpu.dma_semaphore, #tpu.memory_space<semaphore_mem>>) src(%arg12 : memref<80x128xf32, #tpu.memory_space<vmem>>) dst(%dma_wait3A_134 : memref<10000x128xf32, #tpu.memory_space<vmem_shared>>)
          tpu.yield
        }) : () -> ()
        %add3A_102 = arith.constant 4 : i32
        %add3A_103 = arith.addi %add3A_95, %add3A_102 : i32
        %lt3A_104 = arith.constant 25 : i32
        %lt3A_105 = arith.cmpi slt, %add3A_103, %lt3A_104 : i32
        %convert_element_type3A_106 = arith.extui %lt3A_105 : i1 to i32
        %cond3A_107 = arith.constant 0 : i32
        %cond3A_108 = arith.cmpi ne, %convert_element_type3A_106, %cond3A_107 : i32
        scf.if %cond3A_108 {
          %add3A_127 = arith.constant 4 : i32
          %add3A_128 = arith.addi %add3A_95, %add3A_127 : i32
          %mul3A_129 = arith.constant 80 : i32
          %mul3A_130 = arith.muli %add3A_128, %mul3A_129 : i32
          %dma_start3A_131 = tpu.memref_slice %arg8[%mul3A_130] : memref<2000xi32, #tpu.memory_space<vmem>> -> memref<80xi32, #tpu.memory_space<vmem>>
          %dma_start3A_132 = arith.constant 0 : i32
          %dma_start3A_133 = tpu.memref_slice %arg2[%dma_start3A_132, %mul3A_0] : memref<10000x256xf32, #tpu.memory_space<hbm>> -> memref<10000x128xf32, #tpu.memory_space<hbm>>
          tpu.enqueue_indirect_dma source(%dma_start3A_133 : memref<10000x128xf32, #tpu.memory_space<hbm>>) target(%arg12 : memref<80x128xf32, #tpu.memory_space<vmem>>) offsets(%dma_start3A_131 : memref<80xi32, #tpu.memory_space<vmem>>) semaphore(%arg17 : memref<!tpu.dma_semaphore, #tpu.memory_space<semaphore_mem>>)
        } else {
        }
        %mul3A_109 = arith.constant 4 : i32
        %mul3A_110 = arith.muli %scan3A_56, %mul3A_109 : i32
        %add3A_111 = arith.constant 3 : i32
        %add3A_112 = arith.addi %mul3A_110, %add3A_111 : i32
        %dma_wait3A_113 = arith.constant 0 : i32
        %dma_wait3A_114 = tpu.memref_slice %arg8[%dma_wait3A_113] : memref<2000xi32, #tpu.memory_space<vmem>> -> memref<80xi32, #tpu.memory_space<vmem>>
        %dma_wait3A_115 = arith.constant 0 : i32
        %dma_wait3A_116 = tpu.memref_slice %arg2[%dma_wait3A_115, %mul3A_0] : memref<10000x256xf32, #tpu.memory_space<hbm>> -> memref<10000x128xf32, #tpu.memory_space<hbm>>
        tpu.wait_indirect_dma semaphore(%arg18 : memref<!tpu.dma_semaphore, #tpu.memory_space<semaphore_mem>>) src(%dma_wait3A_116 : memref<10000x128xf32, #tpu.memory_space<hbm>>) dst(%arg13 : memref<80x128xf32, #tpu.memory_space<vmem>>)
        %mul3A_117 = arith.constant 80 : i32
        %mul3A_118 = arith.muli %add3A_112, %mul3A_117 : i32
        "tpu.region"() ({
          %run_scoped3A = tpu.sem_alloc : memref<!tpu.dma_semaphore, #tpu.memory_space<semaphore_mem>>
          %dma_start3A_127 = tpu.memref_slice %arg9[%mul3A_118] : memref<2000xi32, #tpu.memory_space<vmem>> -> memref<80xi32, #tpu.memory_space<vmem>>
          %dma_start3A_128 = arith.constant 0 : i32
          %dma_start3A_129 = arith.constant 0 : i32
          %dma_start3A_130 = tpu.memref_slice %arg14[%dma_start3A_128, %dma_start3A_129] : memref<10000x128xf32, #tpu.memory_space<vmem_shared>> -> memref<10000x128xf32, #tpu.memory_space<vmem_shared>>
          tpu.enqueue_indirect_dma source(%arg13 : memref<80x128xf32, #tpu.memory_space<vmem>>) target(%dma_start3A_130 : memref<10000x128xf32, #tpu.memory_space<vmem_shared>>) offsets(%dma_start3A_127 : memref<80xi32, #tpu.memory_space<vmem>>) semaphore(%run_scoped3A : memref<!tpu.dma_semaphore, #tpu.memory_space<semaphore_mem>>) {add = true}
          %dma_wait3A_131 = tpu.memref_slice %arg9[%mul3A_118] : memref<2000xi32, #tpu.memory_space<vmem>> -> memref<80xi32, #tpu.memory_space<vmem>>
          %dma_wait3A_132 = arith.constant 0 : i32
          %dma_wait3A_133 = arith.constant 0 : i32
          %dma_wait3A_134 = tpu.memref_slice %arg14[%dma_wait3A_132, %dma_wait3A_133] : memref<10000x128xf32, #tpu.memory_space<vmem_shared>> -> memref<10000x128xf32, #tpu.memory_space<vmem_shared>>
          tpu.wait_indirect_dma semaphore(%run_scoped3A : memref<!tpu.dma_semaphore, #tpu.memory_space<semaphore_mem>>) src(%arg13 : memref<80x128xf32, #tpu.memory_space<vmem>>) dst(%dma_wait3A_134 : memref<10000x128xf32, #tpu.memory_space<vmem_shared>>)
          tpu.yield
        }) : () -> ()
        %add3A_119 = arith.constant 4 : i32
        %add3A_120 = arith.addi %add3A_112, %add3A_119 : i32
        %lt3A_121 = arith.constant 25 : i32
        %lt3A_122 = arith.cmpi slt, %add3A_120, %lt3A_121 : i32
        %convert_element_type3A_123 = arith.extui %lt3A_122 : i1 to i32
        %cond3A_124 = arith.constant 0 : i32
        %cond3A_125 = arith.cmpi ne, %convert_element_type3A_123, %cond3A_124 : i32
        scf.if %cond3A_125 {
          %add3A_127 = arith.constant 4 : i32
          %add3A_128 = arith.addi %add3A_112, %add3A_127 : i32
          %mul3A_129 = arith.constant 80 : i32
          %mul3A_130 = arith.muli %add3A_128, %mul3A_129 : i32
          %dma_start3A_131 = tpu.memref_slice %arg8[%mul3A_130] : memref<2000xi32, #tpu.memory_space<vmem>> -> memref<80xi32, #tpu.memory_space<vmem>>
          %dma_start3A_132 = arith.constant 0 : i32
          %dma_start3A_133 = tpu.memref_slice %arg2[%dma_start3A_132, %mul3A_0] : memref<10000x256xf32, #tpu.memory_space<hbm>> -> memref<10000x128xf32, #tpu.memory_space<hbm>>
          tpu.enqueue_indirect_dma source(%dma_start3A_133 : memref<10000x128xf32, #tpu.memory_space<hbm>>) target(%arg13 : memref<80x128xf32, #tpu.memory_space<vmem>>) offsets(%dma_start3A_131 : memref<80xi32, #tpu.memory_space<vmem>>) semaphore(%arg18 : memref<!tpu.dma_semaphore, #tpu.memory_space<semaphore_mem>>)
        } else {
        }
        %scan3A_126 = arith.constant 0 : i32
        scf.yield %scan3A_126 : i32
      }
      %scan3A_51 = arith.constant 6 : i32
      %dma_wait3A = arith.constant 0 : i32
      %dma_wait3A_52 = tpu.memref_slice %arg8[%dma_wait3A] : memref<2000xi32, #tpu.memory_space<vmem>> -> memref<80xi32, #tpu.memory_space<vmem>>
      %dma_wait3A_53 = arith.constant 0 : i32
      %dma_wait3A_54 = tpu.memref_slice %arg2[%dma_wait3A_53, %mul3A_0] : memref<10000x256xf32, #tpu.memory_space<hbm>> -> memref<10000x128xf32, #tpu.memory_space<hbm>>
      tpu.wait_indirect_dma semaphore(%arg15 : memref<!tpu.dma_semaphore, #tpu.memory_space<semaphore_mem>>) src(%dma_wait3A_54 : memref<10000x128xf32, #tpu.memory_space<hbm>>) dst(%arg10 : memref<80x128xf32, #tpu.memory_space<vmem>>)
      "tpu.region"() ({
        %run_scoped3A = tpu.sem_alloc : memref<!tpu.dma_semaphore, #tpu.memory_space<semaphore_mem>>
        %dma_start3A_56 = arith.constant 1920 : i32
        %dma_start3A_57 = tpu.memref_slice %arg9[%dma_start3A_56] : memref<2000xi32, #tpu.memory_space<vmem>> -> memref<80xi32, #tpu.memory_space<vmem>>
        %dma_start3A_58 = arith.constant 0 : i32
        %dma_start3A_59 = arith.constant 0 : i32
        %dma_start3A_60 = tpu.memref_slice %arg14[%dma_start3A_58, %dma_start3A_59] : memref<10000x128xf32, #tpu.memory_space<vmem_shared>> -> memref<10000x128xf32, #tpu.memory_space<vmem_shared>>
        tpu.enqueue_indirect_dma source(%arg10 : memref<80x128xf32, #tpu.memory_space<vmem>>) target(%dma_start3A_60 : memref<10000x128xf32, #tpu.memory_space<vmem_shared>>) offsets(%dma_start3A_57 : memref<80xi32, #tpu.memory_space<vmem>>) semaphore(%run_scoped3A : memref<!tpu.dma_semaphore, #tpu.memory_space<semaphore_mem>>) {add = true}
        %dma_wait3A_61 = arith.constant 1920 : i32
        %dma_wait3A_62 = tpu.memref_slice %arg9[%dma_wait3A_61] : memref<2000xi32, #tpu.memory_space<vmem>> -> memref<80xi32, #tpu.memory_space<vmem>>
        %dma_wait3A_63 = arith.constant 0 : i32
        %dma_wait3A_64 = arith.constant 0 : i32
        %dma_wait3A_65 = tpu.memref_slice %arg14[%dma_wait3A_63, %dma_wait3A_64] : memref<10000x128xf32, #tpu.memory_space<vmem_shared>> -> memref<10000x128xf32, #tpu.memory_space<vmem_shared>>
        tpu.wait_indirect_dma semaphore(%run_scoped3A : memref<!tpu.dma_semaphore, #tpu.memory_space<semaphore_mem>>) src(%arg10 : memref<80x128xf32, #tpu.memory_space<vmem>>) dst(%dma_wait3A_65 : memref<10000x128xf32, #tpu.memory_space<vmem_shared>>)
        tpu.yield
      }) : () -> ()
      %scan3A_55 = arith.constant 0 : i32
      scf.yield %scan3A_55 : i32
    }
    %scan3A_12 = arith.constant 5 : i32
    %barrier3A_13 = arith.constant 0 : index
    tpu.barrier barrier_id(%barrier3A_13)
    %eq3A_14 = arith.constant 0 : i32
    %eq3A_15 = arith.cmpi eq, %arg0, %eq3A_14 : i32
    %convert_element_type3A_16 = arith.extui %eq3A_15 : i1 to i32
    %cond3A_17 = arith.constant 0 : i32
    %cond3A_18 = arith.cmpi ne, %convert_element_type3A_16, %cond3A_17 : i32
    scf.if %cond3A_18 {
      %lt3A_24 = arith.constant 15 : i32
      %lt3A_25 = arith.cmpi slt, %arg1, %lt3A_24 : i32
      %convert_element_type3A_26 = arith.extui %lt3A_25 : i1 to i32
      %cond3A_27 = arith.constant 0 : i32
      %cond3A_28 = arith.cmpi ne, %convert_element_type3A_26, %cond3A_27 : i32
      scf.if %cond3A_28 {
        %mul3A_34 = arith.constant 640 : i32
        %mul3A_35 = arith.muli %arg1, %mul3A_34 : i32
        "tpu.region"() ({
          %run_scoped3A = tpu.sem_alloc : memref<!tpu.dma_semaphore, #tpu.memory_space<semaphore_mem>>
          %dma_start3A = arith.constant 0 : i32
          %dma_start3A_36 = tpu.memref_slice %arg6[%mul3A_35, %dma_start3A] : memref<10000x128xf32, #tpu.memory_space<hbm>> -> memref<640x128xf32, #tpu.memory_space<hbm>>
          %dma_start3A_37 = arith.constant 0 : i32
          %dma_start3A_38 = tpu.memref_slice %arg14[%mul3A_35, %dma_start3A_37] : memref<10000x128xf32, #tpu.memory_space<vmem_shared>> -> memref<640x128xf32, #tpu.memory_space<vmem_shared>>
          tpu.enqueue_dma source(%dma_start3A_38 : memref<640x128xf32, #tpu.memory_space<vmem_shared>>) target(%dma_start3A_36 : memref<640x128xf32, #tpu.memory_space<hbm>>) target_semaphore(%run_scoped3A : memref<!tpu.dma_semaphore, #tpu.memory_space<semaphore_mem>>)
          %dma_wait3A = arith.constant 0 : i32
          %dma_wait3A_39 = tpu.memref_slice %arg6[%mul3A_35, %dma_wait3A] : memref<10000x128xf32, #tpu.memory_space<hbm>> -> memref<640x128xf32, #tpu.memory_space<hbm>>
          %dma_wait3A_40 = arith.constant 0 : i32
          %dma_wait3A_41 = tpu.memref_slice %arg14[%mul3A_35, %dma_wait3A_40] : memref<10000x128xf32, #tpu.memory_space<vmem_shared>> -> memref<640x128xf32, #tpu.memory_space<vmem_shared>>
          tpu.wait_dma2 semaphore(%run_scoped3A : memref<!tpu.dma_semaphore, #tpu.memory_space<semaphore_mem>>) src(%dma_wait3A_41 : memref<640x128xf32, #tpu.memory_space<vmem_shared>>) dst(%dma_wait3A_39 : memref<640x128xf32, #tpu.memory_space<hbm>>)
          tpu.yield
        }) : () -> ()
      } else {
      }
      %eq3A_29 = arith.constant 15 : i32
      %eq3A_30 = arith.cmpi eq, %arg1, %eq3A_29 : i32
      %convert_element_type3A_31 = arith.extui %eq3A_30 : i1 to i32
      %cond3A_32 = arith.constant 0 : i32
      %cond3A_33 = arith.cmpi ne, %convert_element_type3A_31, %cond3A_32 : i32
      scf.if %cond3A_33 {
        "tpu.region"() ({
          %run_scoped3A = tpu.sem_alloc : memref<!tpu.dma_semaphore, #tpu.memory_space<semaphore_mem>>
          %dma_start3A = arith.constant 9600 : i32
          %dma_start3A_34 = arith.constant 0 : i32
          %dma_start3A_35 = tpu.memref_slice %arg6[%dma_start3A, %dma_start3A_34] : memref<10000x128xf32, #tpu.memory_space<hbm>> -> memref<400x128xf32, #tpu.memory_space<hbm>>
          %dma_start3A_36 = arith.constant 9600 : i32
          %dma_start3A_37 = arith.constant 0 : i32
          %dma_start3A_38 = tpu.memref_slice %arg14[%dma_start3A_36, %dma_start3A_37] : memref<10000x128xf32, #tpu.memory_space<vmem_shared>> -> memref<400x128xf32, #tpu.memory_space<vmem_shared>>
          tpu.enqueue_dma source(%dma_start3A_38 : memref<400x128xf32, #tpu.memory_space<vmem_shared>>) target(%dma_start3A_35 : memref<400x128xf32, #tpu.memory_space<hbm>>) target_semaphore(%run_scoped3A : memref<!tpu.dma_semaphore, #tpu.memory_space<semaphore_mem>>)
          %dma_wait3A = arith.constant 9600 : i32
          %dma_wait3A_39 = arith.constant 0 : i32
          %dma_wait3A_40 = tpu.memref_slice %arg6[%dma_wait3A, %dma_wait3A_39] : memref<10000x128xf32, #tpu.memory_space<hbm>> -> memref<400x128xf32, #tpu.memory_space<hbm>>
          %dma_wait3A_41 = arith.constant 9600 : i32
          %dma_wait3A_42 = arith.constant 0 : i32
          %dma_wait3A_43 = tpu.memref_slice %arg14[%dma_wait3A_41, %dma_wait3A_42] : memref<10000x128xf32, #tpu.memory_space<vmem_shared>> -> memref<400x128xf32, #tpu.memory_space<vmem_shared>>
          tpu.wait_dma2 semaphore(%run_scoped3A : memref<!tpu.dma_semaphore, #tpu.memory_space<semaphore_mem>>) src(%dma_wait3A_43 : memref<400x128xf32, #tpu.memory_space<vmem_shared>>) dst(%dma_wait3A_40 : memref<400x128xf32, #tpu.memory_space<hbm>>)
          tpu.yield
        }) : () -> ()
      } else {
      }
    } else {
    }
    %eq3A_19 = arith.constant 1 : i32
    %eq3A_20 = arith.cmpi eq, %arg0, %eq3A_19 : i32
    %convert_element_type3A_21 = arith.extui %eq3A_20 : i1 to i32
    %cond3A_22 = arith.constant 0 : i32
    %cond3A_23 = arith.cmpi ne, %convert_element_type3A_21, %cond3A_22 : i32
    scf.if %cond3A_23 {
      %lt3A_24 = arith.constant 15 : i32
      %lt3A_25 = arith.cmpi slt, %arg1, %lt3A_24 : i32
      %convert_element_type3A_26 = arith.extui %lt3A_25 : i1 to i32
      %cond3A_27 = arith.constant 0 : i32
      %cond3A_28 = arith.cmpi ne, %convert_element_type3A_26, %cond3A_27 : i32
      scf.if %cond3A_28 {
        %mul3A_34 = arith.constant 640 : i32
        %mul3A_35 = arith.muli %arg1, %mul3A_34 : i32
        "tpu.region"() ({
          %run_scoped3A = tpu.sem_alloc : memref<!tpu.dma_semaphore, #tpu.memory_space<semaphore_mem>>
          %dma_start3A = arith.constant 0 : i32
          %dma_start3A_36 = tpu.memref_slice %arg7[%mul3A_35, %dma_start3A] : memref<10000x128xf32, #tpu.memory_space<hbm>> -> memref<640x128xf32, #tpu.memory_space<hbm>>
          %dma_start3A_37 = arith.constant 0 : i32
          %dma_start3A_38 = tpu.memref_slice %arg14[%mul3A_35, %dma_start3A_37] : memref<10000x128xf32, #tpu.memory_space<vmem_shared>> -> memref<640x128xf32, #tpu.memory_space<vmem_shared>>
          tpu.enqueue_dma source(%dma_start3A_38 : memref<640x128xf32, #tpu.memory_space<vmem_shared>>) target(%dma_start3A_36 : memref<640x128xf32, #tpu.memory_space<hbm>>) target_semaphore(%run_scoped3A : memref<!tpu.dma_semaphore, #tpu.memory_space<semaphore_mem>>)
          %dma_wait3A = arith.constant 0 : i32
          %dma_wait3A_39 = tpu.memref_slice %arg7[%mul3A_35, %dma_wait3A] : memref<10000x128xf32, #tpu.memory_space<hbm>> -> memref<640x128xf32, #tpu.memory_space<hbm>>
          %dma_wait3A_40 = arith.constant 0 : i32
          %dma_wait3A_41 = tpu.memref_slice %arg14[%mul3A_35, %dma_wait3A_40] : memref<10000x128xf32, #tpu.memory_space<vmem_shared>> -> memref<640x128xf32, #tpu.memory_space<vmem_shared>>
          tpu.wait_dma2 semaphore(%run_scoped3A : memref<!tpu.dma_semaphore, #tpu.memory_space<semaphore_mem>>) src(%dma_wait3A_41 : memref<640x128xf32, #tpu.memory_space<vmem_shared>>) dst(%dma_wait3A_39 : memref<640x128xf32, #tpu.memory_space<hbm>>)
          tpu.yield
        }) : () -> ()
      } else {
      }
      %eq3A_29 = arith.constant 15 : i32
      %eq3A_30 = arith.cmpi eq, %arg1, %eq3A_29 : i32
      %convert_element_type3A_31 = arith.extui %eq3A_30 : i1 to i32
      %cond3A_32 = arith.constant 0 : i32
      %cond3A_33 = arith.cmpi ne, %convert_element_type3A_31, %cond3A_32 : i32
      scf.if %cond3A_33 {
        "tpu.region"() ({
          %run_scoped3A = tpu.sem_alloc : memref<!tpu.dma_semaphore, #tpu.memory_space<semaphore_mem>>
          %dma_start3A = arith.constant 9600 : i32
          %dma_start3A_34 = arith.constant 0 : i32
          %dma_start3A_35 = tpu.memref_slice %arg7[%dma_start3A, %dma_start3A_34] : memref<10000x128xf32, #tpu.memory_space<hbm>> -> memref<400x128xf32, #tpu.memory_space<hbm>>
          %dma_start3A_36 = arith.constant 9600 : i32
          %dma_start3A_37 = arith.constant 0 : i32
          %dma_start3A_38 = tpu.memref_slice %arg14[%dma_start3A_36, %dma_start3A_37] : memref<10000x128xf32, #tpu.memory_space<vmem_shared>> -> memref<400x128xf32, #tpu.memory_space<vmem_shared>>
          tpu.enqueue_dma source(%dma_start3A_38 : memref<400x128xf32, #tpu.memory_space<vmem_shared>>) target(%dma_start3A_35 : memref<400x128xf32, #tpu.memory_space<hbm>>) target_semaphore(%run_scoped3A : memref<!tpu.dma_semaphore, #tpu.memory_space<semaphore_mem>>)
          %dma_wait3A = arith.constant 9600 : i32
          %dma_wait3A_39 = arith.constant 0 : i32
          %dma_wait3A_40 = tpu.memref_slice %arg7[%dma_wait3A, %dma_wait3A_39] : memref<10000x128xf32, #tpu.memory_space<hbm>> -> memref<400x128xf32, #tpu.memory_space<hbm>>
          %dma_wait3A_41 = arith.constant 9600 : i32
          %dma_wait3A_42 = arith.constant 0 : i32
          %dma_wait3A_43 = tpu.memref_slice %arg14[%dma_wait3A_41, %dma_wait3A_42] : memref<10000x128xf32, #tpu.memory_space<vmem_shared>> -> memref<400x128xf32, #tpu.memory_space<vmem_shared>>
          tpu.wait_dma2 semaphore(%run_scoped3A : memref<!tpu.dma_semaphore, #tpu.memory_space<semaphore_mem>>) src(%dma_wait3A_43 : memref<400x128xf32, #tpu.memory_space<vmem_shared>>) dst(%dma_wait3A_40 : memref<400x128xf32, #tpu.memory_space<hbm>>)
          tpu.yield
        }) : () -> ()
      } else {
      }
    } else {
    }
    return
  }
}

module attributes {stable_mosaic.version = 14 : i64} {
  func.func @_tc_body(%arg0: memref<10000x256xf32, #tpu.memory_space<vmem>>, %arg1: memref<10000x128xf32, #tpu.memory_space<vmem>>, %arg2: memref<10000x128xf32, #tpu.memory_space<vmem>>, %arg3: memref<256x256xf32, #tpu.memory_space<vmem>>, %arg4: memref<256x256xf32, #tpu.memory_space<vmem>>, %arg5: memref<1x256xf32, #tpu.memory_space<vmem>>, %arg6: memref<1x256xf32, #tpu.memory_space<vmem>>, %arg7: memref<10000x256xf32, #tpu.memory_space<vmem>>) attributes {dimension_semantics = [], scalar_prefetch = 0 : i64, scratch_operands = 0 : i64, tpu.core_type = #tpu.core_type<tc>} {
    %get3A = arith.constant 0 : index
    %get3A_0 = arith.constant 0 : index
    %get3A_1 = vector.load %arg0[%get3A, %get3A_0] : memref<10000x256xf32, #tpu.memory_space<vmem>>, vector<10000x256xf32>
    %get3A_2 = arith.constant 0 : index
    %get3A_3 = arith.constant 0 : index
    %get3A_4 = vector.load %arg4[%get3A_2, %get3A_3] : memref<256x256xf32, #tpu.memory_space<vmem>>, vector<256x256xf32>
    %dot_general3A = arith.constant dense<0.000000e+00> : vector<10000x256xf32>
    %dot_general3A_5 = tpu.matmul %get3A_1, %get3A_4, %dot_general3A {dimension_numbers = #tpu.dot_dimension_numbers<[1], [1], [0], [0], [0, 0, 1, 0], [], []>, transpose_lhs_hint = false} : vector<10000x256xf32>, vector<256x256xf32>, vector<10000x256xf32> -> vector<10000x256xf32>
    %get3A_6 = arith.constant 0 : index
    %get3A_7 = arith.constant 0 : index
    %get3A_8 = vector.load %arg1[%get3A_6, %get3A_7] : memref<10000x128xf32, #tpu.memory_space<vmem>>, vector<10000x128xf32>
    %get3A_9 = arith.constant 0 : index
    %get3A_10 = arith.constant 0 : index
    %get3A_11 = vector.load %arg3[%get3A_9, %get3A_10] : memref<256x256xf32, #tpu.memory_space<vmem>>, vector<256x128xf32>
    %dot_general3A_12 = arith.constant dense<0.000000e+00> : vector<10000x256xf32>
    %dot_general3A_13 = tpu.matmul %get3A_8, %get3A_11, %dot_general3A_12 {dimension_numbers = #tpu.dot_dimension_numbers<[1], [1], [0], [0], [0, 0, 1, 0], [], []>, transpose_lhs_hint = false} : vector<10000x128xf32>, vector<256x128xf32>, vector<10000x256xf32> -> vector<10000x256xf32>
    %add3A = arith.addf %dot_general3A_5, %dot_general3A_13 : vector<10000x256xf32>
    %get3A_14 = arith.constant 0 : index
    %get3A_15 = arith.constant 0 : index
    %get3A_16 = vector.load %arg2[%get3A_14, %get3A_15] : memref<10000x128xf32, #tpu.memory_space<vmem>>, vector<10000x128xf32>
    %get3A_17 = arith.constant 0 : index
    %get3A_18 = arith.constant 128 : index
    %get3A_19 = vector.load %arg3[%get3A_17, %get3A_18] : memref<256x256xf32, #tpu.memory_space<vmem>>, vector<256x128xf32>
    %dot_general3A_20 = arith.constant dense<0.000000e+00> : vector<10000x256xf32>
    %dot_general3A_21 = tpu.matmul %get3A_16, %get3A_19, %dot_general3A_20 {dimension_numbers = #tpu.dot_dimension_numbers<[1], [1], [0], [0], [0, 0, 1, 0], [], []>, transpose_lhs_hint = false} : vector<10000x128xf32>, vector<256x128xf32>, vector<10000x256xf32> -> vector<10000x256xf32>
    %add3A_22 = arith.addf %add3A, %dot_general3A_21 : vector<10000x256xf32>
    %reduce_sum3A = arith.constant dense<0.000000e+00> : vector<256xf32>
    %reduce_sum3A_23 = vector.multi_reduction <add>, %add3A_22, %reduce_sum3A [0] : vector<10000x256xf32> to vector<256xf32>
    %div3A = arith.constant 1.000000e+04 : f32
    %div3A_24 = vector.broadcast %div3A : f32 to vector<256xf32>
    %div3A_25 = arith.divf %reduce_sum3A_23, %div3A_24 : vector<256xf32>
    %mul3A = arith.mulf %add3A_22, %add3A_22 : vector<10000x256xf32>
    %reduce_sum3A_26 = arith.constant dense<0.000000e+00> : vector<256xf32>
    %reduce_sum3A_27 = vector.multi_reduction <add>, %mul3A, %reduce_sum3A_26 [0] : vector<10000x256xf32> to vector<256xf32>
    %div3A_28 = arith.constant 1.000000e+04 : f32
    %div3A_29 = vector.broadcast %div3A_28 : f32 to vector<256xf32>
    %div3A_30 = arith.divf %reduce_sum3A_27, %div3A_29 : vector<256xf32>
    %mul3A_31 = arith.mulf %div3A_25, %div3A_25 : vector<256xf32>
    %sub3A = arith.subf %div3A_30, %mul3A_31 : vector<256xf32>
    %get3A_32 = arith.constant 0 : index
    %get3A_33 = arith.constant 0 : index
    %get3A_34 = vector.load %arg5[%get3A_32, %get3A_33] : memref<1x256xf32, #tpu.memory_space<vmem>>, vector<1x256xf32>
    %get3A_35 = vector.shape_cast %get3A_34 : vector<1x256xf32> to vector<256xf32>
    %add3A_36 = arith.constant 9.99999974E-6 : f32
    %add3A_37 = vector.broadcast %add3A_36 : f32 to vector<256xf32>
    %add3A_38 = arith.addf %sub3A, %add3A_37 : vector<256xf32>
    %rsqrt3A = math.rsqrt %add3A_38 : vector<256xf32>
    %mul3A_39 = arith.mulf %get3A_35, %rsqrt3A : vector<256xf32>
    %get3A_40 = arith.constant 0 : index
    %get3A_41 = arith.constant 0 : index
    %get3A_42 = vector.load %arg6[%get3A_40, %get3A_41] : memref<1x256xf32, #tpu.memory_space<vmem>>, vector<1x256xf32>
    %get3A_43 = vector.shape_cast %get3A_42 : vector<1x256xf32> to vector<256xf32>
    %mul3A_44 = arith.mulf %div3A_25, %mul3A_39 : vector<256xf32>
    %sub3A_45 = arith.subf %get3A_43, %mul3A_44 : vector<256xf32>
    %broadcast_in_dim3A = vector.shape_cast %mul3A_39 : vector<256xf32> to vector<1x256xf32>
    %mul3A_46 = vector.broadcast %broadcast_in_dim3A : vector<1x256xf32> to vector<10000x256xf32>
    %mul3A_47 = arith.mulf %add3A_22, %mul3A_46 : vector<10000x256xf32>
    %broadcast_in_dim3A_48 = vector.shape_cast %sub3A_45 : vector<256xf32> to vector<1x256xf32>
    %add3A_49 = vector.broadcast %broadcast_in_dim3A_48 : vector<1x256xf32> to vector<10000x256xf32>
    %add3A_50 = arith.addf %mul3A_47, %add3A_49 : vector<10000x256xf32>
    %ge3A = arith.constant 0.000000e+00 : f32
    %ge3A_51 = vector.broadcast %ge3A : f32 to vector<10000x256xf32>
    %ge3A_52 = arith.cmpf oge, %add3A_50, %ge3A_51 : vector<10000x256xf32>
    %mul3A_53 = arith.constant 1.000000e-01 : f32
    %mul3A_54 = vector.broadcast %mul3A_53 : f32 to vector<10000x256xf32>
    %mul3A_55 = arith.mulf %mul3A_54, %add3A_50 : vector<10000x256xf32>
    %select_n3A = arith.select %ge3A_52, %add3A_50, %mul3A_55 : vector<10000x256xi1>, vector<10000x256xf32>
    %swap3A = arith.constant 0 : index
    %swap3A_56 = arith.constant 0 : index
    %swap3A_57 = vector.load %arg7[%swap3A, %swap3A_56] : memref<10000x256xf32, #tpu.memory_space<vmem>>, vector<10000x256xf32>
    tpu.vector_store %arg7[%swap3A, %swap3A_56], %select_n3A {strides = array<i32>} : memref<10000x256xf32, #tpu.memory_space<vmem>>, vector<10000x256xf32>,
    return
  }
}

</mosaic_0001>

<sc_bundles>
// kernel: kernel.4.cloned.1.call-start
scs
__scs_entry_jumppad:
0x0: {  	(pc) =	sbr.rel $0x88, $3  }
0x1: {  	(tag) =	ssettag $0x0;
	lr =	simm.s32 $0x1  }
0x2: {  	[smem:$0x3F9B] =	sst lr;
	_ =	strace $0xD0000000  }
0x3: {  	_ = 	snop  }
0x4: {  	_ = 	snop  }
0x5: {  	_ = 	snop  }
0x6: {  	_ = 	snop  }
0x7: {  	_ = 	snop  }
__scs_overlays_trampoline_lowered:
0x8: {  	[smem:$0x3FAA] =	sst s0  }
0x9: {  	[smem:$0x3FAB] =	sst s1  }
0xa: {  	[smem:$0x3FAC] =	sst s2  }
0xb: {  	[smem:$0x3FAD] =	sst s3  }
0xc: {  	[smem:$0x3FAE] =	sst s4  }
0xd: {  	[smem:$0x3FAF] =	sst s5  }
0xe: {  	[smem:$0x3FB0] =	sst s6  }
0xf: {  	[smem:$0x3FB1] =	sst s7  }
0x10: {  	[smem:$0x3FB2] =	sst s8  }
0x11: {  	[smem:$0x3FB3] =	sst s9;
	s0 =	simm.s32 @!p0 $0x0  }
0x12: {  	s1 =	sld [smem:$0x3F99];
	s0 =	simm.s32 @p0 $0x1  }
0x13: {  	[smem:$0x3FB4] =	sst s0;
	s0 =	simm.s32 @!p1 $0x0  }
0x14: {  	s2 =	sld [smem:$0x3F98];
	s0 =	simm.s32 @p1 $0x1  }
0x15: {  	[smem:$0x3FB5] =	sst s0;
	s0 =	simm.s32 @!p2 $0x0  }
0x16: {  	s3 =	sld [smem:$0x3FDB];
	s0 =	simm.s32 @p2 $0x1  }
0x17: {  	s4 =	simm.s32 $0x1BF5;
	[smem:$0x3FB7] =	sst s0  }
0x18: {  	s0 =	sld [smem:$0x3F9A];
	_ =	swait.ge [sflag:s4], $0x0  }
0x19: {  	s7 =	sld [smem:$0x3F9B]  }
0x1a: {  	s8 =	sadd.s32 $0xFFFFE003, lr  }
0x1b: {  	s9 =	sadd.s32 $0xFFFFFEF7, lr;
	s5 =	simm.s32 $0xFFFFFFFF;
	p2 =	slt.u32 s8, $0xFFFFF086  }
0x1c: {  	p1 =	slt.u32 s9, $0xF7A;
	s5 =	simm.s32 @!p2 $0x0  }
0x1d: {  	s5 =	simm.s32 @p1 $0x1;
	p0 =	seq.s32 s7, s2  }
0x1e: {  	s7 =	smul.u32 @!p0 $0xF7A, s2;
	p2 =	seq.s32 @!p0 s5, $0x0  }
0x1f: {  	s9 =	smul.u32 $0xF7A, s1;
	s8 =	simm.s32 @!p0 $0x1BF5;
	p2 =	por !p2, p0  }
0x20: {  	[sflag:s8] =	ssyncset.s32 @!p0 $0xFFFFF086;
	s6 =	sadd.s32 @!p0 s3, s7;
	s7 =	simm.s32 @!p0 $0x108  }
0x21: {  	s3 =	sadd.s32 s3, s9;
	s6 =	sadd.s32 @!p0 $0x88, s6;
	s7 =	simm.s32 @p2 $0x1082  }
0x22: {  	[simem:s7], [sflag:s8] =	dma.local @!p0 [hbm:s6], $0xF7A  }
0x23: {  	s9 =	sor.u32 $0xD0000000, s2;
	s6 =	simm.s32 $0x108;
	_ =	swait.ge @!p0 [sflag:s8], $0x0  }
0x24: {  	s3 =	sadd.s32 $0x88, s3;
	s6 =	simm.s32 @!p1 $0x1082;
	[sflag:s4] =	ssyncset.s32 $0xFFFFF086  }
0x25: {  	[simem:s6], [sflag:s4] =	dma.local [hbm:s3], $0xF7A  }
0x26: {  	[smem:$0x3F9B] =	sst s1;
	(tag) =	ssettag s2;
	_ =	strace s9  }
0x27: {  	s1 =	sld [smem:$0x3FAB]  }
0x28: {  	s2 =	sld [smem:$0x3FAC]  }
0x29: {  	s4 =	sld [smem:$0x3FAE]  }
0x2a: {  	p0 =	seq.s32 s5, $0x0;
	s5 =	sld [smem:$0x3FAF]  }
0x2b: {  	s6 =	sld [smem:$0x3FB0]  }
0x2c: {  	s7 =	sld [smem:$0x3FB1]  }
0x2d: {  	s3 =	simm.s32 $0x108;
	s8 =	sld [smem:$0x3FB2]  }
0x2e: {  	s3 =	simm.s32 @!p0 $0x1082;
	s9 =	sld [smem:$0x3FB3]  }
0x2f: {  	lr =	sadd.s32 s0, s3;
	s0 =	sld [smem:$0x3FAA]  }
0x30: {  	s3 =	sld [smem:$0x3FAD]  }
0x31: {  	[smem:$0x3FB6] =	sst s10  }
0x32: {  	s10 =	sld [smem:$0x3FB4];
	_ =	sdelay $0x3  }
0x33: {  	p0 =	seq.s32 s10, $0x1;
	s10 =	sld [smem:$0x3FB6];
	_ =	sdelay $0x3  }
0x34: {  	[smem:$0x3FB6] =	sst s10  }
0x35: {  	s10 =	sld [smem:$0x3FB5];
	_ =	sdelay $0x3  }
0x36: {  	p1 =	seq.s32 s10, $0x1;
	s10 =	sld [smem:$0x3FB6];
	_ =	sdelay $0x3  }
0x37: {  	[smem:$0x3FB6] =	sst s10  }
0x38: {  	s10 =	sld [smem:$0x3FB7]  }
0x39: {  	_ = 	snop;
	(pc) =	sbr.ind lr, $3  }
0x3a: {  	_ = 	snop  }
0x3b: {  	_ = 	snop  }
0x3c: {  	p2 =	seq.s32 s10, $0x1;
	s10 =	sld [smem:$0x3FB6]  }
0x3d: {  	_ =	shalt  }
0x3e: {  	_ =	shalt  }
0x3f: {  	_ =	shalt  }
0x40: {  	_ =	shalt  }
0x41: {  	_ =	shalt  }
0x42: {  	_ =	shalt  }
0x43: {  	_ =	shalt  }
0x44: {  	_ =	shalt  }
0x45: {  	_ =	shalt  }
0x46: {  	_ =	shalt  }
0x47: {  	_ =	shalt  }
0x48: {  	_ =	shalt  }
0x49: {  	_ =	shalt  }
0x4a: {  	_ =	shalt  }
0x4b: {  	_ =	shalt  }
0x4c: {  	_ =	shalt  }
0x4d: {  	_ =	shalt  }
0x4e: {  	_ =	shalt  }
0x4f: {  	_ =	shalt  }
0x50: {  	_ =	shalt  }
0x51: {  	_ =	shalt  }
0x52: {  	_ =	shalt  }
0x53: {  	_ =	shalt  }
0x54: {  	_ =	shalt  }
0x55: {  	_ =	shalt  }
0x56: {  	_ =	shalt  }
0x57: {  	_ =	shalt  }
0x58: {  	_ =	shalt  }
0x59: {  	_ =	shalt  }
0x5a: {  	_ =	shalt  }
0x5b: {  	_ =	shalt  }
0x5c: {  	_ =	shalt  }
0x5d: {  	_ =	shalt  }
0x5e: {  	_ =	shalt  }
0x5f: {  	_ =	shalt  }
0x60: {  	_ =	shalt  }
0x61: {  	_ =	shalt  }
0x62: {  	_ =	shalt  }
0x63: {  	_ =	shalt  }
0x64: {  	_ =	shalt  }
0x65: {  	_ =	shalt  }
0x66: {  	_ =	shalt  }
0x67: {  	_ =	shalt  }
0x68: {  	_ =	shalt  }
0x69: {  	_ =	shalt  }
0x6a: {  	_ =	shalt  }
0x6b: {  	_ =	shalt  }
0x6c: {  	_ =	shalt  }
0x6d: {  	_ =	shalt  }
0x6e: {  	_ =	shalt  }
0x6f: {  	_ =	shalt  }
0x70: {  	_ =	shalt  }
0x71: {  	_ =	shalt  }
0x72: {  	_ =	shalt  }
0x73: {  	_ =	shalt  }
0x74: {  	_ =	shalt  }
0x75: {  	_ =	shalt  }
0x76: {  	_ =	shalt  }
0x77: {  	_ =	shalt  }
0x78: {  	_ =	shalt  }
0x79: {  	_ =	shalt  }
0x7a: {  	_ =	shalt  }
0x7b: {  	_ =	shalt  }
0x7c: {  	_ =	shalt  }
0x7d: {  	_ =	shalt  }
0x7e: {  	_ =	shalt  }
0x7f: {  	_ =	shalt  }
0x80: {  	_ =	shalt  }
0x81: {  	_ =	shalt  }
0x82: {  	_ =	shalt  }
0x83: {  	_ =	shalt  }
0x84: {  	_ =	shalt  }
0x85: {  	_ =	shalt  }
0x86: {  	_ =	shalt  }
0x87: {  	_ =	shalt  }
.Lfunc_end0:
.L_simem_size_0:
called_computation_lowered:
.L_overlay_start_0:
0x88: {  	s2 =	sld [smem:$0x3FD9]  }
0x89: {  	s3 =	sld [smem:$0x3FFE];
	_ =	sdelay $0x1  }
0x8a: {  	s1 =	srdreg.scid  }
0x8b: {  	s0 =	sand.u32 $0x1, s1  }
0x8c: {  	s17 =	sshll.u32 s0, $0xA;
	s2 =	sadd.s32 s3, s2  }
0x8d: {  	s2 =	sadd.s32 s2, s17  }
0x8e: {  	[smem:$0x3FC2] =	sst s2  }
0x8f: {  	_ = 	snop  }
0x90: {  	s2 =	sld [smem:$0x3FC9]  }
0x91: {  	s18 =	sld [smem:$0x3FD0];
	(tm) =	ssettm $0x1  }
0x92: {  	s4 =	sld [smem:$0x3FFB];
	_ =	sdelay $0x3  }
0x93: {  	_ =	strace s4  }
0x94: {  	s4 =	sld [smem:$0x3FFC];
	_ =	sdelay $0x3  }
0x95: {  	_ =	strace s4  }
0x96: {  	s4 =	sld [smem:$0x3FFD];
	_ =	sdelay $0x3  }
0x97: {  	_ =	strace s4  }
0x98: {  	_ =	strace $0x8FFFFFFF  }
0x99: {  	s19 =	sld [smem:$0x3FDB];
	_ =	sdelay $0x1  }
0x9a: {  	s5 =	simm.s32 $_scs_section_size  }
0x9b: {  	s6 =	simm.s32 $_size__tile_overlayer_lowered;
	s7 =	simm.s32 $_tile_overlayer_lowered  }
0x9c: {  	s22 =	simm.s32 $0x1BFF;
	s21 =	sshll.u32 s7, $0x1;
	s4 =	sadd.s32 s5, s19  }
0x9d: {  	s8 =	simm.s32 $0x0;
	s20 =	sshll.u32 s6, $0x1;
	s6 =	sadd.s32 s21, s4  }
0x9e: {  	[timem:s8], [sflag:s22] =	dma.local [hbm:s6], s20  }
0x9f: {  	_ =	swait.ge [sflag:s22], s20  }
0xa0: {  	s5 =	ssub.s32 $0x0, s20;
	[sflag:s22] =	ssyncset.done $0x0  }
0xa1: {  	[sflag:s22] =	ssyncadd.s32 s5;
	_ =	sdelay $0x1  }
0xa2: {  	s23 =	simm.s32 $0x1B8B  }
0xa3: {  	_ =	swait.ge [sflag:s23], $0x1  }
0xa4: {  	[sflag:s23] =	ssyncset.done $0x0  }
0xa5: {  	s25 =	simm.s32 $0x1B8E;
	s24 =	sld [smem:$0x3FFE];
	[sflag:s23] =	ssyncadd.s32 $0xFFFFFFFF  }
0xa6: {  	s26 =	simm.s32 $execute0_lowered;
	[smem:$0x3FD2] =	sst s25  }
0xa7: {  	s6 =	sshll.u32 s26, $0x1;
	_ =	strace $0x80000046;
	[dreg:$0x1] =	wrdreg $0xFFFFFFFF  }
0xa8: {  	s28 =	simm.s32 $_size_execute0_lowered;
	s4 =	sadd.s32 s4, s6;
	[dreg:$0x0] =	wrdreg $0x0  }
0xa9: {  	s6 =	sshll.u32 s28, $0x1;
	[dreg:$0x2] =	wrdreg s4  }
0xaa: {  	[dreg:$0x3] =	wrdreg s6  }
0xab: {  	[dreg:$0x4] =	wrdreg $0xC0  }
0xac: {  	_ =	task [dreg:s8], $0x5FFFF  }
0xad: {  	[dreg:$0x1] =	wrdreg $0xFFFFFFFF  }
0xae: {  	[dreg:$0x0] =	wrdreg $0x60  }
0xaf: {  	[dreg:$0x2] =	wrdreg s2  }
0xb0: {  	[dreg:$0x3] =	wrdreg s24  }
0xb1: {  	[dreg:$0x4] =	wrdreg s18  }
0xb2: {  	[dreg:$0x5] =	wrdreg $0xB0000  }
0xb3: {  	[dreg:$0x6] =	wrdreg $0x9  }
0xb4: {  	_ =	task.clear_ibuf [dreg:s8], $0x7FFFF;
	_ =	strace $0x90000046  }
0xb5: {  	s29 =	simm.s32 $0x9;
	_ =	strace $0x80000048  }
0xb6: {  	_ =	swait.ge [sflag:s29], $0x1  }
0xb7: {  	[sflag:s29] =	ssyncadd.s32 $0xFFFFFFFF  }
0xb8: {  	_ =	strace $0x90000048  }
0xb9: {  	_ =	sfence  }
0xba: {  	s30 =	sld [smem:$0x0];
	_ =	sdelay $0x2  }
0xbb: {  	s31 =	sshll.u32 s1, $0xD;
	s1 =	sshrl.u32 s1, $0x2  }
0xbc: {  	s3 =	sand.u32 $0x4000, s31;
	s1 =	sadd.s32 s1, s30  }
0xbd: {  	s0 =	sor.u32 s3, s0;
	s1 =	sshll.u32 s1, $0x11  }
0xbe: {  	s0 =	sor.u32 s1, s0  }
0xbf: {  	s0 =	sadd.s32 $0x8F2B, s0  }
0xc0: {  	[sflag:s0] =	ssyncadd.remote.s32 $0x1  }
0xc1: {  	_ =	sfence.sel $0xFFFF  }
0xc2: {  	[dreg:$0x0] =	wrdreg $0xFFFFFFFF;
	(pc) =	sbr.abs _section_cstart, $3  }
0xc3: {  	[dreg:$0x1] =	wrdreg $0xFFFFFFFF  }
0xc4: {  	_ =	task.clear_ibuf [dreg:s8], $0x2FFFF;
	_ =	strace $0x9FFFFFFF  }
0xc5: {  	(tm) =	ssettm $0x7FFFFFFF  }
tec
execute0_lowered:
.L_overlay_start_1:
0x0: {  	(tag) =	ssettag $0x1  }
0x1: {  	s0 =	rddreg [dreg:$0x0]  }
0x2: {  	s1 =	rddreg [dreg:$0x1]  }
0x3: {  	s4 =	rddreg [dreg:$0x2]  }
0x4: {  	s2 =	rddreg [dreg:$0x3]  }
0x5: {  	s3 =	simm.s32 $0x0;
	s12 =	stileid.u32;
	s5 =	srdreg.scid  }
0x6: {  	s28 =	simm.s32 $0xAF80;
	s29 =	simm.s32 $0xAD80;
	s30 =	simm.s32 $0xAE80  }
0x7: {  	s31 =	simm.s32 $0xAE00;
	s14 =	simm.s32 $0xA980;
	s15 =	simm.s32 $0xAA00  }
0x8: {  	s16 =	simm.s32 $0xAA80;
	s17 =	simm.s32 $0xAB00;
	[smem:$0x7FF] =	sst s3  }
0x9: {  	s6 =	smul.u32 $0x2800, s12;
	s5 =	sand.u32 $0x1, s5;
	s7 =	sadd.s32 $0x6800, s1  }
0xa: {  	s9 =	sadd.s32 $0x1800, s1;
	_ =	strace $0x80000047;
	[dreg:$0x5] =	wrdreg s7  }
0xb: {  	s8 =	smul.u32 $0x50000, s12;
	s19 =	sadd.s32 $0xB800, s1;
	[dreg:$0x6] =	wrdreg s9  }
0xc: {  	s13 =	sadd.s32 $0x12C000, s2;
	s23 =	sadd.s32 $0x25800, s4;
	[dreg:$0x7] =	wrdreg s19  }
0xd: {  	s10 =	smul.u32 $0x2710, s12;
	s25 =	sadd.s32 $0x33800, s1;
	[dreg:$0xc] =	wrdreg s23  }
0xe: {  	p0 =	seq.s32 s12, $0xF;
	s18 =	ssub.s32 $0x2, s5;
	[dreg:$0xe] =	wrdreg s25  }
0xf: {  	s21 =	sshll.u32 s5, $0x7;
	p4 =	seq.s32 s5, $0x1;
	[dreg:$0x9] =	wrdreg s13  }
0x10: {  	s19 =	simm.s32 $0x5;
	s23 =	simm.s32 $0x3800;
	s25 =	simm.s32 $0x8800  }
0x11: {  	s5 =	simm.s32 $0x2;
	s20 =	sshrl.u32 s18, $0x1;
	s11 =	sadd.s32 s6, s1  }
0x12: {  	s8 =	sshrl.u32 s8, $0x2;
	[dreg:$0xa] =	wrdreg s10;
	s10 =	sadd.s32 s0, s21  }
0x13: {  	s22 =	sadd.s32 s4, s6;
	s0 =	sshll.u32 @!p0 s12, $0x6;
	s1 =	sshrl.u32 @p0 s13, $0x3  }
0x14: {  	s21 =	simm.s32 $0x1000;
	p2 =	seq.s32 @p4 s12, $0xF;
	p5 =	seq.s32 @!p4 s12, $0xF  }
0x15: {  	s12 =	simm.s32 $0xAC00;
	s13 =	simm.s32 $0xA900;
	s4 =	simm.s32 $0x0  }
0x16: {  	s7 =	ssub.s32 s18, s20;
	s9 =	sadd.s32 s8, s2;
	[dreg:$0xb] =	wrdreg s22  }
0x17: {  	s24 =	sadd.s32 $0xE000, s11;
	[dreg:$0x10] =	wrdreg s1;
	s0 =	sor.u32 @!p0 $0x1C05, s0  }
0x18: {  	v0 =	vimm.s32 $0x7;
	p1 =	por !p2, !p4;
	p2 =	por p2, !p4;
	p3 =	por !p5, p4  }
0x19: {  	v1 =	vimm.s32 $0x1;
	v2 =	vimm.s32 $0x0;
	v3 =	vlaneseq.u32;
	p4 =	por p5, p4;
	s20 =	simm.s32 $0x3;
	s22 =	simm.s32 $0x1  }
.Ltmp0:
0x1a: {  	vm0 =	vmmov $0x1;
	v4 =	vimm.s32 $0x2;
	v5 =	vimm.s32 $0x3;
	s11 =	simm.s32 $0xAC80;
	[dreg:$0xd] =	wrdreg s24;
	(pc) =	sbr.rel .LBB2_1-.Ltmp0, $4  }
0x1b: {  	v6 =	vimm.s32 $0x4;
	v7 =	vimm.s32 $0x5;
	v8 =	vimm.s32 $0x6;
	s18 =	simm.s32 $0xAB80;
	s1 =	simm.s32 $0x4;
	[dreg:$0x11] =	wrdreg s0  }
0x1c: {  	v9 =	vimm.s32 $0x8;
	v10 =	vimm.s32 $0x9;
	v11 =	vimm.s32 $0xA;
	s26 =	smax.u32 s7, $0x1;
	[dreg:$0x8] =	wrdreg s9;
	s0 =	sshrl.u32 @!p0 s9, $0x3  }
0x1d: {  	v12 =	vimm.s32 $0xB;
	v13 =	vimm.s32 $0xC;
	v14 =	vimm.s32 $0xD;
	s24 =	simm.s32 $0x6000;
	s9 =	simm.s32 $0x50;
	[dreg:$0xf] =	wrdreg s26  }
0x1e: {  	v15 =	vimm.s32 $0xE;
	v16 =	vimm.s32 $0xF;
	v3 =	vmul.u32 $0x8, v3;
	[dreg:$0x12] =	wrdreg s0;
	s26 =	simm.s32 $0xAF00;
	s0 =	simm.s32 $0xAD00  }
.LBB2_9:
0x1f: {  	[bflag:$0x0] =	sbarrier.arrive $0xFFFF  }
0x20: {  	s8 =	rddreg [dreg:$0x9]  }
0x21: {  	s7 =	simm.s32 @!p1 $0x1FC5;
	s6 =	rddreg [dreg:$0xe];
	s4 =	sshrl.u32 @!p1 s8, $0x3  }
0x22: {  	[hbm:s6], [sflag:s7] =	dma.local @!p1 [spmem:s4], $0x1900  }
0x23: {  	s4 =	stileid.u32  }
0x24: {  	s7 =	sshll.u32 @!p2 s4, $0x6  }
0x25: {  	s6 =	simm.s32 @!p1 $0x5;
	s4 =	sor.u32 @!p2 $0x1C05, s7  }
0x26: {  	_ =	swait.ge @!p1 [sflag:s6], $0x1900;
	[dreg:$0x15] =	wrdreg s4  }
0x27: {  	[sflag:s6] =	ssyncset.done @!p1 $0x0;
	s4 =	rddreg [dreg:$0x8]  }
0x28: {  	[sflag:s6] =	ssyncadd.s32 @!p1 $0xFFFFE700;
	s6 =	rddreg [dreg:$0xd]  }
0x29: {  	s7 =	sshrl.u32 @!p2 s4, $0x3;
	s4 =	rddreg [dreg:$0x15]  }
0x2a: {  	[hbm:s6], [sflag:s4] =	dma.local @!p2 [spmem:s7], $0x2800  }
0x2b: {  	s7 =	simm.s32 @!p2 $0x5  }
0x2c: {  	_ =	swait.ge @!p2 [sflag:s7], $0x2800  }
0x2d: {  	s6 =	sshrl.u32 @!p3 s8, $0x3;
	[sflag:s7] =	ssyncset.done @!p2 $0x0  }
0x2e: {  	s8 =	rddreg [dreg:$0xc];
	[sflag:s7] =	ssyncadd.s32 @!p2 $0xFFFFD800;
	s7 =	simm.s32 @!p3 $0x1FC5  }
0x2f: {  	[hbm:s8], [sflag:s7] =	dma.local @!p3 [spmem:s6], $0x1900  }
0x30: {  	s8 =	simm.s32 @!p3 $0x5  }
0x31: {  	_ =	swait.ge @!p3 [sflag:s8], $0x1900  }
0x32: {  	s6 =	stileid.u32;
	s4 =	rddreg [dreg:$0x8]  }
0x33: {  	s7 =	sshll.u32 @!p4 s6, $0x6;
	[sflag:s8] =	ssyncset.done @!p3 $0x0;
	s6 =	rddreg [dreg:$0xb]  }
0x34: {  	[sflag:s8] =	ssyncadd.s32 @!p3 $0xFFFFE700;
	s8 =	sor.u32 @!p4 $0x1C05, s7;
	s7 =	sshrl.u32 @!p4 s4, $0x3  }
0x35: {  	[hbm:s6], [sflag:s8] =	dma.local @!p4 [spmem:s7], $0x2800  }
0x36: {  	s6 =	simm.s32 @!p4 $0x5  }
0x37: {  	_ =	swait.ge @!p4 [sflag:s6], $0x2800  }
0x38: {  	s7 =	rddreg [dreg:$0x13]  }
0x39: {  	s8 =	rddreg [dreg:$0xf];
	s4 =	sadd.s32 $0x1, s7  }
0x3a: {  	p5 =	sne.s32 s4, s8  }
.Ltmp1:
0x3b: {  	_ = 	snop;
	(pc) =	sbr.rel @!p5 .LBB2_10-.Ltmp1, $3  }
0x3c: {  	_ =	sdelay $0x1  }
0x3d: {  	[sflag:s6] =	ssyncset.done @!p4 $0x0  }
0x3e: {  	[sflag:s6] =	ssyncadd.s32 @!p4 $0xFFFFD800  }
.LBB2_1:
0x3f: {  	[dreg:$0x13] =	wrdreg s4  }
0x40: {  	s7 =	rddreg [dreg:$0x7]  }
0x41: {  	s6 =	simm.s32 @p0 $0x1FC5;
	s8 =	rddreg [dreg:$0x10]  }
0x42: {  	[spmem:s8], [sflag:s6] =	dma.local @p0 [hbm:s7], $0x1900  }
0x43: {  	s6 =	simm.s32 @p0 $0x5  }
0x44: {  	_ =	swait.ge @p0 [sflag:s6], $0x1900  }
0x45: {  	[sflag:s6] =	ssyncset.done @p0 $0x0;
	s8 =	rddreg [dreg:$0x12]  }
0x46: {  	[sflag:s6] =	ssyncadd.s32 @p0 $0xFFFFE700;
	s6 =	rddreg [dreg:$0x11]  }
0x47: {  	[spmem:s8], [sflag:s6] =	dma.local @!p0 [hbm:s7], $0x2800  }
0x48: {  	s6 =	simm.s32 @!p0 $0x5  }
.Ltmp2:
0x49: {  	_ =	swait.ge @!p0 [sflag:s6], $0x2800;
	(pc) =	sbr.rel .LBB2_2-.Ltmp2, $4  }
0x4a: {  	[sflag:s6] =	ssyncset.done @!p0 $0x0  }
0x4b: {  	[sflag:s6] =	ssyncadd.s32 @!p0 $0xFFFFD800  }
0x4c: {  	[bflag:$0x0] =	sbarrier.arrive $0xFFFF  }
0x4d: {  	s4 =	simm.s32 $0x0  }
.LBB2_8:
0x4e: {  	_ =	swait.ge [sflag:s22], $0x2800  }
0x4f: {  	[sflag:s22] =	ssyncset.done $0x0  }
0x50: {  	s4 =	simm.s32 $0xF80;
	[sflag:s22] =	ssyncadd.s32 $0xFFFFD800  }
0x51: {  	[spmem:s2] =	stream.indirect.scatter.add.f32 [tilespmem:s21], [sflag:$0x5], $0x80, s4, s9, $0xb8;
	[tilespmem:$0x1E880] =	vst v63  }
0x52: {  	_ =	swait.ge [sflag:s19], $0x2800  }
0x53: {  	s8 =	rddreg [dreg:$0x14]  }
0x54: {  	s4 =	sadd.s32 $0x1, s8  }
0x55: {  	p5 =	sne.s32 s4, $0x5  }
.Ltmp3:
0x56: {  	_ = 	snop;
	(pc) =	sbr.rel @!p5 .LBB2_9-.Ltmp3, $3  }
0x57: {  	_ =	sdelay $0x1  }
0x58: {  	[sflag:s19] =	ssyncset.done $0x0  }
0x59: {  	[sflag:s19] =	ssyncadd.s32 $0xFFFFD800  }
.LBB2_2:
0x5a: {  	s6 =	smul.u32 $0x7D0, s4  }
0x5b: {  	s7 =	rddreg [dreg:$0xa]  }
0x5c: {  	s6 =	sadd.s32 s7, s6  }
0x5d: {  	s8 =	rddreg [dreg:$0x5];
	s7 =	sshrl.u32 s6, $0x3  }
0x5e: {  	[dreg:$0x14] =	wrdreg s4;
	s6 =	simm.s32 $0x0;
	s8 =	sadd.s32 s8, s7  }
0x5f: {  	[tilespmem:s6], [sflag:$0x5] =	stream.linear.gather [hbm4b:s8+s6], $0x7D0, $0x38;
	[tilespmem:$0x1E880] =	vst v63  }
0x60: {  	_ =	swait.ge [sflag:s19], $0x7D0  }
0x61: {  	[sflag:s19] =	ssyncset.done $0x0;
	s4 =	rddreg [dreg:$0x6]  }
0x62: {  	[sflag:s19] =	ssyncadd.s32 $0xFFFFF830;
	s7 =	sadd.s32 s4, s7;
	s4 =	simm.s32 $0x800  }
0x63: {  	[tilespmem:s4], [sflag:$0x5] =	stream.linear.gather [hbm4b:s7+s6], $0x7D0, $0x38;
	[tilespmem:$0x1E880] =	vst v63  }
0x64: {  	_ =	swait.ge [sflag:s19], $0x7D0  }
0x65: {  	[sflag:s19] =	ssyncset.done $0x0  }
0x66: {  	[sflag:s19] =	ssyncadd.s32 $0xFFFFF830  }
0x67: {  	v17 =	vld [tilespmem:$0x0];
	_ =	sdelay $0x4  }
0x68: {  	v18 =	vshll.u32 v17, $0x1  }
0x69: {  	v17 =	vand.u32 $0x7, v17;
	v18 =	vand.u32 $0xFFFFFFF0, v18  }
0x6a: {  	v17 =	vor.u32 v17, v18  }
0x6b: {  	v18 =	vperm.xlane v17, v2;
	_ =	sdelay $0x1  }
0x6c: {  	v19 =	vperm.xlane v17, v1;
	v18 =	vadd.s32 v3, v18;
	_ =	sdelay $0x1  }
0x6d: {  	v20 =	vperm.xlane v17, v4;
	v19 =	vadd.s32 v3, v19;
	_ =	sdelay $0x1  }
0x6e: {  	v21 =	vperm.xlane v17, v5;
	v20 =	vadd.s32 v3, v20  }
0x6f: {  	[tilespmem:s21], [sflag:$0x1] =	stream.indirect_vreg.gather [hbm4b:s10+s6], $0x80, v18, vm0, $0xb8;
	[tilespmem:$0x1E880] =	vst v63  }
0x70: {  	s8 =	simm.s32 $0x1080;
	v46 =	vperm.xlane v17, v6;
	v18 =	vadd.s32 v3, v21  }
0x71: {  	[tilespmem:s8], [sflag:$0x1] =	stream.indirect_vreg.gather [hbm4b:s10+s6], $0x80, v19, vm0, $0xb8;
	[tilespmem:$0x1E880] =	vst v63  }
0x72: {  	s4 =	simm.s32 $0x1100;
	v47 =	vperm.xlane v17, v7;
	v19 =	vadd.s32 v3, v46  }
0x73: {  	[tilespmem:s4], [sflag:$0x1] =	stream.indirect_vreg.gather [hbm4b:s10+s6], $0x80, v20, vm0, $0xb8;
	[tilespmem:$0x1E880] =	vst v63  }
0x74: {  	v49 =	vperm.xlane v17, v8;
	v48 =	vadd.s32 v3, v47;
	s8 =	simm.s32 $0x1180  }
0x75: {  	[tilespmem:s8], [sflag:$0x1] =	stream.indirect_vreg.gather [hbm4b:s10+s6], $0x80, v18, vm0, $0xb8;
	[tilespmem:$0x1E880] =	vst v63  }
0x76: {  	v50 =	vperm.xlane v17, v0;
	s4 =	simm.s32 $0x1200;
	v18 =	vadd.s32 v3, v49  }
0x77: {  	[tilespmem:s4], [sflag:$0x1] =	stream.indirect_vreg.gather [hbm4b:s10+s6], $0x80, v19, vm0, $0xb8;
	[tilespmem:$0x1E880] =	vst v63  }
0x78: {  	v51 =	vperm.xlane v17, v9;
	s8 =	simm.s32 $0x1280;
	v19 =	vadd.s32 v3, v50  }
0x79: {  	[tilespmem:s8], [sflag:$0x1] =	stream.indirect_vreg.gather [hbm4b:s10+s6], $0x80, v48, vm0, $0xb8;
	[tilespmem:$0x1E880] =	vst v63  }
0x7a: {  	v53 =	vperm.xlane v17, v10;
	v52 =	vadd.s32 v3, v51;
	s4 =	simm.s32 $0x1300  }
0x7b: {  	[tilespmem:s4], [sflag:$0x1] =	stream.indirect_vreg.gather [hbm4b:s10+s6], $0x80, v18, vm0, $0xb8;
	[tilespmem:$0x1E880] =	vst v63  }
0x7c: {  	v54 =	vperm.xlane v17, v11;
	s8 =	simm.s32 $0x1380;
	v18 =	vadd.s32 v3, v53  }
0x7d: {  	[tilespmem:s8], [sflag:$0x1] =	stream.indirect_vreg.gather [hbm4b:s10+s6], $0x80, v19, vm0, $0xb8;
	[tilespmem:$0x1E880] =	vst v63  }
0x7e: {  	v55 =	vperm.xlane v17, v12;
	s4 =	simm.s32 $0x1400;
	v19 =	vadd.s32 v3, v54  }
0x7f: {  	[tilespmem:s4], [sflag:$0x1] =	stream.indirect_vreg.gather [hbm4b:s10+s6], $0x80, v52, vm0, $0xb8;
	[tilespmem:$0x1E880] =	vst v63  }
0x80: {  	v57 =	vperm.xlane v17, v13;
	v56 =	vadd.s32 v3, v55;
	s8 =	simm.s32 $0x1480  }
0x81: {  	[tilespmem:s8], [sflag:$0x1] =	stream.indirect_vreg.gather [hbm4b:s10+s6], $0x80, v18, vm0, $0xb8;
	[tilespmem:$0x1E880] =	vst v63  }
0x82: {  	v58 =	vperm.xlane v17, v14;
	s4 =	simm.s32 $0x1500;
	v18 =	vadd.s32 v3, v57  }
0x83: {  	[tilespmem:s4], [sflag:$0x1] =	stream.indirect_vreg.gather [hbm4b:s10+s6], $0x80, v19, vm0, $0xb8;
	[tilespmem:$0x1E880] =	vst v63  }
0x84: {  	v59 =	vperm.xlane v17, v15;
	s8 =	simm.s32 $0x1580;
	v19 =	vadd.s32 v3, v58  }
0x85: {  	[tilespmem:s8], [sflag:$0x1] =	stream.indirect_vreg.gather [hbm4b:s10+s6], $0x80, v56, vm0, $0xb8;
	[tilespmem:$0x1E880] =	vst v63  }
0x86: {  	v17 =	vperm.xlane v17, v16;
	v60 =	vadd.s32 v3, v59;
	s4 =	simm.s32 $0x1600  }
0x87: {  	[tilespmem:s4], [sflag:$0x1] =	stream.indirect_vreg.gather [hbm4b:s10+s6], $0x80, v18, vm0, $0xb8;
	[tilespmem:$0x1E880] =	vst v63  }
0x88: {  	v17 =	vadd.s32 v3, v17;
	s8 =	simm.s32 $0x1680  }
0x89: {  	[tilespmem:s8], [sflag:$0x1] =	stream.indirect_vreg.gather [hbm4b:s10+s6], $0x80, v19, vm0, $0xb8;
	[tilespmem:$0x1E880] =	vst v63  }
0x8a: {  	s4 =	simm.s32 $0x1700  }
0x8b: {  	[tilespmem:s4], [sflag:$0x1] =	stream.indirect_vreg.gather [hbm4b:s10+s6], $0x80, v60, vm0, $0xb8;
	[tilespmem:$0x1E880] =	vst v63  }
0x8c: {  	s8 =	simm.s32 $0x1780  }
0x8d: {  	[tilespmem:s8], [sflag:$0x1] =	stream.indirect_vreg.gather [hbm4b:s10+s6], $0x80, v17, vm0, $0xb8;
	[tilespmem:$0x1E880] =	vst v63  }
0x8e: {  	v17 =	vld [tilespmem:$0x10];
	_ =	sdelay $0x4  }
0x8f: {  	v18 =	vshll.u32 v17, $0x1  }
0x90: {  	v17 =	vand.u32 $0x7, v17;
	v18 =	vand.u32 $0xFFFFFFF0, v18  }
0x91: {  	v17 =	vor.u32 v17, v18  }
0x92: {  	v18 =	vperm.xlane v17, v2;
	_ =	sdelay $0x1  }
0x93: {  	v19 =	vperm.xlane v17, v1;
	v18 =	vadd.s32 v3, v18;
	_ =	sdelay $0x1  }
0x94: {  	v61 =	vperm.xlane v17, v4;
	v19 =	vadd.s32 v3, v19;
	_ =	sdelay $0x1  }
0x95: {  	s4 =	simm.s32 $0x1800;
	v62 =	vperm.xlane v17, v5;
	v20 =	vadd.s32 v3, v61  }
0x96: {  	[tilespmem:s4], [sflag:$0x1] =	stream.indirect_vreg.gather [hbm4b:s10+s6], $0x80, v18, vm0, $0xb8;
	[tilespmem:$0x1E880] =	vst v63  }
0x97: {  	s8 =	simm.s32 $0x1880;
	v63 =	vperm.xlane v17, v6;
	v18 =	vadd.s32 v3, v62  }
0x98: {  	[tilespmem:s8], [sflag:$0x1] =	stream.indirect_vreg.gather [hbm4b:s10+s6], $0x80, v19, vm0, $0xb8;
	[tilespmem:$0x1E880] =	vst v63  }
0x99: {  	v24 =	vperm.xlane v17, v7;
	s4 =	simm.s32 $0x1900;
	v19 =	vadd.s32 v3, v63  }
0x9a: {  	[tilespmem:s4], [sflag:$0x1] =	stream.indirect_vreg.gather [hbm4b:s10+s6], $0x80, v20, vm0, $0xb8;
	[tilespmem:$0x1E880] =	vst v63  }
0x9b: {  	v26 =	vperm.xlane v17, v8;
	v25 =	vadd.s32 v3, v24;
	s8 =	simm.s32 $0x1980  }
0x9c: {  	[tilespmem:s8], [sflag:$0x1] =	stream.indirect_vreg.gather [hbm4b:s10+s6], $0x80, v18, vm0, $0xb8;
	[tilespmem:$0x1E880] =	vst v63  }
0x9d: {  	v27 =	vperm.xlane v17, v0;
	s4 =	simm.s32 $0x1A00;
	v18 =	vadd.s32 v3, v26  }
0x9e: {  	[tilespmem:s4], [sflag:$0x1] =	stream.indirect_vreg.gather [hbm4b:s10+s6], $0x80, v19, vm0, $0xb8;
	[tilespmem:$0x1E880] =	vst v63  }
0x9f: {  	v28 =	vperm.xlane v17, v9;
	s8 =	simm.s32 $0x1A80;
	v19 =	vadd.s32 v3, v27  }
0xa0: {  	[tilespmem:s8], [sflag:$0x1] =	stream.indirect_vreg.gather [hbm4b:s10+s6], $0x80, v25, vm0, $0xb8;
	[tilespmem:$0x1E880] =	vst v63  }
0xa1: {  	v30 =	vperm.xlane v17, v10;
	v29 =	vadd.s32 v3, v28;
	s4 =	simm.s32 $0x1B00  }
0xa2: {  	[tilespmem:s4], [sflag:$0x1] =	stream.indirect_vreg.gather [hbm4b:s10+s6], $0x80, v18, vm0, $0xb8;
	[tilespmem:$0x1E880] =	vst v63  }
0xa3: {  	v31 =	vperm.xlane v17, v11;
	s8 =	simm.s32 $0x1B80;
	v18 =	vadd.s32 v3, v30  }
0xa4: {  	[tilespmem:s8], [sflag:$0x1] =	stream.indirect_vreg.gather [hbm4b:s10+s6], $0x80, v19, vm0, $0xb8;
	[tilespmem:$0x1E880] =	vst v63  }
0xa5: {  	v32 =	vperm.xlane v17, v12;
	s4 =	simm.s32 $0x1C00;
	v19 =	vadd.s32 v3, v31  }
0xa6: {  	[tilespmem:s4], [sflag:$0x1] =	stream.indirect_vreg.gather [hbm4b:s10+s6], $0x80, v29, vm0, $0xb8;
	[tilespmem:$0x1E880] =	vst v63  }
0xa7: {  	v34 =	vperm.xlane v17, v13;
	v33 =	vadd.s32 v3, v32;
	s8 =	simm.s32 $0x1C80  }
0xa8: {  	[tilespmem:s8], [sflag:$0x1] =	stream.indirect_vreg.gather [hbm4b:s10+s6], $0x80, v18, vm0, $0xb8;
	[tilespmem:$0x1E880] =	vst v63  }
0xa9: {  	v35 =	vperm.xlane v17, v14;
	s4 =	simm.s32 $0x1D00;
	v18 =	vadd.s32 v3, v34  }
0xaa: {  	[tilespmem:s4], [sflag:$0x1] =	stream.indirect_vreg.gather [hbm4b:s10+s6], $0x80, v19, vm0, $0xb8;
	[tilespmem:$0x1E880] =	vst v63  }
0xab: {  	v36 =	vperm.xlane v17, v15;
	s8 =	simm.s32 $0x1D80;
	v19 =	vadd.s32 v3, v35  }
0xac: {  	[tilespmem:s8], [sflag:$0x1] =	stream.indirect_vreg.gather [hbm4b:s10+s6], $0x80, v33, vm0, $0xb8;
	[tilespmem:$0x1E880] =	vst v63  }
0xad: {  	v17 =	vperm.xlane v17, v16;
	v37 =	vadd.s32 v3, v36;
	s4 =	simm.s32 $0x1E00  }
0xae: {  	[tilespmem:s4], [sflag:$0x1] =	stream.indirect_vreg.gather [hbm4b:s10+s6], $0x80, v18, vm0, $0xb8;
	[tilespmem:$0x1E880] =	vst v63  }
0xaf: {  	v17 =	vadd.s32 v3, v17;
	s8 =	simm.s32 $0x1E80  }
0xb0: {  	[tilespmem:s8], [sflag:$0x1] =	stream.indirect_vreg.gather [hbm4b:s10+s6], $0x80, v19, vm0, $0xb8;
	[tilespmem:$0x1E880] =	vst v63  }
0xb1: {  	s4 =	simm.s32 $0x1F00  }
0xb2: {  	[tilespmem:s4], [sflag:$0x1] =	stream.indirect_vreg.gather [hbm4b:s10+s6], $0x80, v37, vm0, $0xb8;
	[tilespmem:$0x1E880] =	vst v63  }
0xb3: {  	s8 =	simm.s32 $0x1F80  }
0xb4: {  	[tilespmem:s8], [sflag:$0x1] =	stream.indirect_vreg.gather [hbm4b:s10+s6], $0x80, v17, vm0, $0xb8;
	[tilespmem:$0x1E880] =	vst v63  }
0xb5: {  	v17 =	vld [tilespmem:$0x20];
	_ =	sdelay $0x4  }
0xb6: {  	v18 =	vshll.u32 v17, $0x1  }
0xb7: {  	v17 =	vand.u32 $0x7, v17;
	v18 =	vand.u32 $0xFFFFFFF0, v18  }
0xb8: {  	v17 =	vor.u32 v17, v18  }
0xb9: {  	v18 =	vperm.xlane v17, v2;
	_ =	sdelay $0x1  }
0xba: {  	v19 =	vperm.xlane v17, v1;
	v18 =	vadd.s32 v3, v18;
	_ =	sdelay $0x1  }
0xbb: {  	v38 =	vperm.xlane v17, v4;
	v19 =	vadd.s32 v3, v19;
	_ =	sdelay $0x1  }
0xbc: {  	s4 =	simm.s32 $0x2000;
	v39 =	vperm.xlane v17, v5;
	v20 =	vadd.s32 v3, v38  }
0xbd: {  	[tilespmem:s4], [sflag:$0x1] =	stream.indirect_vreg.gather [hbm4b:s10+s6], $0x80, v18, vm0, $0xb8;
	[tilespmem:$0x1E880] =	vst v63  }
0xbe: {  	s8 =	simm.s32 $0x2080;
	v40 =	vperm.xlane v17, v6;
	v18 =	vadd.s32 v3, v39  }
0xbf: {  	[tilespmem:s8], [sflag:$0x1] =	stream.indirect_vreg.gather [hbm4b:s10+s6], $0x80, v19, vm0, $0xb8;
	[tilespmem:$0x1E880] =	vst v63  }
0xc0: {  	v41 =	vperm.xlane v17, v7;
	s4 =	simm.s32 $0x2100;
	v19 =	vadd.s32 v3, v40  }
0xc1: {  	[tilespmem:s4], [sflag:$0x1] =	stream.indirect_vreg.gather [hbm4b:s10+s6], $0x80, v20, vm0, $0xb8;
	[tilespmem:$0x1E880] =	vst v63  }
0xc2: {  	v43 =	vperm.xlane v17, v8;
	v42 =	vadd.s32 v3, v41;
	s8 =	simm.s32 $0x2180  }
0xc3: {  	[tilespmem:s8], [sflag:$0x1] =	stream.indirect_vreg.gather [hbm4b:s10+s6], $0x80, v18, vm0, $0xb8;
	[tilespmem:$0x1E880] =	vst v63  }
0xc4: {  	v44 =	vperm.xlane v17, v0;
	s4 =	simm.s32 $0x2200;
	v18 =	vadd.s32 v3, v43  }
0xc5: {  	[tilespmem:s4], [sflag:$0x1] =	stream.indirect_vreg.gather [hbm4b:s10+s6], $0x80, v19, vm0, $0xb8;
	[tilespmem:$0x1E880] =	vst v63  }
0xc6: {  	v45 =	vperm.xlane v17, v9;
	s8 =	simm.s32 $0x2280;
	v19 =	vadd.s32 v3, v44  }
0xc7: {  	[tilespmem:s8], [sflag:$0x1] =	stream.indirect_vreg.gather [hbm4b:s10+s6], $0x80, v42, vm0, $0xb8;
	[tilespmem:$0x1E880] =	vst v63  }
0xc8: {  	v47 =	vperm.xlane v17, v10;
	v46 =	vadd.s32 v3, v45;
	s4 =	simm.s32 $0x2300  }
0xc9: {  	[tilespmem:s4], [sflag:$0x1] =	stream.indirect_vreg.gather [hbm4b:s10+s6], $0x80, v18, vm0, $0xb8;
	[tilespmem:$0x1E880] =	vst v63  }
0xca: {  	v48 =	vperm.xlane v17, v11;
	s8 =	simm.s32 $0x2380;
	v18 =	vadd.s32 v3, v47  }
0xcb: {  	[tilespmem:s8], [sflag:$0x1] =	stream.indirect_vreg.gather [hbm4b:s10+s6], $0x80, v19, vm0, $0xb8;
	[tilespmem:$0x1E880] =	vst v63  }
0xcc: {  	v49 =	vperm.xlane v17, v12;
	s4 =	simm.s32 $0x2400;
	v19 =	vadd.s32 v3, v48  }
0xcd: {  	[tilespmem:s4], [sflag:$0x1] =	stream.indirect_vreg.gather [hbm4b:s10+s6], $0x80, v46, vm0, $0xb8;
	[tilespmem:$0x1E880] =	vst v63  }
0xce: {  	v51 =	vperm.xlane v17, v13;
	v50 =	vadd.s32 v3, v49;
	s8 =	simm.s32 $0x2480  }
0xcf: {  	[tilespmem:s8], [sflag:$0x1] =	stream.indirect_vreg.gather [hbm4b:s10+s6], $0x80, v18, vm0, $0xb8;
	[tilespmem:$0x1E880] =	vst v63  }
0xd0: {  	v52 =	vperm.xlane v17, v14;
	s4 =	simm.s32 $0x2500;
	v18 =	vadd.s32 v3, v51  }
0xd1: {  	[tilespmem:s4], [sflag:$0x1] =	stream.indirect_vreg.gather [hbm4b:s10+s6], $0x80, v19, vm0, $0xb8;
	[tilespmem:$0x1E880] =	vst v63  }
0xd2: {  	v53 =	vperm.xlane v17, v15;
	s8 =	simm.s32 $0x2580;
	v19 =	vadd.s32 v3, v52  }
0xd3: {  	[tilespmem:s8], [sflag:$0x1] =	stream.indirect_vreg.gather [hbm4b:s10+s6], $0x80, v50, vm0, $0xb8;
	[tilespmem:$0x1E880] =	vst v63  }
0xd4: {  	v17 =	vperm.xlane v17, v16;
	v54 =	vadd.s32 v3, v53;
	s4 =	simm.s32 $0x2600  }
0xd5: {  	[tilespmem:s4], [sflag:$0x1] =	stream.indirect_vreg.gather [hbm4b:s10+s6], $0x80, v18, vm0, $0xb8;
	[tilespmem:$0x1E880] =	vst v63  }
0xd6: {  	v17 =	vadd.s32 v3, v17;
	s8 =	simm.s32 $0x2680  }
0xd7: {  	[tilespmem:s8], [sflag:$0x1] =	stream.indirect_vreg.gather [hbm4b:s10+s6], $0x80, v19, vm0, $0xb8;
	[tilespmem:$0x1E880] =	vst v63  }
0xd8: {  	s4 =	simm.s32 $0x2700  }
0xd9: {  	[tilespmem:s4], [sflag:$0x1] =	stream.indirect_vreg.gather [hbm4b:s10+s6], $0x80, v54, vm0, $0xb8;
	[tilespmem:$0x1E880] =	vst v63  }
0xda: {  	s8 =	simm.s32 $0x2780  }
0xdb: {  	[tilespmem:s8], [sflag:$0x1] =	stream.indirect_vreg.gather [hbm4b:s10+s6], $0x80, v17, vm0, $0xb8;
	[tilespmem:$0x1E880] =	vst v63  }
0xdc: {  	v17 =	vld [tilespmem:$0x30];
	_ =	sdelay $0x4  }
0xdd: {  	v18 =	vshll.u32 v17, $0x1  }
0xde: {  	v17 =	vand.u32 $0x7, v17;
	v18 =	vand.u32 $0xFFFFFFF0, v18  }
0xdf: {  	v17 =	vor.u32 v17, v18  }
0xe0: {  	v18 =	vperm.xlane v17, v2;
	_ =	sdelay $0x1  }
0xe1: {  	v19 =	vperm.xlane v17, v1;
	v18 =	vadd.s32 v3, v18;
	_ =	sdelay $0x1  }
0xe2: {  	v55 =	vperm.xlane v17, v4;
	v19 =	vadd.s32 v3, v19;
	_ =	sdelay $0x1  }
0xe3: {  	s4 =	simm.s32 $0x2800;
	v56 =	vperm.xlane v17, v5;
	v20 =	vadd.s32 v3, v55  }
0xe4: {  	[tilespmem:s4], [sflag:$0x1] =	stream.indirect_vreg.gather [hbm4b:s10+s6], $0x80, v18, vm0, $0xb8;
	[tilespmem:$0x1E880] =	vst v63  }
0xe5: {  	s8 =	simm.s32 $0x2880;
	v57 =	vperm.xlane v17, v6;
	v18 =	vadd.s32 v3, v56  }
0xe6: {  	[tilespmem:s8], [sflag:$0x1] =	stream.indirect_vreg.gather [hbm4b:s10+s6], $0x80, v19, vm0, $0xb8;
	[tilespmem:$0x1E880] =	vst v63  }
0xe7: {  	v58 =	vperm.xlane v17, v7;
	s4 =	simm.s32 $0x2900;
	v19 =	vadd.s32 v3, v57  }
0xe8: {  	[tilespmem:s4], [sflag:$0x1] =	stream.indirect_vreg.gather [hbm4b:s10+s6], $0x80, v20, vm0, $0xb8;
	[tilespmem:$0x1E880] =	vst v63  }
0xe9: {  	v60 =	vperm.xlane v17, v8;
	v59 =	vadd.s32 v3, v58;
	s8 =	simm.s32 $0x2980  }
0xea: {  	[tilespmem:s8], [sflag:$0x1] =	stream.indirect_vreg.gather [hbm4b:s10+s6], $0x80, v18, vm0, $0xb8;
	[tilespmem:$0x1E880] =	vst v63  }
0xeb: {  	v61 =	vperm.xlane v17, v0;
	s4 =	simm.s32 $0x2A00;
	v18 =	vadd.s32 v3, v60  }
0xec: {  	[tilespmem:s4], [sflag:$0x1] =	stream.indirect_vreg.gather [hbm4b:s10+s6], $0x80, v19, vm0, $0xb8;
	[tilespmem:$0x1E880] =	vst v63  }
0xed: {  	v62 =	vperm.xlane v17, v9;
	s8 =	simm.s32 $0x2A80;
	v19 =	vadd.s32 v3, v61  }
0xee: {  	[tilespmem:s8], [sflag:$0x1] =	stream.indirect_vreg.gather [hbm4b:s10+s6], $0x80, v59, vm0, $0xb8;
	[tilespmem:$0x1E880] =	vst v63  }
0xef: {  	v24 =	vperm.xlane v17, v10;
	v63 =	vadd.s32 v3, v62;
	s4 =	simm.s32 $0x2B00  }
0xf0: {  	[tilespmem:s4], [sflag:$0x1] =	stream.indirect_vreg.gather [hbm4b:s10+s6], $0x80, v18, vm0, $0xb8;
	[tilespmem:$0x1E880] =	vst v63  }
0xf1: {  	v25 =	vperm.xlane v17, v11;
	s8 =	simm.s32 $0x2B80;
	v18 =	vadd.s32 v3, v24  }
0xf2: {  	[tilespmem:s8], [sflag:$0x1] =	stream.indirect_vreg.gather [hbm4b:s10+s6], $0x80, v19, vm0, $0xb8;
	[tilespmem:$0x1E880] =	vst v63  }
0xf3: {  	v26 =	vperm.xlane v17, v12;
	s4 =	simm.s32 $0x2C00;
	v19 =	vadd.s32 v3, v25  }
0xf4: {  	[tilespmem:s4], [sflag:$0x1] =	stream.indirect_vreg.gather [hbm4b:s10+s6], $0x80, v63, vm0, $0xb8;
	[tilespmem:$0x1E880] =	vst v63  }
0xf5: {  	v28 =	vperm.xlane v17, v13;
	v27 =	vadd.s32 v3, v26;
	s8 =	simm.s32 $0x2C80  }
0xf6: {  	[tilespmem:s8], [sflag:$0x1] =	stream.indirect_vreg.gather [hbm4b:s10+s6], $0x80, v18, vm0, $0xb8;
	[tilespmem:$0x1E880] =	vst v63  }
0xf7: {  	v29 =	vperm.xlane v17, v14;
	s4 =	simm.s32 $0x2D00;
	v18 =	vadd.s32 v3, v28  }
0xf8: {  	[tilespmem:s4], [sflag:$0x1] =	stream.indirect_vreg.gather [hbm4b:s10+s6], $0x80, v19, vm0, $0xb8;
	[tilespmem:$0x1E880] =	vst v63  }
0xf9: {  	v30 =	vperm.xlane v17, v15;
	s8 =	simm.s32 $0x2D80;
	v19 =	vadd.s32 v3, v29  }
0xfa: {  	[tilespmem:s8], [sflag:$0x1] =	stream.indirect_vreg.gather [hbm4b:s10+s6], $0x80, v27, vm0, $0xb8;
	[tilespmem:$0x1E880] =	vst v63  }
0xfb: {  	v17 =	vperm.xlane v17, v16;
	v31 =	vadd.s32 v3, v30;
	s4 =	simm.s32 $0x2E00  }
0xfc: {  	[tilespmem:s4], [sflag:$0x1] =	stream.indirect_vreg.gather [hbm4b:s10+s6], $0x80, v18, vm0, $0xb8;
	[tilespmem:$0x1E880] =	vst v63  }
0xfd: {  	v17 =	vadd.s32 v3, v17;
	s8 =	simm.s32 $0x2E80  }
0xfe: {  	[tilespmem:s8], [sflag:$0x1] =	stream.indirect_vreg.gather [hbm4b:s10+s6], $0x80, v19, vm0, $0xb8;
	[tilespmem:$0x1E880] =	vst v63  }
0xff: {  	s4 =	simm.s32 $0x2F00  }
0x100: {  	[tilespmem:s4], [sflag:$0x1] =	stream.indirect_vreg.gather [hbm4b:s10+s6], $0x80, v31, vm0, $0xb8;
	[tilespmem:$0x1E880] =	vst v63  }
0x101: {  	s8 =	simm.s32 $0x2F80  }
0x102: {  	[tilespmem:s8], [sflag:$0x1] =	stream.indirect_vreg.gather [hbm4b:s10+s6], $0x80, v17, vm0, $0xb8;
	[tilespmem:$0x1E880] =	vst v63  }
0x103: {  	v17 =	vld [tilespmem:$0x40];
	_ =	sdelay $0x4  }
0x104: {  	v18 =	vshll.u32 v17, $0x1  }
0x105: {  	v17 =	vand.u32 $0x7, v17;
	v18 =	vand.u32 $0xFFFFFFF0, v18  }
0x106: {  	v17 =	vor.u32 v17, v18  }
0x107: {  	v18 =	vperm.xlane v17, v2;
	_ =	sdelay $0x1  }
0x108: {  	v19 =	vperm.xlane v17, v1;
	v18 =	vadd.s32 v3, v18;
	_ =	sdelay $0x1  }
0x109: {  	v32 =	vperm.xlane v17, v4;
	v19 =	vadd.s32 v3, v19;
	_ =	sdelay $0x1  }
0x10a: {  	s4 =	simm.s32 $0x3000;
	v33 =	vperm.xlane v17, v5;
	v20 =	vadd.s32 v3, v32  }
0x10b: {  	[tilespmem:s4], [sflag:$0x1] =	stream.indirect_vreg.gather [hbm4b:s10+s6], $0x80, v18, vm0, $0xb8;
	[tilespmem:$0x1E880] =	vst v63  }
0x10c: {  	s8 =	simm.s32 $0x3080;
	v34 =	vperm.xlane v17, v6;
	v18 =	vadd.s32 v3, v33  }
0x10d: {  	[tilespmem:s8], [sflag:$0x1] =	stream.indirect_vreg.gather [hbm4b:s10+s6], $0x80, v19, vm0, $0xb8;
	[tilespmem:$0x1E880] =	vst v63  }
0x10e: {  	v35 =	vperm.xlane v17, v7;
	s4 =	simm.s32 $0x3100;
	v19 =	vadd.s32 v3, v34  }
0x10f: {  	[tilespmem:s4], [sflag:$0x1] =	stream.indirect_vreg.gather [hbm4b:s10+s6], $0x80, v20, vm0, $0xb8;
	[tilespmem:$0x1E880] =	vst v63  }
0x110: {  	v37 =	vperm.xlane v17, v8;
	v36 =	vadd.s32 v3, v35;
	s8 =	simm.s32 $0x3180  }
0x111: {  	[tilespmem:s8], [sflag:$0x1] =	stream.indirect_vreg.gather [hbm4b:s10+s6], $0x80, v18, vm0, $0xb8;
	[tilespmem:$0x1E880] =	vst v63  }
0x112: {  	v38 =	vperm.xlane v17, v0;
	s4 =	simm.s32 $0x3200;
	v18 =	vadd.s32 v3, v37  }
0x113: {  	[tilespmem:s4], [sflag:$0x1] =	stream.indirect_vreg.gather [hbm4b:s10+s6], $0x80, v19, vm0, $0xb8;
	[tilespmem:$0x1E880] =	vst v63  }
0x114: {  	v39 =	vperm.xlane v17, v9;
	s8 =	simm.s32 $0x3280;
	v19 =	vadd.s32 v3, v38  }
0x115: {  	[tilespmem:s8], [sflag:$0x1] =	stream.indirect_vreg.gather [hbm4b:s10+s6], $0x80, v36, vm0, $0xb8;
	[tilespmem:$0x1E880] =	vst v63  }
0x116: {  	v41 =	vperm.xlane v17, v10;
	v40 =	vadd.s32 v3, v39;
	s4 =	simm.s32 $0x3300  }
0x117: {  	[tilespmem:s4], [sflag:$0x1] =	stream.indirect_vreg.gather [hbm4b:s10+s6], $0x80, v18, vm0, $0xb8;
	[tilespmem:$0x1E880] =	vst v63  }
0x118: {  	v42 =	vperm.xlane v17, v11;
	s8 =	simm.s32 $0x3380;
	v18 =	vadd.s32 v3, v41  }
0x119: {  	[tilespmem:s8], [sflag:$0x1] =	stream.indirect_vreg.gather [hbm4b:s10+s6], $0x80, v19, vm0, $0xb8;
	[tilespmem:$0x1E880] =	vst v63  }
0x11a: {  	v43 =	vperm.xlane v17, v12;
	s4 =	simm.s32 $0x3400;
	v19 =	vadd.s32 v3, v42  }
0x11b: {  	[tilespmem:s4], [sflag:$0x1] =	stream.indirect_vreg.gather [hbm4b:s10+s6], $0x80, v40, vm0, $0xb8;
	[tilespmem:$0x1E880] =	vst v63  }
0x11c: {  	v45 =	vperm.xlane v17, v13;
	v44 =	vadd.s32 v3, v43;
	s8 =	simm.s32 $0x3480  }
0x11d: {  	[tilespmem:s8], [sflag:$0x1] =	stream.indirect_vreg.gather [hbm4b:s10+s6], $0x80, v18, vm0, $0xb8;
	[tilespmem:$0x1E880] =	vst v63  }
0x11e: {  	v46 =	vperm.xlane v17, v14;
	s4 =	simm.s32 $0x3500;
	v18 =	vadd.s32 v3, v45  }
0x11f: {  	[tilespmem:s4], [sflag:$0x1] =	stream.indirect_vreg.gather [hbm4b:s10+s6], $0x80, v19, vm0, $0xb8;
	[tilespmem:$0x1E880] =	vst v63  }
0x120: {  	v47 =	vperm.xlane v17, v15;
	s8 =	simm.s32 $0x3580;
	v19 =	vadd.s32 v3, v46  }
0x121: {  	[tilespmem:s8], [sflag:$0x1] =	stream.indirect_vreg.gather [hbm4b:s10+s6], $0x80, v44, vm0, $0xb8;
	[tilespmem:$0x1E880] =	vst v63  }
0x122: {  	v17 =	vperm.xlane v17, v16;
	v48 =	vadd.s32 v3, v47;
	s4 =	simm.s32 $0x3600  }
0x123: {  	[tilespmem:s4], [sflag:$0x1] =	stream.indirect_vreg.gather [hbm4b:s10+s6], $0x80, v18, vm0, $0xb8;
	[tilespmem:$0x1E880] =	vst v63  }
0x124: {  	v17 =	vadd.s32 v3, v17;
	s8 =	simm.s32 $0x3680  }
0x125: {  	[tilespmem:s8], [sflag:$0x1] =	stream.indirect_vreg.gather [hbm4b:s10+s6], $0x80, v19, vm0, $0xb8;
	[tilespmem:$0x1E880] =	vst v63  }
0x126: {  	s4 =	simm.s32 $0x3700  }
0x127: {  	[tilespmem:s4], [sflag:$0x1] =	stream.indirect_vreg.gather [hbm4b:s10+s6], $0x80, v48, vm0, $0xb8;
	[tilespmem:$0x1E880] =	vst v63  }
0x128: {  	s8 =	simm.s32 $0x3780  }
0x129: {  	[tilespmem:s8], [sflag:$0x1] =	stream.indirect_vreg.gather [hbm4b:s10+s6], $0x80, v17, vm0, $0xb8;
	[tilespmem:$0x1E880] =	vst v63  }
0x12a: {  	v17 =	vld [tilespmem:$0x50];
	_ =	sdelay $0x4  }
0x12b: {  	v18 =	vshll.u32 v17, $0x1  }
0x12c: {  	v17 =	vand.u32 $0x7, v17;
	v18 =	vand.u32 $0xFFFFFFF0, v18  }
0x12d: {  	v17 =	vor.u32 v17, v18  }
0x12e: {  	v18 =	vperm.xlane v17, v2;
	_ =	sdelay $0x1  }
0x12f: {  	v19 =	vperm.xlane v17, v1;
	v18 =	vadd.s32 v3, v18;
	_ =	sdelay $0x1  }
0x130: {  	v49 =	vperm.xlane v17, v4;
	v19 =	vadd.s32 v3, v19;
	_ =	sdelay $0x1  }
0x131: {  	v50 =	vperm.xlane v17, v5;
	v20 =	vadd.s32 v3, v49  }
0x132: {  	[tilespmem:s23], [sflag:$0x2] =	stream.indirect_vreg.gather [hbm4b:s10+s6], $0x80, v18, vm0, $0xb8;
	[tilespmem:$0x1E880] =	vst v63  }
0x133: {  	s4 =	simm.s32 $0x3880;
	v51 =	vperm.xlane v17, v6;
	v18 =	vadd.s32 v3, v50  }
0x134: {  	[tilespmem:s4], [sflag:$0x2] =	stream.indirect_vreg.gather [hbm4b:s10+s6], $0x80, v19, vm0, $0xb8;
	[tilespmem:$0x1E880] =	vst v63  }
0x135: {  	s7 =	simm.s32 $0x3900;
	v52 =	vperm.xlane v17, v7;
	v19 =	vadd.s32 v3, v51  }
0x136: {  	[tilespmem:s7], [sflag:$0x2] =	stream.indirect_vreg.gather [hbm4b:s10+s6], $0x80, v20, vm0, $0xb8;
	[tilespmem:$0x1E880] =	vst v63  }
0x137: {  	s8 =	simm.s32 $0x3980;
	v54 =	vperm.xlane v17, v8;
	v53 =	vadd.s32 v3, v52  }
0x138: {  	[tilespmem:s8], [sflag:$0x2] =	stream.indirect_vreg.gather [hbm4b:s10+s6], $0x80, v18, vm0, $0xb8;
	[tilespmem:$0x1E880] =	vst v63  }
0x139: {  	v55 =	vperm.xlane v17, v0;
	s7 =	simm.s32 $0x3A00;
	v18 =	vadd.s32 v3, v54  }
0x13a: {  	[tilespmem:s7], [sflag:$0x2] =	stream.indirect_vreg.gather [hbm4b:s10+s6], $0x80, v19, vm0, $0xb8;
	[tilespmem:$0x1E880] =	vst v63  }
0x13b: {  	v56 =	vperm.xlane v17, v9;
	s8 =	simm.s32 $0x3A80;
	v19 =	vadd.s32 v3, v55  }
0x13c: {  	[tilespmem:s8], [sflag:$0x2] =	stream.indirect_vreg.gather [hbm4b:s10+s6], $0x80, v53, vm0, $0xb8;
	[tilespmem:$0x1E880] =	vst v63  }
0x13d: {  	v58 =	vperm.xlane v17, v10;
	v57 =	vadd.s32 v3, v56;
	s7 =	simm.s32 $0x3B00  }
0x13e: {  	[tilespmem:s7], [sflag:$0x2] =	stream.indirect_vreg.gather [hbm4b:s10+s6], $0x80, v18, vm0, $0xb8;
	[tilespmem:$0x1E880] =	vst v63  }
0x13f: {  	v59 =	vperm.xlane v17, v11;
	s8 =	simm.s32 $0x3B80;
	v18 =	vadd.s32 v3, v58  }
0x140: {  	[tilespmem:s8], [sflag:$0x2] =	stream.indirect_vreg.gather [hbm4b:s10+s6], $0x80, v19, vm0, $0xb8;
	[tilespmem:$0x1E880] =	vst v63  }
0x141: {  	v60 =	vperm.xlane v17, v12;
	s7 =	simm.s32 $0x3C00;
	v19 =	vadd.s32 v3, v59  }
0x142: {  	[tilespmem:s7], [sflag:$0x2] =	stream.indirect_vreg.gather [hbm4b:s10+s6], $0x80, v57, vm0, $0xb8;
	[tilespmem:$0x1E880] =	vst v63  }
0x143: {  	v62 =	vperm.xlane v17, v13;
	v61 =	vadd.s32 v3, v60;
	s8 =	simm.s32 $0x3C80  }
0x144: {  	[tilespmem:s8], [sflag:$0x2] =	stream.indirect_vreg.gather [hbm4b:s10+s6], $0x80, v18, vm0, $0xb8;
	[tilespmem:$0x1E880] =	vst v63  }
0x145: {  	v63 =	vperm.xlane v17, v14;
	s7 =	simm.s32 $0x3D00;
	v18 =	vadd.s32 v3, v62  }
0x146: {  	[tilespmem:s7], [sflag:$0x2] =	stream.indirect_vreg.gather [hbm4b:s10+s6], $0x80, v19, vm0, $0xb8;
	[tilespmem:$0x1E880] =	vst v63  }
0x147: {  	v24 =	vperm.xlane v17, v15;
	s8 =	simm.s32 $0x3D80;
	v19 =	vadd.s32 v3, v63  }
0x148: {  	[tilespmem:s8], [sflag:$0x2] =	stream.indirect_vreg.gather [hbm4b:s10+s6], $0x80, v61, vm0, $0xb8;
	[tilespmem:$0x1E880] =	vst v63  }
0x149: {  	v17 =	vperm.xlane v17, v16;
	v25 =	vadd.s32 v3, v24;
	s7 =	simm.s32 $0x3E00  }
0x14a: {  	[tilespmem:s7], [sflag:$0x2] =	stream.indirect_vreg.gather [hbm4b:s10+s6], $0x80, v18, vm0, $0xb8;
	[tilespmem:$0x1E880] =	vst v63  }
0x14b: {  	v17 =	vadd.s32 v3, v17;
	s8 =	simm.s32 $0x3E80  }
0x14c: {  	[tilespmem:s8], [sflag:$0x2] =	stream.indirect_vreg.gather [hbm4b:s10+s6], $0x80, v19, vm0, $0xb8;
	[tilespmem:$0x1E880] =	vst v63  }
0x14d: {  	s7 =	simm.s32 $0x3F00  }
0x14e: {  	[tilespmem:s7], [sflag:$0x2] =	stream.indirect_vreg.gather [hbm4b:s10+s6], $0x80, v25, vm0, $0xb8;
	[tilespmem:$0x1E880] =	vst v63  }
0x14f: {  	s8 =	simm.s32 $0x3F80  }
0x150: {  	[tilespmem:s8], [sflag:$0x2] =	stream.indirect_vreg.gather [hbm4b:s10+s6], $0x80, v17, vm0, $0xb8;
	[tilespmem:$0x1E880] =	vst v63  }
0x151: {  	v17 =	vld [tilespmem:$0x60];
	_ =	sdelay $0x4  }
0x152: {  	v18 =	vshll.u32 v17, $0x1  }
0x153: {  	v17 =	vand.u32 $0x7, v17;
	v18 =	vand.u32 $0xFFFFFFF0, v18  }
0x154: {  	v17 =	vor.u32 v17, v18  }
0x155: {  	v18 =	vperm.xlane v17, v2;
	_ =	sdelay $0x1  }
0x156: {  	v19 =	vperm.xlane v17, v1;
	v18 =	vadd.s32 v3, v18;
	_ =	sdelay $0x1  }
0x157: {  	v26 =	vperm.xlane v17, v4;
	v19 =	vadd.s32 v3, v19;
	_ =	sdelay $0x1  }
0x158: {  	s7 =	simm.s32 $0x4000;
	v27 =	vperm.xlane v17, v5;
	v20 =	vadd.s32 v3, v26  }
0x159: {  	[tilespmem:s7], [sflag:$0x2] =	stream.indirect_vreg.gather [hbm4b:s10+s6], $0x80, v18, vm0, $0xb8;
	[tilespmem:$0x1E880] =	vst v63  }
0x15a: {  	s8 =	simm.s32 $0x4080;
	v28 =	vperm.xlane v17, v6;
	v18 =	vadd.s32 v3, v27  }
0x15b: {  	[tilespmem:s8], [sflag:$0x2] =	stream.indirect_vreg.gather [hbm4b:s10+s6], $0x80, v19, vm0, $0xb8;
	[tilespmem:$0x1E880] =	vst v63  }
0x15c: {  	v29 =	vperm.xlane v17, v7;
	s7 =	simm.s32 $0x4100;
	v19 =	vadd.s32 v3, v28  }
0x15d: {  	[tilespmem:s7], [sflag:$0x2] =	stream.indirect_vreg.gather [hbm4b:s10+s6], $0x80, v20, vm0, $0xb8;
	[tilespmem:$0x1E880] =	vst v63  }
0x15e: {  	v31 =	vperm.xlane v17, v8;
	v30 =	vadd.s32 v3, v29;
	s8 =	simm.s32 $0x4180  }
0x15f: {  	[tilespmem:s8], [sflag:$0x2] =	stream.indirect_vreg.gather [hbm4b:s10+s6], $0x80, v18, vm0, $0xb8;
	[tilespmem:$0x1E880] =	vst v63  }
0x160: {  	v32 =	vperm.xlane v17, v0;
	s7 =	simm.s32 $0x4200;
	v18 =	vadd.s32 v3, v31  }
0x161: {  	[tilespmem:s7], [sflag:$0x2] =	stream.indirect_vreg.gather [hbm4b:s10+s6], $0x80, v19, vm0, $0xb8;
	[tilespmem:$0x1E880] =	vst v63  }
0x162: {  	v33 =	vperm.xlane v17, v9;
	s8 =	simm.s32 $0x4280;
	v19 =	vadd.s32 v3, v32  }
0x163: {  	[tilespmem:s8], [sflag:$0x2] =	stream.indirect_vreg.gather [hbm4b:s10+s6], $0x80, v30, vm0, $0xb8;
	[tilespmem:$0x1E880] =	vst v63  }
0x164: {  	v35 =	vperm.xlane v17, v10;
	v34 =	vadd.s32 v3, v33;
	s7 =	simm.s32 $0x4300  }
0x165: {  	[tilespmem:s7], [sflag:$0x2] =	stream.indirect_vreg.gather [hbm4b:s10+s6], $0x80, v18, vm0, $0xb8;
	[tilespmem:$0x1E880] =	vst v63  }
0x166: {  	v36 =	vperm.xlane v17, v11;
	s8 =	simm.s32 $0x4380;
	v18 =	vadd.s32 v3, v35  }
0x167: {  	[tilespmem:s8], [sflag:$0x2] =	stream.indirect_vreg.gather [hbm4b:s10+s6], $0x80, v19, vm0, $0xb8;
	[tilespmem:$0x1E880] =	vst v63  }
0x168: {  	v37 =	vperm.xlane v17, v12;
	s7 =	simm.s32 $0x4400;
	v19 =	vadd.s32 v3, v36  }
0x169: {  	[tilespmem:s7], [sflag:$0x2] =	stream.indirect_vreg.gather [hbm4b:s10+s6], $0x80, v34, vm0, $0xb8;
	[tilespmem:$0x1E880] =	vst v63  }
0x16a: {  	v39 =	vperm.xlane v17, v13;
	v38 =	vadd.s32 v3, v37;
	s8 =	simm.s32 $0x4480  }
0x16b: {  	[tilespmem:s8], [sflag:$0x2] =	stream.indirect_vreg.gather [hbm4b:s10+s6], $0x80, v18, vm0, $0xb8;
	[tilespmem:$0x1E880] =	vst v63  }
0x16c: {  	v40 =	vperm.xlane v17, v14;
	s7 =	simm.s32 $0x4500;
	v18 =	vadd.s32 v3, v39  }
0x16d: {  	[tilespmem:s7], [sflag:$0x2] =	stream.indirect_vreg.gather [hbm4b:s10+s6], $0x80, v19, vm0, $0xb8;
	[tilespmem:$0x1E880] =	vst v63  }
0x16e: {  	v41 =	vperm.xlane v17, v15;
	s8 =	simm.s32 $0x4580;
	v19 =	vadd.s32 v3, v40  }
0x16f: {  	[tilespmem:s8], [sflag:$0x2] =	stream.indirect_vreg.gather [hbm4b:s10+s6], $0x80, v38, vm0, $0xb8;
	[tilespmem:$0x1E880] =	vst v63  }
0x170: {  	v17 =	vperm.xlane v17, v16;
	v42 =	vadd.s32 v3, v41;
	s7 =	simm.s32 $0x4600  }
0x171: {  	[tilespmem:s7], [sflag:$0x2] =	stream.indirect_vreg.gather [hbm4b:s10+s6], $0x80, v18, vm0, $0xb8;
	[tilespmem:$0x1E880] =	vst v63  }
0x172: {  	v17 =	vadd.s32 v3, v17;
	s8 =	simm.s32 $0x4680  }
0x173: {  	[tilespmem:s8], [sflag:$0x2] =	stream.indirect_vreg.gather [hbm4b:s10+s6], $0x80, v19, vm0, $0xb8;
	[tilespmem:$0x1E880] =	vst v63  }
0x174: {  	s7 =	simm.s32 $0x4700  }
0x175: {  	[tilespmem:s7], [sflag:$0x2] =	stream.indirect_vreg.gather [hbm4b:s10+s6], $0x80, v42, vm0, $0xb8;
	[tilespmem:$0x1E880] =	vst v63  }
0x176: {  	s8 =	simm.s32 $0x4780  }
0x177: {  	[tilespmem:s8], [sflag:$0x2] =	stream.indirect_vreg.gather [hbm4b:s10+s6], $0x80, v17, vm0, $0xb8;
	[tilespmem:$0x1E880] =	vst v63  }
0x178: {  	v17 =	vld [tilespmem:$0x70];
	_ =	sdelay $0x4  }
0x179: {  	v18 =	vshll.u32 v17, $0x1  }
0x17a: {  	v17 =	vand.u32 $0x7, v17;
	v18 =	vand.u32 $0xFFFFFFF0, v18  }
0x17b: {  	v17 =	vor.u32 v17, v18  }
0x17c: {  	v18 =	vperm.xlane v17, v2;
	_ =	sdelay $0x1  }
0x17d: {  	v19 =	vperm.xlane v17, v1;
	v18 =	vadd.s32 v3, v18;
	_ =	sdelay $0x1  }
0x17e: {  	v43 =	vperm.xlane v17, v4;
	v19 =	vadd.s32 v3, v19;
	_ =	sdelay $0x1  }
0x17f: {  	s7 =	simm.s32 $0x4800;
	v44 =	vperm.xlane v17, v5;
	v20 =	vadd.s32 v3, v43  }
0x180: {  	[tilespmem:s7], [sflag:$0x2] =	stream.indirect_vreg.gather [hbm4b:s10+s6], $0x80, v18, vm0, $0xb8;
	[tilespmem:$0x1E880] =	vst v63  }
0x181: {  	s8 =	simm.s32 $0x4880;
	v45 =	vperm.xlane v17, v6;
	v18 =	vadd.s32 v3, v44  }
0x182: {  	[tilespmem:s8], [sflag:$0x2] =	stream.indirect_vreg.gather [hbm4b:s10+s6], $0x80, v19, vm0, $0xb8;
	[tilespmem:$0x1E880] =	vst v63  }
0x183: {  	v46 =	vperm.xlane v17, v7;
	s7 =	simm.s32 $0x4900;
	v19 =	vadd.s32 v3, v45  }
0x184: {  	[tilespmem:s7], [sflag:$0x2] =	stream.indirect_vreg.gather [hbm4b:s10+s6], $0x80, v20, vm0, $0xb8;
	[tilespmem:$0x1E880] =	vst v63  }
0x185: {  	v48 =	vperm.xlane v17, v8;
	v47 =	vadd.s32 v3, v46;
	s8 =	simm.s32 $0x4980  }
0x186: {  	[tilespmem:s8], [sflag:$0x2] =	stream.indirect_vreg.gather [hbm4b:s10+s6], $0x80, v18, vm0, $0xb8;
	[tilespmem:$0x1E880] =	vst v63  }
0x187: {  	v49 =	vperm.xlane v17, v0;
	s7 =	simm.s32 $0x4A00;
	v18 =	vadd.s32 v3, v48  }
0x188: {  	[tilespmem:s7], [sflag:$0x2] =	stream.indirect_vreg.gather [hbm4b:s10+s6], $0x80, v19, vm0, $0xb8;
	[tilespmem:$0x1E880] =	vst v63  }
0x189: {  	v50 =	vperm.xlane v17, v9;
	s8 =	simm.s32 $0x4A80;
	v19 =	vadd.s32 v3, v49  }
0x18a: {  	[tilespmem:s8], [sflag:$0x2] =	stream.indirect_vreg.gather [hbm4b:s10+s6], $0x80, v47, vm0, $0xb8;
	[tilespmem:$0x1E880] =	vst v63  }
0x18b: {  	v52 =	vperm.xlane v17, v10;
	v51 =	vadd.s32 v3, v50;
	s7 =	simm.s32 $0x4B00  }
0x18c: {  	[tilespmem:s7], [sflag:$0x2] =	stream.indirect_vreg.gather [hbm4b:s10+s6], $0x80, v18, vm0, $0xb8;
	[tilespmem:$0x1E880] =	vst v63  }
0x18d: {  	v53 =	vperm.xlane v17, v11;
	s8 =	simm.s32 $0x4B80;
	v18 =	vadd.s32 v3, v52  }
0x18e: {  	[tilespmem:s8], [sflag:$0x2] =	stream.indirect_vreg.gather [hbm4b:s10+s6], $0x80, v19, vm0, $0xb8;
	[tilespmem:$0x1E880] =	vst v63  }
0x18f: {  	v54 =	vperm.xlane v17, v12;
	s7 =	simm.s32 $0x4C00;
	v19 =	vadd.s32 v3, v53  }
0x190: {  	[tilespmem:s7], [sflag:$0x2] =	stream.indirect_vreg.gather [hbm4b:s10+s6], $0x80, v51, vm0, $0xb8;
	[tilespmem:$0x1E880] =	vst v63  }
0x191: {  	v56 =	vperm.xlane v17, v13;
	v55 =	vadd.s32 v3, v54;
	s8 =	simm.s32 $0x4C80  }
0x192: {  	[tilespmem:s8], [sflag:$0x2] =	stream.indirect_vreg.gather [hbm4b:s10+s6], $0x80, v18, vm0, $0xb8;
	[tilespmem:$0x1E880] =	vst v63  }
0x193: {  	v57 =	vperm.xlane v17, v14;
	s7 =	simm.s32 $0x4D00;
	v18 =	vadd.s32 v3, v56  }
0x194: {  	[tilespmem:s7], [sflag:$0x2] =	stream.indirect_vreg.gather [hbm4b:s10+s6], $0x80, v19, vm0, $0xb8;
	[tilespmem:$0x1E880] =	vst v63  }
0x195: {  	v58 =	vperm.xlane v17, v15;
	s8 =	simm.s32 $0x4D80;
	v19 =	vadd.s32 v3, v57  }
0x196: {  	[tilespmem:s8], [sflag:$0x2] =	stream.indirect_vreg.gather [hbm4b:s10+s6], $0x80, v55, vm0, $0xb8;
	[tilespmem:$0x1E880] =	vst v63  }
0x197: {  	v17 =	vperm.xlane v17, v16;
	v59 =	vadd.s32 v3, v58;
	s7 =	simm.s32 $0x4E00  }
0x198: {  	[tilespmem:s7], [sflag:$0x2] =	stream.indirect_vreg.gather [hbm4b:s10+s6], $0x80, v18, vm0, $0xb8;
	[tilespmem:$0x1E880] =	vst v63  }
0x199: {  	v17 =	vadd.s32 v3, v17;
	s8 =	simm.s32 $0x4E80  }
0x19a: {  	[tilespmem:s8], [sflag:$0x2] =	stream.indirect_vreg.gather [hbm4b:s10+s6], $0x80, v19, vm0, $0xb8;
	[tilespmem:$0x1E880] =	vst v63  }
0x19b: {  	s7 =	simm.s32 $0x4F00  }
0x19c: {  	[tilespmem:s7], [sflag:$0x2] =	stream.indirect_vreg.gather [hbm4b:s10+s6], $0x80, v59, vm0, $0xb8;
	[tilespmem:$0x1E880] =	vst v63  }
0x19d: {  	s8 =	simm.s32 $0x4F80  }
0x19e: {  	[tilespmem:s8], [sflag:$0x2] =	stream.indirect_vreg.gather [hbm4b:s10+s6], $0x80, v17, vm0, $0xb8;
	[tilespmem:$0x1E880] =	vst v63  }
0x19f: {  	v17 =	vld [tilespmem:$0x80];
	_ =	sdelay $0x4  }
0x1a0: {  	v18 =	vshll.u32 v17, $0x1  }
0x1a1: {  	v17 =	vand.u32 $0x7, v17;
	v18 =	vand.u32 $0xFFFFFFF0, v18  }
0x1a2: {  	v17 =	vor.u32 v17, v18  }
0x1a3: {  	v18 =	vperm.xlane v17, v2;
	_ =	sdelay $0x1  }
0x1a4: {  	v19 =	vperm.xlane v17, v1;
	v18 =	vadd.s32 v3, v18;
	_ =	sdelay $0x1  }
0x1a5: {  	v60 =	vperm.xlane v17, v4;
	v19 =	vadd.s32 v3, v19;
	_ =	sdelay $0x1  }
0x1a6: {  	s7 =	simm.s32 $0x5000;
	v61 =	vperm.xlane v17, v5;
	v20 =	vadd.s32 v3, v60  }
0x1a7: {  	[tilespmem:s7], [sflag:$0x2] =	stream.indirect_vreg.gather [hbm4b:s10+s6], $0x80, v18, vm0, $0xb8;
	[tilespmem:$0x1E880] =	vst v63  }
0x1a8: {  	s8 =	simm.s32 $0x5080;
	v62 =	vperm.xlane v17, v6;
	v18 =	vadd.s32 v3, v61  }
0x1a9: {  	[tilespmem:s8], [sflag:$0x2] =	stream.indirect_vreg.gather [hbm4b:s10+s6], $0x80, v19, vm0, $0xb8;
	[tilespmem:$0x1E880] =	vst v63  }
0x1aa: {  	v63 =	vperm.xlane v17, v7;
	s7 =	simm.s32 $0x5100;
	v19 =	vadd.s32 v3, v62  }
0x1ab: {  	[tilespmem:s7], [sflag:$0x2] =	stream.indirect_vreg.gather [hbm4b:s10+s6], $0x80, v20, vm0, $0xb8;
	[tilespmem:$0x1E880] =	vst v63  }
0x1ac: {  	v25 =	vperm.xlane v17, v8;
	v24 =	vadd.s32 v3, v63;
	s8 =	simm.s32 $0x5180  }
0x1ad: {  	[tilespmem:s8], [sflag:$0x2] =	stream.indirect_vreg.gather [hbm4b:s10+s6], $0x80, v18, vm0, $0xb8;
	[tilespmem:$0x1E880] =	vst v63  }
0x1ae: {  	v26 =	vperm.xlane v17, v0;
	s7 =	simm.s32 $0x5200;
	v18 =	vadd.s32 v3, v25  }
0x1af: {  	[tilespmem:s7], [sflag:$0x2] =	stream.indirect_vreg.gather [hbm4b:s10+s6], $0x80, v19, vm0, $0xb8;
	[tilespmem:$0x1E880] =	vst v63  }
0x1b0: {  	v27 =	vperm.xlane v17, v9;
	s8 =	simm.s32 $0x5280;
	v19 =	vadd.s32 v3, v26  }
0x1b1: {  	[tilespmem:s8], [sflag:$0x2] =	stream.indirect_vreg.gather [hbm4b:s10+s6], $0x80, v24, vm0, $0xb8;
	[tilespmem:$0x1E880] =	vst v63  }
0x1b2: {  	v29 =	vperm.xlane v17, v10;
	v28 =	vadd.s32 v3, v27;
	s7 =	simm.s32 $0x5300  }
0x1b3: {  	[tilespmem:s7], [sflag:$0x2] =	stream.indirect_vreg.gather [hbm4b:s10+s6], $0x80, v18, vm0, $0xb8;
	[tilespmem:$0x1E880] =	vst v63  }
0x1b4: {  	v30 =	vperm.xlane v17, v11;
	s8 =	simm.s32 $0x5380;
	v18 =	vadd.s32 v3, v29  }
0x1b5: {  	[tilespmem:s8], [sflag:$0x2] =	stream.indirect_vreg.gather [hbm4b:s10+s6], $0x80, v19, vm0, $0xb8;
	[tilespmem:$0x1E880] =	vst v63  }
0x1b6: {  	v31 =	vperm.xlane v17, v12;
	s7 =	simm.s32 $0x5400;
	v19 =	vadd.s32 v3, v30  }
0x1b7: {  	[tilespmem:s7], [sflag:$0x2] =	stream.indirect_vreg.gather [hbm4b:s10+s6], $0x80, v28, vm0, $0xb8;
	[tilespmem:$0x1E880] =	vst v63  }
0x1b8: {  	v33 =	vperm.xlane v17, v13;
	v32 =	vadd.s32 v3, v31;
	s8 =	simm.s32 $0x5480  }
0x1b9: {  	[tilespmem:s8], [sflag:$0x2] =	stream.indirect_vreg.gather [hbm4b:s10+s6], $0x80, v18, vm0, $0xb8;
	[tilespmem:$0x1E880] =	vst v63  }
0x1ba: {  	v34 =	vperm.xlane v17, v14;
	s7 =	simm.s32 $0x5500;
	v18 =	vadd.s32 v3, v33  }
0x1bb: {  	[tilespmem:s7], [sflag:$0x2] =	stream.indirect_vreg.gather [hbm4b:s10+s6], $0x80, v19, vm0, $0xb8;
	[tilespmem:$0x1E880] =	vst v63  }
0x1bc: {  	v35 =	vperm.xlane v17, v15;
	s8 =	simm.s32 $0x5580;
	v19 =	vadd.s32 v3, v34  }
0x1bd: {  	[tilespmem:s8], [sflag:$0x2] =	stream.indirect_vreg.gather [hbm4b:s10+s6], $0x80, v32, vm0, $0xb8;
	[tilespmem:$0x1E880] =	vst v63  }
0x1be: {  	v17 =	vperm.xlane v17, v16;
	v36 =	vadd.s32 v3, v35;
	s7 =	simm.s32 $0x5600  }
0x1bf: {  	[tilespmem:s7], [sflag:$0x2] =	stream.indirect_vreg.gather [hbm4b:s10+s6], $0x80, v18, vm0, $0xb8;
	[tilespmem:$0x1E880] =	vst v63  }
0x1c0: {  	v17 =	vadd.s32 v3, v17;
	s8 =	simm.s32 $0x5680  }
0x1c1: {  	[tilespmem:s8], [sflag:$0x2] =	stream.indirect_vreg.gather [hbm4b:s10+s6], $0x80, v19, vm0, $0xb8;
	[tilespmem:$0x1E880] =	vst v63  }
0x1c2: {  	s7 =	simm.s32 $0x5700  }
0x1c3: {  	[tilespmem:s7], [sflag:$0x2] =	stream.indirect_vreg.gather [hbm4b:s10+s6], $0x80, v36, vm0, $0xb8;
	[tilespmem:$0x1E880] =	vst v63  }
0x1c4: {  	s8 =	simm.s32 $0x5780  }
0x1c5: {  	[tilespmem:s8], [sflag:$0x2] =	stream.indirect_vreg.gather [hbm4b:s10+s6], $0x80, v17, vm0, $0xb8;
	[tilespmem:$0x1E880] =	vst v63  }
0x1c6: {  	v17 =	vld [tilespmem:$0x90];
	_ =	sdelay $0x4  }
0x1c7: {  	v18 =	vshll.u32 v17, $0x1  }
0x1c8: {  	v17 =	vand.u32 $0x7, v17;
	v18 =	vand.u32 $0xFFFFFFF0, v18  }
0x1c9: {  	v17 =	vor.u32 v17, v18  }
0x1ca: {  	v18 =	vperm.xlane v17, v2;
	_ =	sdelay $0x1  }
0x1cb: {  	v19 =	vperm.xlane v17, v1;
	v18 =	vadd.s32 v3, v18;
	_ =	sdelay $0x1  }
0x1cc: {  	v37 =	vperm.xlane v17, v4;
	v19 =	vadd.s32 v3, v19;
	_ =	sdelay $0x1  }
0x1cd: {  	s7 =	simm.s32 $0x5800;
	v38 =	vperm.xlane v17, v5;
	v20 =	vadd.s32 v3, v37  }
0x1ce: {  	[tilespmem:s7], [sflag:$0x2] =	stream.indirect_vreg.gather [hbm4b:s10+s6], $0x80, v18, vm0, $0xb8;
	[tilespmem:$0x1E880] =	vst v63  }
0x1cf: {  	s8 =	simm.s32 $0x5880;
	v39 =	vperm.xlane v17, v6;
	v18 =	vadd.s32 v3, v38  }
0x1d0: {  	[tilespmem:s8], [sflag:$0x2] =	stream.indirect_vreg.gather [hbm4b:s10+s6], $0x80, v19, vm0, $0xb8;
	[tilespmem:$0x1E880] =	vst v63  }
0x1d1: {  	v40 =	vperm.xlane v17, v7;
	s7 =	simm.s32 $0x5900;
	v19 =	vadd.s32 v3, v39  }
0x1d2: {  	[tilespmem:s7], [sflag:$0x2] =	stream.indirect_vreg.gather [hbm4b:s10+s6], $0x80, v20, vm0, $0xb8;
	[tilespmem:$0x1E880] =	vst v63  }
0x1d3: {  	v42 =	vperm.xlane v17, v8;
	v41 =	vadd.s32 v3, v40;
	s8 =	simm.s32 $0x5980  }
0x1d4: {  	[tilespmem:s8], [sflag:$0x2] =	stream.indirect_vreg.gather [hbm4b:s10+s6], $0x80, v18, vm0, $0xb8;
	[tilespmem:$0x1E880] =	vst v63  }
0x1d5: {  	v43 =	vperm.xlane v17, v0;
	s7 =	simm.s32 $0x5A00;
	v18 =	vadd.s32 v3, v42  }
0x1d6: {  	[tilespmem:s7], [sflag:$0x2] =	stream.indirect_vreg.gather [hbm4b:s10+s6], $0x80, v19, vm0, $0xb8;
	[tilespmem:$0x1E880] =	vst v63  }
0x1d7: {  	v44 =	vperm.xlane v17, v9;
	s8 =	simm.s32 $0x5A80;
	v19 =	vadd.s32 v3, v43  }
0x1d8: {  	[tilespmem:s8], [sflag:$0x2] =	stream.indirect_vreg.gather [hbm4b:s10+s6], $0x80, v41, vm0, $0xb8;
	[tilespmem:$0x1E880] =	vst v63  }
0x1d9: {  	v46 =	vperm.xlane v17, v10;
	v45 =	vadd.s32 v3, v44;
	s7 =	simm.s32 $0x5B00  }
0x1da: {  	[tilespmem:s7], [sflag:$0x2] =	stream.indirect_vreg.gather [hbm4b:s10+s6], $0x80, v18, vm0, $0xb8;
	[tilespmem:$0x1E880] =	vst v63  }
0x1db: {  	v47 =	vperm.xlane v17, v11;
	s8 =	simm.s32 $0x5B80;
	v18 =	vadd.s32 v3, v46  }
0x1dc: {  	[tilespmem:s8], [sflag:$0x2] =	stream.indirect_vreg.gather [hbm4b:s10+s6], $0x80, v19, vm0, $0xb8;
	[tilespmem:$0x1E880] =	vst v63  }
0x1dd: {  	v48 =	vperm.xlane v17, v12;
	s7 =	simm.s32 $0x5C00;
	v19 =	vadd.s32 v3, v47  }
0x1de: {  	[tilespmem:s7], [sflag:$0x2] =	stream.indirect_vreg.gather [hbm4b:s10+s6], $0x80, v45, vm0, $0xb8;
	[tilespmem:$0x1E880] =	vst v63  }
0x1df: {  	v50 =	vperm.xlane v17, v13;
	v49 =	vadd.s32 v3, v48;
	s8 =	simm.s32 $0x5C80  }
0x1e0: {  	[tilespmem:s8], [sflag:$0x2] =	stream.indirect_vreg.gather [hbm4b:s10+s6], $0x80, v18, vm0, $0xb8;
	[tilespmem:$0x1E880] =	vst v63  }
0x1e1: {  	v51 =	vperm.xlane v17, v14;
	s7 =	simm.s32 $0x5D00;
	v18 =	vadd.s32 v3, v50  }
0x1e2: {  	[tilespmem:s7], [sflag:$0x2] =	stream.indirect_vreg.gather [hbm4b:s10+s6], $0x80, v19, vm0, $0xb8;
	[tilespmem:$0x1E880] =	vst v63  }
0x1e3: {  	v52 =	vperm.xlane v17, v15;
	s8 =	simm.s32 $0x5D80;
	v19 =	vadd.s32 v3, v51  }
0x1e4: {  	[tilespmem:s8], [sflag:$0x2] =	stream.indirect_vreg.gather [hbm4b:s10+s6], $0x80, v49, vm0, $0xb8;
	[tilespmem:$0x1E880] =	vst v63  }
0x1e5: {  	v17 =	vperm.xlane v17, v16;
	v53 =	vadd.s32 v3, v52;
	s7 =	simm.s32 $0x5E00  }
0x1e6: {  	[tilespmem:s7], [sflag:$0x2] =	stream.indirect_vreg.gather [hbm4b:s10+s6], $0x80, v18, vm0, $0xb8;
	[tilespmem:$0x1E880] =	vst v63  }
0x1e7: {  	v17 =	vadd.s32 v3, v17;
	s8 =	simm.s32 $0x5E80  }
0x1e8: {  	[tilespmem:s8], [sflag:$0x2] =	stream.indirect_vreg.gather [hbm4b:s10+s6], $0x80, v19, vm0, $0xb8;
	[tilespmem:$0x1E880] =	vst v63  }
0x1e9: {  	s7 =	simm.s32 $0x5F00  }
0x1ea: {  	[tilespmem:s7], [sflag:$0x2] =	stream.indirect_vreg.gather [hbm4b:s10+s6], $0x80, v53, vm0, $0xb8;
	[tilespmem:$0x1E880] =	vst v63  }
0x1eb: {  	s8 =	simm.s32 $0x5F80  }
0x1ec: {  	[tilespmem:s8], [sflag:$0x2] =	stream.indirect_vreg.gather [hbm4b:s10+s6], $0x80, v17, vm0, $0xb8;
	[tilespmem:$0x1E880] =	vst v63  }
0x1ed: {  	v17 =	vld [tilespmem:$0xA0];
	_ =	sdelay $0x4  }
0x1ee: {  	v18 =	vshll.u32 v17, $0x1  }
0x1ef: {  	v17 =	vand.u32 $0x7, v17;
	v18 =	vand.u32 $0xFFFFFFF0, v18  }
0x1f0: {  	v17 =	vor.u32 v17, v18  }
0x1f1: {  	v18 =	vperm.xlane v17, v2;
	_ =	sdelay $0x1  }
0x1f2: {  	v19 =	vperm.xlane v17, v1;
	v18 =	vadd.s32 v3, v18;
	_ =	sdelay $0x1  }
0x1f3: {  	v54 =	vperm.xlane v17, v4;
	v19 =	vadd.s32 v3, v19;
	_ =	sdelay $0x1  }
0x1f4: {  	v55 =	vperm.xlane v17, v5;
	v20 =	vadd.s32 v3, v54  }
0x1f5: {  	[tilespmem:s24], [sflag:$0x3] =	stream.indirect_vreg.gather [hbm4b:s10+s6], $0x80, v18, vm0, $0xb8;
	[tilespmem:$0x1E880] =	vst v63  }
0x1f6: {  	s7 =	simm.s32 $0x6080;
	v56 =	vperm.xlane v17, v6;
	v18 =	vadd.s32 v3, v55  }
0x1f7: {  	[tilespmem:s7], [sflag:$0x3] =	stream.indirect_vreg.gather [hbm4b:s10+s6], $0x80, v19, vm0, $0xb8;
	[tilespmem:$0x1E880] =	vst v63  }
0x1f8: {  	s8 =	simm.s32 $0x6100;
	v57 =	vperm.xlane v17, v7;
	v19 =	vadd.s32 v3, v56  }
0x1f9: {  	[tilespmem:s8], [sflag:$0x3] =	stream.indirect_vreg.gather [hbm4b:s10+s6], $0x80, v20, vm0, $0xb8;
	[tilespmem:$0x1E880] =	vst v63  }
0x1fa: {  	v59 =	vperm.xlane v17, v8;
	v58 =	vadd.s32 v3, v57;
	s7 =	simm.s32 $0x6180  }
0x1fb: {  	[tilespmem:s7], [sflag:$0x3] =	stream.indirect_vreg.gather [hbm4b:s10+s6], $0x80, v18, vm0, $0xb8;
	[tilespmem:$0x1E880] =	vst v63  }
0x1fc: {  	v60 =	vperm.xlane v17, v0;
	s8 =	simm.s32 $0x6200;
	v18 =	vadd.s32 v3, v59  }
0x1fd: {  	[tilespmem:s8], [sflag:$0x3] =	stream.indirect_vreg.gather [hbm4b:s10+s6], $0x80, v19, vm0, $0xb8;
	[tilespmem:$0x1E880] =	vst v63  }
0x1fe: {  	v61 =	vperm.xlane v17, v9;
	s7 =	simm.s32 $0x6280;
	v19 =	vadd.s32 v3, v60  }
0x1ff: {  	[tilespmem:s7], [sflag:$0x3] =	stream.indirect_vreg.gather [hbm4b:s10+s6], $0x80, v58, vm0, $0xb8;
	[tilespmem:$0x1E880] =	vst v63  }
0x200: {  	v63 =	vperm.xlane v17, v10;
	v62 =	vadd.s32 v3, v61;
	s8 =	simm.s32 $0x6300  }
0x201: {  	[tilespmem:s8], [sflag:$0x3] =	stream.indirect_vreg.gather [hbm4b:s10+s6], $0x80, v18, vm0, $0xb8;
	[tilespmem:$0x1E880] =	vst v63  }
0x202: {  	v24 =	vperm.xlane v17, v11;
	s7 =	simm.s32 $0x6380;
	v18 =	vadd.s32 v3, v63  }
0x203: {  	[tilespmem:s7], [sflag:$0x3] =	stream.indirect_vreg.gather [hbm4b:s10+s6], $0x80, v19, vm0, $0xb8;
	[tilespmem:$0x1E880] =	vst v63  }
0x204: {  	v25 =	vperm.xlane v17, v12;
	s8 =	simm.s32 $0x6400;
	v19 =	vadd.s32 v3, v24  }
0x205: {  	[tilespmem:s8], [sflag:$0x3] =	stream.indirect_vreg.gather [hbm4b:s10+s6], $0x80, v62, vm0, $0xb8;
	[tilespmem:$0x1E880] =	vst v63  }
0x206: {  	v27 =	vperm.xlane v17, v13;
	v26 =	vadd.s32 v3, v25;
	s7 =	simm.s32 $0x6480  }
0x207: {  	[tilespmem:s7], [sflag:$0x3] =	stream.indirect_vreg.gather [hbm4b:s10+s6], $0x80, v18, vm0, $0xb8;
	[tilespmem:$0x1E880] =	vst v63  }
0x208: {  	v28 =	vperm.xlane v17, v14;
	s8 =	simm.s32 $0x6500;
	v18 =	vadd.s32 v3, v27  }
0x209: {  	[tilespmem:s8], [sflag:$0x3] =	stream.indirect_vreg.gather [hbm4b:s10+s6], $0x80, v19, vm0, $0xb8;
	[tilespmem:$0x1E880] =	vst v63  }
0x20a: {  	v29 =	vperm.xlane v17, v15;
	s7 =	simm.s32 $0x6580;
	v19 =	vadd.s32 v3, v28  }
0x20b: {  	[tilespmem:s7], [sflag:$0x3] =	stream.indirect_vreg.gather [hbm4b:s10+s6], $0x80, v26, vm0, $0xb8;
	[tilespmem:$0x1E880] =	vst v63  }
0x20c: {  	v17 =	vperm.xlane v17, v16;
	v30 =	vadd.s32 v3, v29;
	s8 =	simm.s32 $0x6600  }
0x20d: {  	[tilespmem:s8], [sflag:$0x3] =	stream.indirect_vreg.gather [hbm4b:s10+s6], $0x80, v18, vm0, $0xb8;
	[tilespmem:$0x1E880] =	vst v63  }
0x20e: {  	v17 =	vadd.s32 v3, v17;
	s7 =	simm.s32 $0x6680  }
0x20f: {  	[tilespmem:s7], [sflag:$0x3] =	stream.indirect_vreg.gather [hbm4b:s10+s6], $0x80, v19, vm0, $0xb8;
	[tilespmem:$0x1E880] =	vst v63  }
0x210: {  	s8 =	simm.s32 $0x6700  }
0x211: {  	[tilespmem:s8], [sflag:$0x3] =	stream.indirect_vreg.gather [hbm4b:s10+s6], $0x80, v30, vm0, $0xb8;
	[tilespmem:$0x1E880] =	vst v63  }
0x212: {  	s7 =	simm.s32 $0x6780  }
0x213: {  	[tilespmem:s7], [sflag:$0x3] =	stream.indirect_vreg.gather [hbm4b:s10+s6], $0x80, v17, vm0, $0xb8;
	[tilespmem:$0x1E880] =	vst v63  }
0x214: {  	v17 =	vld [tilespmem:$0xB0];
	_ =	sdelay $0x4  }
0x215: {  	v18 =	vshll.u32 v17, $0x1  }
0x216: {  	v17 =	vand.u32 $0x7, v17;
	v18 =	vand.u32 $0xFFFFFFF0, v18  }
0x217: {  	v17 =	vor.u32 v17, v18  }
0x218: {  	v18 =	vperm.xlane v17, v2;
	_ =	sdelay $0x1  }
0x219: {  	v19 =	vperm.xlane v17, v1;
	v18 =	vadd.s32 v3, v18;
	_ =	sdelay $0x1  }
0x21a: {  	v31 =	vperm.xlane v17, v4;
	v19 =	vadd.s32 v3, v19;
	_ =	sdelay $0x1  }
0x21b: {  	s8 =	simm.s32 $0x6800;
	v32 =	vperm.xlane v17, v5;
	v20 =	vadd.s32 v3, v31  }
0x21c: {  	[tilespmem:s8], [sflag:$0x3] =	stream.indirect_vreg.gather [hbm4b:s10+s6], $0x80, v18, vm0, $0xb8;
	[tilespmem:$0x1E880] =	vst v63  }
0x21d: {  	s7 =	simm.s32 $0x6880;
	v33 =	vperm.xlane v17, v6;
	v18 =	vadd.s32 v3, v32  }
0x21e: {  	[tilespmem:s7], [sflag:$0x3] =	stream.indirect_vreg.gather [hbm4b:s10+s6], $0x80, v19, vm0, $0xb8;
	[tilespmem:$0x1E880] =	vst v63  }
0x21f: {  	v34 =	vperm.xlane v17, v7;
	s8 =	simm.s32 $0x6900;
	v19 =	vadd.s32 v3, v33  }
0x220: {  	[tilespmem:s8], [sflag:$0x3] =	stream.indirect_vreg.gather [hbm4b:s10+s6], $0x80, v20, vm0, $0xb8;
	[tilespmem:$0x1E880] =	vst v63  }
0x221: {  	v36 =	vperm.xlane v17, v8;
	v35 =	vadd.s32 v3, v34;
	s7 =	simm.s32 $0x6980  }
0x222: {  	[tilespmem:s7], [sflag:$0x3] =	stream.indirect_vreg.gather [hbm4b:s10+s6], $0x80, v18, vm0, $0xb8;
	[tilespmem:$0x1E880] =	vst v63  }
0x223: {  	v37 =	vperm.xlane v17, v0;
	s8 =	simm.s32 $0x6A00;
	v18 =	vadd.s32 v3, v36  }
0x224: {  	[tilespmem:s8], [sflag:$0x3] =	stream.indirect_vreg.gather [hbm4b:s10+s6], $0x80, v19, vm0, $0xb8;
	[tilespmem:$0x1E880] =	vst v63  }
0x225: {  	v38 =	vperm.xlane v17, v9;
	s7 =	simm.s32 $0x6A80;
	v19 =	vadd.s32 v3, v37  }
0x226: {  	[tilespmem:s7], [sflag:$0x3] =	stream.indirect_vreg.gather [hbm4b:s10+s6], $0x80, v35, vm0, $0xb8;
	[tilespmem:$0x1E880] =	vst v63  }
0x227: {  	v40 =	vperm.xlane v17, v10;
	v39 =	vadd.s32 v3, v38;
	s8 =	simm.s32 $0x6B00  }
0x228: {  	[tilespmem:s8], [sflag:$0x3] =	stream.indirect_vreg.gather [hbm4b:s10+s6], $0x80, v18, vm0, $0xb8;
	[tilespmem:$0x1E880] =	vst v63  }
0x229: {  	v41 =	vperm.xlane v17, v11;
	s7 =	simm.s32 $0x6B80;
	v18 =	vadd.s32 v3, v40  }
0x22a: {  	[tilespmem:s7], [sflag:$0x3] =	stream.indirect_vreg.gather [hbm4b:s10+s6], $0x80, v19, vm0, $0xb8;
	[tilespmem:$0x1E880] =	vst v63  }
0x22b: {  	v42 =	vperm.xlane v17, v12;
	s8 =	simm.s32 $0x6C00;
	v19 =	vadd.s32 v3, v41  }
0x22c: {  	[tilespmem:s8], [sflag:$0x3] =	stream.indirect_vreg.gather [hbm4b:s10+s6], $0x80, v39, vm0, $0xb8;
	[tilespmem:$0x1E880] =	vst v63  }
0x22d: {  	v44 =	vperm.xlane v17, v13;
	v43 =	vadd.s32 v3, v42;
	s7 =	simm.s32 $0x6C80  }
0x22e: {  	[tilespmem:s7], [sflag:$0x3] =	stream.indirect_vreg.gather [hbm4b:s10+s6], $0x80, v18, vm0, $0xb8;
	[tilespmem:$0x1E880] =	vst v63  }
0x22f: {  	v45 =	vperm.xlane v17, v14;
	s8 =	simm.s32 $0x6D00;
	v18 =	vadd.s32 v3, v44  }
0x230: {  	[tilespmem:s8], [sflag:$0x3] =	stream.indirect_vreg.gather [hbm4b:s10+s6], $0x80, v19, vm0, $0xb8;
	[tilespmem:$0x1E880] =	vst v63  }
0x231: {  	v46 =	vperm.xlane v17, v15;
	s7 =	simm.s32 $0x6D80;
	v19 =	vadd.s32 v3, v45  }
0x232: {  	[tilespmem:s7], [sflag:$0x3] =	stream.indirect_vreg.gather [hbm4b:s10+s6], $0x80, v43, vm0, $0xb8;
	[tilespmem:$0x1E880] =	vst v63  }
0x233: {  	v17 =	vperm.xlane v17, v16;
	v47 =	vadd.s32 v3, v46;
	s8 =	simm.s32 $0x6E00  }
0x234: {  	[tilespmem:s8], [sflag:$0x3] =	stream.indirect_vreg.gather [hbm4b:s10+s6], $0x80, v18, vm0, $0xb8;
	[tilespmem:$0x1E880] =	vst v63  }
0x235: {  	v17 =	vadd.s32 v3, v17;
	s7 =	simm.s32 $0x6E80  }
0x236: {  	[tilespmem:s7], [sflag:$0x3] =	stream.indirect_vreg.gather [hbm4b:s10+s6], $0x80, v19, vm0, $0xb8;
	[tilespmem:$0x1E880] =	vst v63  }
0x237: {  	s8 =	simm.s32 $0x6F00  }
0x238: {  	[tilespmem:s8], [sflag:$0x3] =	stream.indirect_vreg.gather [hbm4b:s10+s6], $0x80, v47, vm0, $0xb8;
	[tilespmem:$0x1E880] =	vst v63  }
0x239: {  	s7 =	simm.s32 $0x6F80  }
0x23a: {  	[tilespmem:s7], [sflag:$0x3] =	stream.indirect_vreg.gather [hbm4b:s10+s6], $0x80, v17, vm0, $0xb8;
	[tilespmem:$0x1E880] =	vst v63  }
0x23b: {  	v17 =	vld [tilespmem:$0xC0];
	_ =	sdelay $0x4  }
0x23c: {  	v18 =	vshll.u32 v17, $0x1  }
0x23d: {  	v17 =	vand.u32 $0x7, v17;
	v18 =	vand.u32 $0xFFFFFFF0, v18  }
0x23e: {  	v17 =	vor.u32 v17, v18  }
0x23f: {  	v18 =	vperm.xlane v17, v2;
	_ =	sdelay $0x1  }
0x240: {  	v19 =	vperm.xlane v17, v1;
	v18 =	vadd.s32 v3, v18;
	_ =	sdelay $0x1  }
0x241: {  	v48 =	vperm.xlane v17, v4;
	v19 =	vadd.s32 v3, v19;
	_ =	sdelay $0x1  }
0x242: {  	s8 =	simm.s32 $0x7000;
	v49 =	vperm.xlane v17, v5;
	v20 =	vadd.s32 v3, v48  }
0x243: {  	[tilespmem:s8], [sflag:$0x3] =	stream.indirect_vreg.gather [hbm4b:s10+s6], $0x80, v18, vm0, $0xb8;
	[tilespmem:$0x1E880] =	vst v63  }
0x244: {  	s7 =	simm.s32 $0x7080;
	v50 =	vperm.xlane v17, v6;
	v18 =	vadd.s32 v3, v49  }
0x245: {  	[tilespmem:s7], [sflag:$0x3] =	stream.indirect_vreg.gather [hbm4b:s10+s6], $0x80, v19, vm0, $0xb8;
	[tilespmem:$0x1E880] =	vst v63  }
0x246: {  	v51 =	vperm.xlane v17, v7;
	s8 =	simm.s32 $0x7100;
	v19 =	vadd.s32 v3, v50  }
0x247: {  	[tilespmem:s8], [sflag:$0x3] =	stream.indirect_vreg.gather [hbm4b:s10+s6], $0x80, v20, vm0, $0xb8;
	[tilespmem:$0x1E880] =	vst v63  }
0x248: {  	v53 =	vperm.xlane v17, v8;
	v52 =	vadd.s32 v3, v51;
	s7 =	simm.s32 $0x7180  }
0x249: {  	[tilespmem:s7], [sflag:$0x3] =	stream.indirect_vreg.gather [hbm4b:s10+s6], $0x80, v18, vm0, $0xb8;
	[tilespmem:$0x1E880] =	vst v63  }
0x24a: {  	v54 =	vperm.xlane v17, v0;
	s8 =	simm.s32 $0x7200;
	v18 =	vadd.s32 v3, v53  }
0x24b: {  	[tilespmem:s8], [sflag:$0x3] =	stream.indirect_vreg.gather [hbm4b:s10+s6], $0x80, v19, vm0, $0xb8;
	[tilespmem:$0x1E880] =	vst v63  }
0x24c: {  	v55 =	vperm.xlane v17, v9;
	s7 =	simm.s32 $0x7280;
	v19 =	vadd.s32 v3, v54  }
0x24d: {  	[tilespmem:s7], [sflag:$0x3] =	stream.indirect_vreg.gather [hbm4b:s10+s6], $0x80, v52, vm0, $0xb8;
	[tilespmem:$0x1E880] =	vst v63  }
0x24e: {  	v57 =	vperm.xlane v17, v10;
	v56 =	vadd.s32 v3, v55;
	s8 =	simm.s32 $0x7300  }
0x24f: {  	[tilespmem:s8], [sflag:$0x3] =	stream.indirect_vreg.gather [hbm4b:s10+s6], $0x80, v18, vm0, $0xb8;
	[tilespmem:$0x1E880] =	vst v63  }
0x250: {  	v58 =	vperm.xlane v17, v11;
	s7 =	simm.s32 $0x7380;
	v18 =	vadd.s32 v3, v57  }
0x251: {  	[tilespmem:s7], [sflag:$0x3] =	stream.indirect_vreg.gather [hbm4b:s10+s6], $0x80, v19, vm0, $0xb8;
	[tilespmem:$0x1E880] =	vst v63  }
0x252: {  	v59 =	vperm.xlane v17, v12;
	s8 =	simm.s32 $0x7400;
	v19 =	vadd.s32 v3, v58  }
0x253: {  	[tilespmem:s8], [sflag:$0x3] =	stream.indirect_vreg.gather [hbm4b:s10+s6], $0x80, v56, vm0, $0xb8;
	[tilespmem:$0x1E880] =	vst v63  }
0x254: {  	v61 =	vperm.xlane v17, v13;
	v60 =	vadd.s32 v3, v59;
	s7 =	simm.s32 $0x7480  }
0x255: {  	[tilespmem:s7], [sflag:$0x3] =	stream.indirect_vreg.gather [hbm4b:s10+s6], $0x80, v18, vm0, $0xb8;
	[tilespmem:$0x1E880] =	vst v63  }
0x256: {  	v62 =	vperm.xlane v17, v14;
	s8 =	simm.s32 $0x7500;
	v18 =	vadd.s32 v3, v61  }
0x257: {  	[tilespmem:s8], [sflag:$0x3] =	stream.indirect_vreg.gather [hbm4b:s10+s6], $0x80, v19, vm0, $0xb8;
	[tilespmem:$0x1E880] =	vst v63  }
0x258: {  	v63 =	vperm.xlane v17, v15;
	s7 =	simm.s32 $0x7580;
	v19 =	vadd.s32 v3, v62  }
0x259: {  	[tilespmem:s7], [sflag:$0x3] =	stream.indirect_vreg.gather [hbm4b:s10+s6], $0x80, v60, vm0, $0xb8;
	[tilespmem:$0x1E880] =	vst v63  }
0x25a: {  	v17 =	vperm.xlane v17, v16;
	v24 =	vadd.s32 v3, v63;
	s8 =	simm.s32 $0x7600  }
0x25b: {  	[tilespmem:s8], [sflag:$0x3] =	stream.indirect_vreg.gather [hbm4b:s10+s6], $0x80, v18, vm0, $0xb8;
	[tilespmem:$0x1E880] =	vst v63  }
0x25c: {  	v17 =	vadd.s32 v3, v17;
	s7 =	simm.s32 $0x7680  }
0x25d: {  	[tilespmem:s7], [sflag:$0x3] =	stream.indirect_vreg.gather [hbm4b:s10+s6], $0x80, v19, vm0, $0xb8;
	[tilespmem:$0x1E880] =	vst v63  }
0x25e: {  	s8 =	simm.s32 $0x7700  }
0x25f: {  	[tilespmem:s8], [sflag:$0x3] =	stream.indirect_vreg.gather [hbm4b:s10+s6], $0x80, v24, vm0, $0xb8;
	[tilespmem:$0x1E880] =	vst v63  }
0x260: {  	s7 =	simm.s32 $0x7780  }
0x261: {  	[tilespmem:s7], [sflag:$0x3] =	stream.indirect_vreg.gather [hbm4b:s10+s6], $0x80, v17, vm0, $0xb8;
	[tilespmem:$0x1E880] =	vst v63  }
0x262: {  	v17 =	vld [tilespmem:$0xD0];
	_ =	sdelay $0x4  }
0x263: {  	v18 =	vshll.u32 v17, $0x1  }
0x264: {  	v17 =	vand.u32 $0x7, v17;
	v18 =	vand.u32 $0xFFFFFFF0, v18  }
0x265: {  	v17 =	vor.u32 v17, v18  }
0x266: {  	v18 =	vperm.xlane v17, v2;
	_ =	sdelay $0x1  }
0x267: {  	v19 =	vperm.xlane v17, v1;
	v18 =	vadd.s32 v3, v18;
	_ =	sdelay $0x1  }
0x268: {  	v25 =	vperm.xlane v17, v4;
	v19 =	vadd.s32 v3, v19;
	_ =	sdelay $0x1  }
0x269: {  	s8 =	simm.s32 $0x7800;
	v26 =	vperm.xlane v17, v5;
	v20 =	vadd.s32 v3, v25  }
0x26a: {  	[tilespmem:s8], [sflag:$0x3] =	stream.indirect_vreg.gather [hbm4b:s10+s6], $0x80, v18, vm0, $0xb8;
	[tilespmem:$0x1E880] =	vst v63  }
0x26b: {  	s7 =	simm.s32 $0x7880;
	v27 =	vperm.xlane v17, v6;
	v18 =	vadd.s32 v3, v26  }
0x26c: {  	[tilespmem:s7], [sflag:$0x3] =	stream.indirect_vreg.gather [hbm4b:s10+s6], $0x80, v19, vm0, $0xb8;
	[tilespmem:$0x1E880] =	vst v63  }
0x26d: {  	v28 =	vperm.xlane v17, v7;
	s8 =	simm.s32 $0x7900;
	v19 =	vadd.s32 v3, v27  }
0x26e: {  	[tilespmem:s8], [sflag:$0x3] =	stream.indirect_vreg.gather [hbm4b:s10+s6], $0x80, v20, vm0, $0xb8;
	[tilespmem:$0x1E880] =	vst v63  }
0x26f: {  	v30 =	vperm.xlane v17, v8;
	v29 =	vadd.s32 v3, v28;
	s7 =	simm.s32 $0x7980  }
0x270: {  	[tilespmem:s7], [sflag:$0x3] =	stream.indirect_vreg.gather [hbm4b:s10+s6], $0x80, v18, vm0, $0xb8;
	[tilespmem:$0x1E880] =	vst v63  }
0x271: {  	v31 =	vperm.xlane v17, v0;
	s8 =	simm.s32 $0x7A00;
	v18 =	vadd.s32 v3, v30  }
0x272: {  	[tilespmem:s8], [sflag:$0x3] =	stream.indirect_vreg.gather [hbm4b:s10+s6], $0x80, v19, vm0, $0xb8;
	[tilespmem:$0x1E880] =	vst v63  }
0x273: {  	v32 =	vperm.xlane v17, v9;
	s7 =	simm.s32 $0x7A80;
	v19 =	vadd.s32 v3, v31  }
0x274: {  	[tilespmem:s7], [sflag:$0x3] =	stream.indirect_vreg.gather [hbm4b:s10+s6], $0x80, v29, vm0, $0xb8;
	[tilespmem:$0x1E880] =	vst v63  }
0x275: {  	v34 =	vperm.xlane v17, v10;
	v33 =	vadd.s32 v3, v32;
	s8 =	simm.s32 $0x7B00  }
0x276: {  	[tilespmem:s8], [sflag:$0x3] =	stream.indirect_vreg.gather [hbm4b:s10+s6], $0x80, v18, vm0, $0xb8;
	[tilespmem:$0x1E880] =	vst v63  }
0x277: {  	v35 =	vperm.xlane v17, v11;
	s7 =	simm.s32 $0x7B80;
	v18 =	vadd.s32 v3, v34  }
0x278: {  	[tilespmem:s7], [sflag:$0x3] =	stream.indirect_vreg.gather [hbm4b:s10+s6], $0x80, v19, vm0, $0xb8;
	[tilespmem:$0x1E880] =	vst v63  }
0x279: {  	v36 =	vperm.xlane v17, v12;
	s8 =	simm.s32 $0x7C00;
	v19 =	vadd.s32 v3, v35  }
0x27a: {  	[tilespmem:s8], [sflag:$0x3] =	stream.indirect_vreg.gather [hbm4b:s10+s6], $0x80, v33, vm0, $0xb8;
	[tilespmem:$0x1E880] =	vst v63  }
0x27b: {  	v38 =	vperm.xlane v17, v13;
	v37 =	vadd.s32 v3, v36;
	s7 =	simm.s32 $0x7C80  }
0x27c: {  	[tilespmem:s7], [sflag:$0x3] =	stream.indirect_vreg.gather [hbm4b:s10+s6], $0x80, v18, vm0, $0xb8;
	[tilespmem:$0x1E880] =	vst v63  }
0x27d: {  	v39 =	vperm.xlane v17, v14;
	s8 =	simm.s32 $0x7D00;
	v18 =	vadd.s32 v3, v38  }
0x27e: {  	[tilespmem:s8], [sflag:$0x3] =	stream.indirect_vreg.gather [hbm4b:s10+s6], $0x80, v19, vm0, $0xb8;
	[tilespmem:$0x1E880] =	vst v63  }
0x27f: {  	v40 =	vperm.xlane v17, v15;
	s7 =	simm.s32 $0x7D80;
	v19 =	vadd.s32 v3, v39  }
0x280: {  	[tilespmem:s7], [sflag:$0x3] =	stream.indirect_vreg.gather [hbm4b:s10+s6], $0x80, v37, vm0, $0xb8;
	[tilespmem:$0x1E880] =	vst v63  }
0x281: {  	v17 =	vperm.xlane v17, v16;
	v41 =	vadd.s32 v3, v40;
	s8 =	simm.s32 $0x7E00  }
0x282: {  	[tilespmem:s8], [sflag:$0x3] =	stream.indirect_vreg.gather [hbm4b:s10+s6], $0x80, v18, vm0, $0xb8;
	[tilespmem:$0x1E880] =	vst v63  }
0x283: {  	v17 =	vadd.s32 v3, v17;
	s7 =	simm.s32 $0x7E80  }
0x284: {  	[tilespmem:s7], [sflag:$0x3] =	stream.indirect_vreg.gather [hbm4b:s10+s6], $0x80, v19, vm0, $0xb8;
	[tilespmem:$0x1E880] =	vst v63  }
0x285: {  	s8 =	simm.s32 $0x7F00  }
0x286: {  	[tilespmem:s8], [sflag:$0x3] =	stream.indirect_vreg.gather [hbm4b:s10+s6], $0x80, v41, vm0, $0xb8;
	[tilespmem:$0x1E880] =	vst v63  }
0x287: {  	s7 =	simm.s32 $0x7F80  }
0x288: {  	[tilespmem:s7], [sflag:$0x3] =	stream.indirect_vreg.gather [hbm4b:s10+s6], $0x80, v17, vm0, $0xb8;
	[tilespmem:$0x1E880] =	vst v63  }
0x289: {  	v17 =	vld [tilespmem:$0xE0];
	_ =	sdelay $0x4  }
0x28a: {  	v18 =	vshll.u32 v17, $0x1  }
0x28b: {  	v17 =	vand.u32 $0x7, v17;
	v18 =	vand.u32 $0xFFFFFFF0, v18  }
0x28c: {  	v17 =	vor.u32 v17, v18  }
0x28d: {  	v18 =	vperm.xlane v17, v2;
	_ =	sdelay $0x1  }
0x28e: {  	v19 =	vperm.xlane v17, v1;
	v18 =	vadd.s32 v3, v18;
	_ =	sdelay $0x1  }
0x28f: {  	v42 =	vperm.xlane v17, v4;
	v19 =	vadd.s32 v3, v19;
	_ =	sdelay $0x1  }
0x290: {  	s8 =	simm.s32 $0x8000;
	v43 =	vperm.xlane v17, v5;
	v20 =	vadd.s32 v3, v42  }
0x291: {  	[tilespmem:s8], [sflag:$0x3] =	stream.indirect_vreg.gather [hbm4b:s10+s6], $0x80, v18, vm0, $0xb8;
	[tilespmem:$0x1E880] =	vst v63  }
0x292: {  	s7 =	simm.s32 $0x8080;
	v44 =	vperm.xlane v17, v6;
	v18 =	vadd.s32 v3, v43  }
0x293: {  	[tilespmem:s7], [sflag:$0x3] =	stream.indirect_vreg.gather [hbm4b:s10+s6], $0x80, v19, vm0, $0xb8;
	[tilespmem:$0x1E880] =	vst v63  }
0x294: {  	v45 =	vperm.xlane v17, v7;
	s8 =	simm.s32 $0x8100;
	v19 =	vadd.s32 v3, v44  }
0x295: {  	[tilespmem:s8], [sflag:$0x3] =	stream.indirect_vreg.gather [hbm4b:s10+s6], $0x80, v20, vm0, $0xb8;
	[tilespmem:$0x1E880] =	vst v63  }
0x296: {  	v47 =	vperm.xlane v17, v8;
	v46 =	vadd.s32 v3, v45;
	s7 =	simm.s32 $0x8180  }
0x297: {  	[tilespmem:s7], [sflag:$0x3] =	stream.indirect_vreg.gather [hbm4b:s10+s6], $0x80, v18, vm0, $0xb8;
	[tilespmem:$0x1E880] =	vst v63  }
0x298: {  	v48 =	vperm.xlane v17, v0;
	s8 =	simm.s32 $0x8200;
	v18 =	vadd.s32 v3, v47  }
0x299: {  	[tilespmem:s8], [sflag:$0x3] =	stream.indirect_vreg.gather [hbm4b:s10+s6], $0x80, v19, vm0, $0xb8;
	[tilespmem:$0x1E880] =	vst v63  }
0x29a: {  	v49 =	vperm.xlane v17, v9;
	s7 =	simm.s32 $0x8280;
	v19 =	vadd.s32 v3, v48  }
0x29b: {  	[tilespmem:s7], [sflag:$0x3] =	stream.indirect_vreg.gather [hbm4b:s10+s6], $0x80, v46, vm0, $0xb8;
	[tilespmem:$0x1E880] =	vst v63  }
0x29c: {  	v51 =	vperm.xlane v17, v10;
	v50 =	vadd.s32 v3, v49;
	s8 =	simm.s32 $0x8300  }
0x29d: {  	[tilespmem:s8], [sflag:$0x3] =	stream.indirect_vreg.gather [hbm4b:s10+s6], $0x80, v18, vm0, $0xb8;
	[tilespmem:$0x1E880] =	vst v63  }
0x29e: {  	v52 =	vperm.xlane v17, v11;
	s7 =	simm.s32 $0x8380;
	v18 =	vadd.s32 v3, v51  }
0x29f: {  	[tilespmem:s7], [sflag:$0x3] =	stream.indirect_vreg.gather [hbm4b:s10+s6], $0x80, v19, vm0, $0xb8;
	[tilespmem:$0x1E880] =	vst v63  }
0x2a0: {  	v53 =	vperm.xlane v17, v12;
	s8 =	simm.s32 $0x8400;
	v19 =	vadd.s32 v3, v52  }
0x2a1: {  	[tilespmem:s8], [sflag:$0x3] =	stream.indirect_vreg.gather [hbm4b:s10+s6], $0x80, v50, vm0, $0xb8;
	[tilespmem:$0x1E880] =	vst v63  }
0x2a2: {  	v55 =	vperm.xlane v17, v13;
	v54 =	vadd.s32 v3, v53;
	s7 =	simm.s32 $0x8480  }
0x2a3: {  	[tilespmem:s7], [sflag:$0x3] =	stream.indirect_vreg.gather [hbm4b:s10+s6], $0x80, v18, vm0, $0xb8;
	[tilespmem:$0x1E880] =	vst v63  }
0x2a4: {  	v56 =	vperm.xlane v17, v14;
	s8 =	simm.s32 $0x8500;
	v18 =	vadd.s32 v3, v55  }
0x2a5: {  	[tilespmem:s8], [sflag:$0x3] =	stream.indirect_vreg.gather [hbm4b:s10+s6], $0x80, v19, vm0, $0xb8;
	[tilespmem:$0x1E880] =	vst v63  }
0x2a6: {  	v57 =	vperm.xlane v17, v15;
	s7 =	simm.s32 $0x8580;
	v19 =	vadd.s32 v3, v56  }
0x2a7: {  	[tilespmem:s7], [sflag:$0x3] =	stream.indirect_vreg.gather [hbm4b:s10+s6], $0x80, v54, vm0, $0xb8;
	[tilespmem:$0x1E880] =	vst v63  }
0x2a8: {  	v17 =	vperm.xlane v17, v16;
	v58 =	vadd.s32 v3, v57;
	s8 =	simm.s32 $0x8600  }
0x2a9: {  	[tilespmem:s8], [sflag:$0x3] =	stream.indirect_vreg.gather [hbm4b:s10+s6], $0x80, v18, vm0, $0xb8;
	[tilespmem:$0x1E880] =	vst v63  }
0x2aa: {  	v17 =	vadd.s32 v3, v17;
	s7 =	simm.s32 $0x8680  }
0x2ab: {  	[tilespmem:s7], [sflag:$0x3] =	stream.indirect_vreg.gather [hbm4b:s10+s6], $0x80, v19, vm0, $0xb8;
	[tilespmem:$0x1E880] =	vst v63  }
0x2ac: {  	s8 =	simm.s32 $0x8700  }
0x2ad: {  	[tilespmem:s8], [sflag:$0x3] =	stream.indirect_vreg.gather [hbm4b:s10+s6], $0x80, v58, vm0, $0xb8;
	[tilespmem:$0x1E880] =	vst v63  }
0x2ae: {  	s7 =	simm.s32 $0x8780  }
0x2af: {  	[tilespmem:s7], [sflag:$0x3] =	stream.indirect_vreg.gather [hbm4b:s10+s6], $0x80, v17, vm0, $0xb8;
	[tilespmem:$0x1E880] =	vst v63  }
0x2b0: {  	v17 =	vld [tilespmem:$0xF0];
	_ =	sdelay $0x4  }
0x2b1: {  	v18 =	vshll.u32 v17, $0x1  }
0x2b2: {  	v17 =	vand.u32 $0x7, v17;
	v18 =	vand.u32 $0xFFFFFFF0, v18  }
0x2b3: {  	v17 =	vor.u32 v17, v18  }
0x2b4: {  	v18 =	vperm.xlane v17, v2;
	_ =	sdelay $0x1  }
0x2b5: {  	v19 =	vperm.xlane v17, v1;
	v18 =	vadd.s32 v3, v18;
	_ =	sdelay $0x1  }
0x2b6: {  	v59 =	vperm.xlane v17, v4;
	v19 =	vadd.s32 v3, v19;
	_ =	sdelay $0x1  }
0x2b7: {  	v60 =	vperm.xlane v17, v5;
	v20 =	vadd.s32 v3, v59  }
0x2b8: {  	[tilespmem:s25], [sflag:$0x4] =	stream.indirect_vreg.gather [hbm4b:s10+s6], $0x80, v18, vm0, $0xb8;
	[tilespmem:$0x1E880] =	vst v63  }
0x2b9: {  	s8 =	simm.s32 $0x8880;
	v61 =	vperm.xlane v17, v6;
	v18 =	vadd.s32 v3, v60  }
0x2ba: {  	[tilespmem:s8], [sflag:$0x4] =	stream.indirect_vreg.gather [hbm4b:s10+s6], $0x80, v19, vm0, $0xb8;
	[tilespmem:$0x1E880] =	vst v63  }
0x2bb: {  	s7 =	simm.s32 $0x8900;
	v62 =	vperm.xlane v17, v7;
	v19 =	vadd.s32 v3, v61  }
0x2bc: {  	[tilespmem:s7], [sflag:$0x4] =	stream.indirect_vreg.gather [hbm4b:s10+s6], $0x80, v20, vm0, $0xb8;
	[tilespmem:$0x1E880] =	vst v63  }
0x2bd: {  	v24 =	vperm.xlane v17, v8;
	v63 =	vadd.s32 v3, v62;
	s8 =	simm.s32 $0x8980  }
0x2be: {  	[tilespmem:s8], [sflag:$0x4] =	stream.indirect_vreg.gather [hbm4b:s10+s6], $0x80, v18, vm0, $0xb8;
	[tilespmem:$0x1E880] =	vst v63  }
0x2bf: {  	v25 =	vperm.xlane v17, v0;
	s7 =	simm.s32 $0x8A00;
	v18 =	vadd.s32 v3, v24  }
0x2c0: {  	[tilespmem:s7], [sflag:$0x4] =	stream.indirect_vreg.gather [hbm4b:s10+s6], $0x80, v19, vm0, $0xb8;
	[tilespmem:$0x1E880] =	vst v63  }
0x2c1: {  	v26 =	vperm.xlane v17, v9;
	s8 =	simm.s32 $0x8A80;
	v19 =	vadd.s32 v3, v25  }
0x2c2: {  	[tilespmem:s8], [sflag:$0x4] =	stream.indirect_vreg.gather [hbm4b:s10+s6], $0x80, v63, vm0, $0xb8;
	[tilespmem:$0x1E880] =	vst v63  }
0x2c3: {  	v28 =	vperm.xlane v17, v10;
	v27 =	vadd.s32 v3, v26;
	s7 =	simm.s32 $0x8B00  }
0x2c4: {  	[tilespmem:s7], [sflag:$0x4] =	stream.indirect_vreg.gather [hbm4b:s10+s6], $0x80, v18, vm0, $0xb8;
	[tilespmem:$0x1E880] =	vst v63  }
0x2c5: {  	v29 =	vperm.xlane v17, v11;
	s8 =	simm.s32 $0x8B80;
	v18 =	vadd.s32 v3, v28  }
0x2c6: {  	[tilespmem:s8], [sflag:$0x4] =	stream.indirect_vreg.gather [hbm4b:s10+s6], $0x80, v19, vm0, $0xb8;
	[tilespmem:$0x1E880] =	vst v63  }
0x2c7: {  	v30 =	vperm.xlane v17, v12;
	s7 =	simm.s32 $0x8C00;
	v19 =	vadd.s32 v3, v29  }
0x2c8: {  	[tilespmem:s7], [sflag:$0x4] =	stream.indirect_vreg.gather [hbm4b:s10+s6], $0x80, v27, vm0, $0xb8;
	[tilespmem:$0x1E880] =	vst v63  }
0x2c9: {  	v32 =	vperm.xlane v17, v13;
	v31 =	vadd.s32 v3, v30;
	s8 =	simm.s32 $0x8C80  }
0x2ca: {  	[tilespmem:s8], [sflag:$0x4] =	stream.indirect_vreg.gather [hbm4b:s10+s6], $0x80, v18, vm0, $0xb8;
	[tilespmem:$0x1E880] =	vst v63  }
0x2cb: {  	v33 =	vperm.xlane v17, v14;
	s7 =	simm.s32 $0x8D00;
	v18 =	vadd.s32 v3, v32  }
0x2cc: {  	[tilespmem:s7], [sflag:$0x4] =	stream.indirect_vreg.gather [hbm4b:s10+s6], $0x80, v19, vm0, $0xb8;
	[tilespmem:$0x1E880] =	vst v63  }
0x2cd: {  	v34 =	vperm.xlane v17, v15;
	s8 =	simm.s32 $0x8D80;
	v19 =	vadd.s32 v3, v33  }
0x2ce: {  	[tilespmem:s8], [sflag:$0x4] =	stream.indirect_vreg.gather [hbm4b:s10+s6], $0x80, v31, vm0, $0xb8;
	[tilespmem:$0x1E880] =	vst v63  }
0x2cf: {  	v17 =	vperm.xlane v17, v16;
	v35 =	vadd.s32 v3, v34;
	s7 =	simm.s32 $0x8E00  }
0x2d0: {  	[tilespmem:s7], [sflag:$0x4] =	stream.indirect_vreg.gather [hbm4b:s10+s6], $0x80, v18, vm0, $0xb8;
	[tilespmem:$0x1E880] =	vst v63  }
0x2d1: {  	v17 =	vadd.s32 v3, v17;
	s8 =	simm.s32 $0x8E80  }
0x2d2: {  	[tilespmem:s8], [sflag:$0x4] =	stream.indirect_vreg.gather [hbm4b:s10+s6], $0x80, v19, vm0, $0xb8;
	[tilespmem:$0x1E880] =	vst v63  }
0x2d3: {  	s7 =	simm.s32 $0x8F00  }
0x2d4: {  	[tilespmem:s7], [sflag:$0x4] =	stream.indirect_vreg.gather [hbm4b:s10+s6], $0x80, v35, vm0, $0xb8;
	[tilespmem:$0x1E880] =	vst v63  }
0x2d5: {  	s8 =	simm.s32 $0x8F80  }
0x2d6: {  	[tilespmem:s8], [sflag:$0x4] =	stream.indirect_vreg.gather [hbm4b:s10+s6], $0x80, v17, vm0, $0xb8;
	[tilespmem:$0x1E880] =	vst v63  }
0x2d7: {  	v17 =	vld [tilespmem:$0x100];
	_ =	sdelay $0x4  }
0x2d8: {  	v18 =	vshll.u32 v17, $0x1  }
0x2d9: {  	v17 =	vand.u32 $0x7, v17;
	v18 =	vand.u32 $0xFFFFFFF0, v18  }
0x2da: {  	v17 =	vor.u32 v17, v18  }
0x2db: {  	v18 =	vperm.xlane v17, v2;
	_ =	sdelay $0x1  }
0x2dc: {  	v19 =	vperm.xlane v17, v1;
	v18 =	vadd.s32 v3, v18;
	_ =	sdelay $0x1  }
0x2dd: {  	v36 =	vperm.xlane v17, v4;
	v19 =	vadd.s32 v3, v19;
	_ =	sdelay $0x1  }
0x2de: {  	s7 =	simm.s32 $0x9000;
	v37 =	vperm.xlane v17, v5;
	v20 =	vadd.s32 v3, v36  }
0x2df: {  	[tilespmem:s7], [sflag:$0x4] =	stream.indirect_vreg.gather [hbm4b:s10+s6], $0x80, v18, vm0, $0xb8;
	[tilespmem:$0x1E880] =	vst v63  }
0x2e0: {  	s8 =	simm.s32 $0x9080;
	v38 =	vperm.xlane v17, v6;
	v18 =	vadd.s32 v3, v37  }
0x2e1: {  	[tilespmem:s8], [sflag:$0x4] =	stream.indirect_vreg.gather [hbm4b:s10+s6], $0x80, v19, vm0, $0xb8;
	[tilespmem:$0x1E880] =	vst v63  }
0x2e2: {  	v39 =	vperm.xlane v17, v7;
	s7 =	simm.s32 $0x9100;
	v19 =	vadd.s32 v3, v38  }
0x2e3: {  	[tilespmem:s7], [sflag:$0x4] =	stream.indirect_vreg.gather [hbm4b:s10+s6], $0x80, v20, vm0, $0xb8;
	[tilespmem:$0x1E880] =	vst v63  }
0x2e4: {  	v41 =	vperm.xlane v17, v8;
	v40 =	vadd.s32 v3, v39;
	s8 =	simm.s32 $0x9180  }
0x2e5: {  	[tilespmem:s8], [sflag:$0x4] =	stream.indirect_vreg.gather [hbm4b:s10+s6], $0x80, v18, vm0, $0xb8;
	[tilespmem:$0x1E880] =	vst v63  }
0x2e6: {  	v42 =	vperm.xlane v17, v0;
	s7 =	simm.s32 $0x9200;
	v18 =	vadd.s32 v3, v41  }
0x2e7: {  	[tilespmem:s7], [sflag:$0x4] =	stream.indirect_vreg.gather [hbm4b:s10+s6], $0x80, v19, vm0, $0xb8;
	[tilespmem:$0x1E880] =	vst v63  }
0x2e8: {  	v43 =	vperm.xlane v17, v9;
	s8 =	simm.s32 $0x9280;
	v19 =	vadd.s32 v3, v42  }
0x2e9: {  	[tilespmem:s8], [sflag:$0x4] =	stream.indirect_vreg.gather [hbm4b:s10+s6], $0x80, v40, vm0, $0xb8;
	[tilespmem:$0x1E880] =	vst v63  }
0x2ea: {  	v45 =	vperm.xlane v17, v10;
	v44 =	vadd.s32 v3, v43;
	s7 =	simm.s32 $0x9300  }
0x2eb: {  	[tilespmem:s7], [sflag:$0x4] =	stream.indirect_vreg.gather [hbm4b:s10+s6], $0x80, v18, vm0, $0xb8;
	[tilespmem:$0x1E880] =	vst v63  }
0x2ec: {  	v46 =	vperm.xlane v17, v11;
	s8 =	simm.s32 $0x9380;
	v18 =	vadd.s32 v3, v45  }
0x2ed: {  	[tilespmem:s8], [sflag:$0x4] =	stream.indirect_vreg.gather [hbm4b:s10+s6], $0x80, v19, vm0, $0xb8;
	[tilespmem:$0x1E880] =	vst v63  }
0x2ee: {  	v47 =	vperm.xlane v17, v12;
	s7 =	simm.s32 $0x9400;
	v19 =	vadd.s32 v3, v46  }
0x2ef: {  	[tilespmem:s7], [sflag:$0x4] =	stream.indirect_vreg.gather [hbm4b:s10+s6], $0x80, v44, vm0, $0xb8;
	[tilespmem:$0x1E880] =	vst v63  }
0x2f0: {  	v49 =	vperm.xlane v17, v13;
	v48 =	vadd.s32 v3, v47;
	s8 =	simm.s32 $0x9480  }
0x2f1: {  	[tilespmem:s8], [sflag:$0x4] =	stream.indirect_vreg.gather [hbm4b:s10+s6], $0x80, v18, vm0, $0xb8;
	[tilespmem:$0x1E880] =	vst v63  }
0x2f2: {  	v50 =	vperm.xlane v17, v14;
	s7 =	simm.s32 $0x9500;
	v18 =	vadd.s32 v3, v49  }
0x2f3: {  	[tilespmem:s7], [sflag:$0x4] =	stream.indirect_vreg.gather [hbm4b:s10+s6], $0x80, v19, vm0, $0xb8;
	[tilespmem:$0x1E880] =	vst v63  }
0x2f4: {  	v51 =	vperm.xlane v17, v15;
	s8 =	simm.s32 $0x9580;
	v19 =	vadd.s32 v3, v50  }
0x2f5: {  	[tilespmem:s8], [sflag:$0x4] =	stream.indirect_vreg.gather [hbm4b:s10+s6], $0x80, v48, vm0, $0xb8;
	[tilespmem:$0x1E880] =	vst v63  }
0x2f6: {  	v17 =	vperm.xlane v17, v16;
	v52 =	vadd.s32 v3, v51;
	s7 =	simm.s32 $0x9600  }
0x2f7: {  	[tilespmem:s7], [sflag:$0x4] =	stream.indirect_vreg.gather [hbm4b:s10+s6], $0x80, v18, vm0, $0xb8;
	[tilespmem:$0x1E880] =	vst v63  }
0x2f8: {  	v17 =	vadd.s32 v3, v17;
	s8 =	simm.s32 $0x9680  }
0x2f9: {  	[tilespmem:s8], [sflag:$0x4] =	stream.indirect_vreg.gather [hbm4b:s10+s6], $0x80, v19, vm0, $0xb8;
	[tilespmem:$0x1E880] =	vst v63  }
0x2fa: {  	s7 =	simm.s32 $0x9700  }
0x2fb: {  	[tilespmem:s7], [sflag:$0x4] =	stream.indirect_vreg.gather [hbm4b:s10+s6], $0x80, v52, vm0, $0xb8;
	[tilespmem:$0x1E880] =	vst v63  }
0x2fc: {  	s8 =	simm.s32 $0x9780  }
0x2fd: {  	[tilespmem:s8], [sflag:$0x4] =	stream.indirect_vreg.gather [hbm4b:s10+s6], $0x80, v17, vm0, $0xb8;
	[tilespmem:$0x1E880] =	vst v63  }
0x2fe: {  	v17 =	vld [tilespmem:$0x110];
	_ =	sdelay $0x4  }
0x2ff: {  	v18 =	vshll.u32 v17, $0x1  }
0x300: {  	v17 =	vand.u32 $0x7, v17;
	v18 =	vand.u32 $0xFFFFFFF0, v18  }
0x301: {  	v17 =	vor.u32 v17, v18  }
0x302: {  	v18 =	vperm.xlane v17, v2;
	_ =	sdelay $0x1  }
0x303: {  	v19 =	vperm.xlane v17, v1;
	v18 =	vadd.s32 v3, v18;
	_ =	sdelay $0x1  }
0x304: {  	v53 =	vperm.xlane v17, v4;
	v19 =	vadd.s32 v3, v19;
	_ =	sdelay $0x1  }
0x305: {  	s7 =	simm.s32 $0x9800;
	v54 =	vperm.xlane v17, v5;
	v20 =	vadd.s32 v3, v53  }
0x306: {  	[tilespmem:s7], [sflag:$0x4] =	stream.indirect_vreg.gather [hbm4b:s10+s6], $0x80, v18, vm0, $0xb8;
	[tilespmem:$0x1E880] =	vst v63  }
0x307: {  	s8 =	simm.s32 $0x9880;
	v55 =	vperm.xlane v17, v6;
	v18 =	vadd.s32 v3, v54  }
0x308: {  	[tilespmem:s8], [sflag:$0x4] =	stream.indirect_vreg.gather [hbm4b:s10+s6], $0x80, v19, vm0, $0xb8;
	[tilespmem:$0x1E880] =	vst v63  }
0x309: {  	v56 =	vperm.xlane v17, v7;
	s7 =	simm.s32 $0x9900;
	v19 =	vadd.s32 v3, v55  }
0x30a: {  	[tilespmem:s7], [sflag:$0x4] =	stream.indirect_vreg.gather [hbm4b:s10+s6], $0x80, v20, vm0, $0xb8;
	[tilespmem:$0x1E880] =	vst v63  }
0x30b: {  	v58 =	vperm.xlane v17, v8;
	v57 =	vadd.s32 v3, v56;
	s8 =	simm.s32 $0x9980  }
0x30c: {  	[tilespmem:s8], [sflag:$0x4] =	stream.indirect_vreg.gather [hbm4b:s10+s6], $0x80, v18, vm0, $0xb8;
	[tilespmem:$0x1E880] =	vst v63  }
0x30d: {  	v59 =	vperm.xlane v17, v0;
	s7 =	simm.s32 $0x9A00;
	v18 =	vadd.s32 v3, v58  }
0x30e: {  	[tilespmem:s7], [sflag:$0x4] =	stream.indirect_vreg.gather [hbm4b:s10+s6], $0x80, v19, vm0, $0xb8;
	[tilespmem:$0x1E880] =	vst v63  }
0x30f: {  	v60 =	vperm.xlane v17, v9;
	s8 =	simm.s32 $0x9A80;
	v19 =	vadd.s32 v3, v59  }
0x310: {  	[tilespmem:s8], [sflag:$0x4] =	stream.indirect_vreg.gather [hbm4b:s10+s6], $0x80, v57, vm0, $0xb8;
	[tilespmem:$0x1E880] =	vst v63  }
0x311: {  	v62 =	vperm.xlane v17, v10;
	v61 =	vadd.s32 v3, v60;
	s7 =	simm.s32 $0x9B00  }
0x312: {  	[tilespmem:s7], [sflag:$0x4] =	stream.indirect_vreg.gather [hbm4b:s10+s6], $0x80, v18, vm0, $0xb8;
	[tilespmem:$0x1E880] =	vst v63  }
0x313: {  	v63 =	vperm.xlane v17, v11;
	s8 =	simm.s32 $0x9B80;
	v18 =	vadd.s32 v3, v62  }
0x314: {  	[tilespmem:s8], [sflag:$0x4] =	stream.indirect_vreg.gather [hbm4b:s10+s6], $0x80, v19, vm0, $0xb8;
	[tilespmem:$0x1E880] =	vst v63  }
0x315: {  	v24 =	vperm.xlane v17, v12;
	s7 =	simm.s32 $0x9C00;
	v19 =	vadd.s32 v3, v63  }
0x316: {  	[tilespmem:s7], [sflag:$0x4] =	stream.indirect_vreg.gather [hbm4b:s10+s6], $0x80, v61, vm0, $0xb8;
	[tilespmem:$0x1E880] =	vst v63  }
0x317: {  	v26 =	vperm.xlane v17, v13;
	v25 =	vadd.s32 v3, v24;
	s8 =	simm.s32 $0x9C80  }
0x318: {  	[tilespmem:s8], [sflag:$0x4] =	stream.indirect_vreg.gather [hbm4b:s10+s6], $0x80, v18, vm0, $0xb8;
	[tilespmem:$0x1E880] =	vst v63  }
0x319: {  	v27 =	vperm.xlane v17, v14;
	s7 =	simm.s32 $0x9D00;
	v18 =	vadd.s32 v3, v26  }
0x31a: {  	[tilespmem:s7], [sflag:$0x4] =	stream.indirect_vreg.gather [hbm4b:s10+s6], $0x80, v19, vm0, $0xb8;
	[tilespmem:$0x1E880] =	vst v63  }
0x31b: {  	v28 =	vperm.xlane v17, v15;
	s8 =	simm.s32 $0x9D80;
	v19 =	vadd.s32 v3, v27  }
0x31c: {  	[tilespmem:s8], [sflag:$0x4] =	stream.indirect_vreg.gather [hbm4b:s10+s6], $0x80, v25, vm0, $0xb8;
	[tilespmem:$0x1E880] =	vst v63  }
0x31d: {  	v17 =	vperm.xlane v17, v16;
	v29 =	vadd.s32 v3, v28;
	s7 =	simm.s32 $0x9E00  }
0x31e: {  	[tilespmem:s7], [sflag:$0x4] =	stream.indirect_vreg.gather [hbm4b:s10+s6], $0x80, v18, vm0, $0xb8;
	[tilespmem:$0x1E880] =	vst v63  }
0x31f: {  	v17 =	vadd.s32 v3, v17;
	s8 =	simm.s32 $0x9E80  }
0x320: {  	[tilespmem:s8], [sflag:$0x4] =	stream.indirect_vreg.gather [hbm4b:s10+s6], $0x80, v19, vm0, $0xb8;
	[tilespmem:$0x1E880] =	vst v63  }
0x321: {  	s7 =	simm.s32 $0x9F00  }
0x322: {  	[tilespmem:s7], [sflag:$0x4] =	stream.indirect_vreg.gather [hbm4b:s10+s6], $0x80, v29, vm0, $0xb8;
	[tilespmem:$0x1E880] =	vst v63  }
0x323: {  	s8 =	simm.s32 $0x9F80  }
0x324: {  	[tilespmem:s8], [sflag:$0x4] =	stream.indirect_vreg.gather [hbm4b:s10+s6], $0x80, v17, vm0, $0xb8;
	[tilespmem:$0x1E880] =	vst v63  }
0x325: {  	v17 =	vld [tilespmem:$0x120];
	_ =	sdelay $0x4  }
0x326: {  	v18 =	vshll.u32 v17, $0x1  }
0x327: {  	v17 =	vand.u32 $0x7, v17;
	v18 =	vand.u32 $0xFFFFFFF0, v18  }
0x328: {  	v17 =	vor.u32 v17, v18  }
0x329: {  	v18 =	vperm.xlane v17, v2;
	_ =	sdelay $0x1  }
0x32a: {  	v19 =	vperm.xlane v17, v1;
	v18 =	vadd.s32 v3, v18;
	_ =	sdelay $0x1  }
0x32b: {  	v30 =	vperm.xlane v17, v4;
	v19 =	vadd.s32 v3, v19;
	_ =	sdelay $0x1  }
0x32c: {  	s7 =	simm.s32 $0xA000;
	v31 =	vperm.xlane v17, v5;
	v20 =	vadd.s32 v3, v30  }
0x32d: {  	[tilespmem:s7], [sflag:$0x4] =	stream.indirect_vreg.gather [hbm4b:s10+s6], $0x80, v18, vm0, $0xb8;
	[tilespmem:$0x1E880] =	vst v63  }
0x32e: {  	s8 =	simm.s32 $0xA080;
	v32 =	vperm.xlane v17, v6;
	v18 =	vadd.s32 v3, v31  }
0x32f: {  	[tilespmem:s8], [sflag:$0x4] =	stream.indirect_vreg.gather [hbm4b:s10+s6], $0x80, v19, vm0, $0xb8;
	[tilespmem:$0x1E880] =	vst v63  }
0x330: {  	v33 =	vperm.xlane v17, v7;
	s7 =	simm.s32 $0xA100;
	v19 =	vadd.s32 v3, v32  }
0x331: {  	[tilespmem:s7], [sflag:$0x4] =	stream.indirect_vreg.gather [hbm4b:s10+s6], $0x80, v20, vm0, $0xb8;
	[tilespmem:$0x1E880] =	vst v63  }
0x332: {  	v35 =	vperm.xlane v17, v8;
	v34 =	vadd.s32 v3, v33;
	s8 =	simm.s32 $0xA180  }
0x333: {  	[tilespmem:s8], [sflag:$0x4] =	stream.indirect_vreg.gather [hbm4b:s10+s6], $0x80, v18, vm0, $0xb8;
	[tilespmem:$0x1E880] =	vst v63  }
0x334: {  	v36 =	vperm.xlane v17, v0;
	s7 =	simm.s32 $0xA200;
	v18 =	vadd.s32 v3, v35  }
0x335: {  	[tilespmem:s7], [sflag:$0x4] =	stream.indirect_vreg.gather [hbm4b:s10+s6], $0x80, v19, vm0, $0xb8;
	[tilespmem:$0x1E880] =	vst v63  }
0x336: {  	v37 =	vperm.xlane v17, v9;
	s8 =	simm.s32 $0xA280;
	v19 =	vadd.s32 v3, v36  }
0x337: {  	[tilespmem:s8], [sflag:$0x4] =	stream.indirect_vreg.gather [hbm4b:s10+s6], $0x80, v34, vm0, $0xb8;
	[tilespmem:$0x1E880] =	vst v63  }
0x338: {  	v39 =	vperm.xlane v17, v10;
	v38 =	vadd.s32 v3, v37;
	s7 =	simm.s32 $0xA300  }
0x339: {  	[tilespmem:s7], [sflag:$0x4] =	stream.indirect_vreg.gather [hbm4b:s10+s6], $0x80, v18, vm0, $0xb8;
	[tilespmem:$0x1E880] =	vst v63  }
0x33a: {  	v40 =	vperm.xlane v17, v11;
	s8 =	simm.s32 $0xA380;
	v18 =	vadd.s32 v3, v39  }
0x33b: {  	[tilespmem:s8], [sflag:$0x4] =	stream.indirect_vreg.gather [hbm4b:s10+s6], $0x80, v19, vm0, $0xb8;
	[tilespmem:$0x1E880] =	vst v63  }
0x33c: {  	v41 =	vperm.xlane v17, v12;
	s7 =	simm.s32 $0xA400;
	v19 =	vadd.s32 v3, v40  }
0x33d: {  	[tilespmem:s7], [sflag:$0x4] =	stream.indirect_vreg.gather [hbm4b:s10+s6], $0x80, v38, vm0, $0xb8;
	[tilespmem:$0x1E880] =	vst v63  }
0x33e: {  	v43 =	vperm.xlane v17, v13;
	v42 =	vadd.s32 v3, v41;
	s8 =	simm.s32 $0xA480  }
0x33f: {  	[tilespmem:s8], [sflag:$0x4] =	stream.indirect_vreg.gather [hbm4b:s10+s6], $0x80, v18, vm0, $0xb8;
	[tilespmem:$0x1E880] =	vst v63  }
0x340: {  	v44 =	vperm.xlane v17, v14;
	s7 =	simm.s32 $0xA500;
	v18 =	vadd.s32 v3, v43  }
0x341: {  	[tilespmem:s7], [sflag:$0x4] =	stream.indirect_vreg.gather [hbm4b:s10+s6], $0x80, v19, vm0, $0xb8;
	[tilespmem:$0x1E880] =	vst v63  }
0x342: {  	v45 =	vperm.xlane v17, v15;
	s8 =	simm.s32 $0xA580;
	v19 =	vadd.s32 v3, v44  }
0x343: {  	[tilespmem:s8], [sflag:$0x4] =	stream.indirect_vreg.gather [hbm4b:s10+s6], $0x80, v42, vm0, $0xb8;
	[tilespmem:$0x1E880] =	vst v63  }
0x344: {  	v17 =	vperm.xlane v17, v16;
	v46 =	vadd.s32 v3, v45;
	s7 =	simm.s32 $0xA600  }
0x345: {  	[tilespmem:s7], [sflag:$0x4] =	stream.indirect_vreg.gather [hbm4b:s10+s6], $0x80, v18, vm0, $0xb8;
	[tilespmem:$0x1E880] =	vst v63  }
0x346: {  	v17 =	vadd.s32 v3, v17;
	s8 =	simm.s32 $0xA680  }
0x347: {  	[tilespmem:s8], [sflag:$0x4] =	stream.indirect_vreg.gather [hbm4b:s10+s6], $0x80, v19, vm0, $0xb8;
	[tilespmem:$0x1E880] =	vst v63  }
0x348: {  	s7 =	simm.s32 $0xA700  }
0x349: {  	[tilespmem:s7], [sflag:$0x4] =	stream.indirect_vreg.gather [hbm4b:s10+s6], $0x80, v46, vm0, $0xb8;
	[tilespmem:$0x1E880] =	vst v63  }
0x34a: {  	s8 =	simm.s32 $0xA780  }
0x34b: {  	[tilespmem:s8], [sflag:$0x4] =	stream.indirect_vreg.gather [hbm4b:s10+s6], $0x80, v17, vm0, $0xb8;
	[tilespmem:$0x1E880] =	vst v63  }
0x34c: {  	v17 =	vld [tilespmem:$0x130];
	_ =	sdelay $0x4  }
0x34d: {  	v18 =	vshll.u32 v17, $0x1  }
0x34e: {  	v17 =	vand.u32 $0x7, v17;
	v18 =	vand.u32 $0xFFFFFFF0, v18  }
0x34f: {  	v17 =	vor.u32 v17, v18  }
0x350: {  	v18 =	vperm.xlane v17, v2;
	_ =	sdelay $0x1  }
0x351: {  	v19 =	vperm.xlane v17, v1;
	v18 =	vadd.s32 v3, v18;
	_ =	sdelay $0x1  }
0x352: {  	v47 =	vperm.xlane v17, v4;
	v19 =	vadd.s32 v3, v19;
	_ =	sdelay $0x1  }
0x353: {  	s7 =	simm.s32 $0xA800;
	v48 =	vperm.xlane v17, v5;
	v20 =	vadd.s32 v3, v47  }
0x354: {  	[tilespmem:s7], [sflag:$0x4] =	stream.indirect_vreg.gather [hbm4b:s10+s6], $0x80, v18, vm0, $0xb8;
	[tilespmem:$0x1E880] =	vst v63  }
0x355: {  	s8 =	simm.s32 $0xA880;
	v49 =	vperm.xlane v17, v6;
	v18 =	vadd.s32 v3, v48  }
0x356: {  	[tilespmem:s8], [sflag:$0x4] =	stream.indirect_vreg.gather [hbm4b:s10+s6], $0x80, v19, vm0, $0xb8;
	[tilespmem:$0x1E880] =	vst v63  }
0x357: {  	v50 =	vperm.xlane v17, v7;
	v19 =	vadd.s32 v3, v49  }
0x358: {  	[tilespmem:s13], [sflag:$0x4] =	stream.indirect_vreg.gather [hbm4b:s10+s6], $0x80, v20, vm0, $0xb8;
	[tilespmem:$0x1E880] =	vst v63  }
0x359: {  	v52 =	vperm.xlane v17, v8;
	v51 =	vadd.s32 v3, v50  }
0x35a: {  	[tilespmem:s14], [sflag:$0x4] =	stream.indirect_vreg.gather [hbm4b:s10+s6], $0x80, v18, vm0, $0xb8;
	[tilespmem:$0x1E880] =	vst v63  }
0x35b: {  	v53 =	vperm.xlane v17, v0;
	v18 =	vadd.s32 v3, v52  }
0x35c: {  	[tilespmem:s15], [sflag:$0x4] =	stream.indirect_vreg.gather [hbm4b:s10+s6], $0x80, v19, vm0, $0xb8;
	[tilespmem:$0x1E880] =	vst v63  }
0x35d: {  	v54 =	vperm.xlane v17, v9;
	v19 =	vadd.s32 v3, v53  }
0x35e: {  	[tilespmem:s16], [sflag:$0x4] =	stream.indirect_vreg.gather [hbm4b:s10+s6], $0x80, v51, vm0, $0xb8;
	[tilespmem:$0x1E880] =	vst v63  }
0x35f: {  	v56 =	vperm.xlane v17, v10;
	v55 =	vadd.s32 v3, v54  }
0x360: {  	[tilespmem:s17], [sflag:$0x4] =	stream.indirect_vreg.gather [hbm4b:s10+s6], $0x80, v18, vm0, $0xb8;
	[tilespmem:$0x1E880] =	vst v63  }
0x361: {  	v57 =	vperm.xlane v17, v11;
	v18 =	vadd.s32 v3, v56  }
0x362: {  	[tilespmem:s18], [sflag:$0x4] =	stream.indirect_vreg.gather [hbm4b:s10+s6], $0x80, v19, vm0, $0xb8;
	[tilespmem:$0x1E880] =	vst v63  }
0x363: {  	v58 =	vperm.xlane v17, v12;
	v19 =	vadd.s32 v3, v57  }
0x364: {  	[tilespmem:s12], [sflag:$0x4] =	stream.indirect_vreg.gather [hbm4b:s10+s6], $0x80, v55, vm0, $0xb8;
	[tilespmem:$0x1E880] =	vst v63  }
0x365: {  	v60 =	vperm.xlane v17, v13;
	v59 =	vadd.s32 v3, v58  }
0x366: {  	[tilespmem:s11], [sflag:$0x4] =	stream.indirect_vreg.gather [hbm4b:s10+s6], $0x80, v18, vm0, $0xb8;
	[tilespmem:$0x1E880] =	vst v63  }
0x367: {  	v61 =	vperm.xlane v17, v14;
	v18 =	vadd.s32 v3, v60  }
0x368: {  	[tilespmem:s0], [sflag:$0x4] =	stream.indirect_vreg.gather [hbm4b:s10+s6], $0x80, v19, vm0, $0xb8;
	[tilespmem:$0x1E880] =	vst v63  }
0x369: {  	v62 =	vperm.xlane v17, v15;
	v19 =	vadd.s32 v3, v61  }
0x36a: {  	[tilespmem:s29], [sflag:$0x4] =	stream.indirect_vreg.gather [hbm4b:s10+s6], $0x80, v59, vm0, $0xb8;
	[tilespmem:$0x1E880] =	vst v63  }
0x36b: {  	v17 =	vperm.xlane v17, v16;
	v63 =	vadd.s32 v3, v62  }
0x36c: {  	[tilespmem:s31], [sflag:$0x4] =	stream.indirect_vreg.gather [hbm4b:s10+s6], $0x80, v18, vm0, $0xb8;
	[tilespmem:$0x1E880] =	vst v63  }
0x36d: {  	v17 =	vadd.s32 v3, v17  }
0x36e: {  	[tilespmem:s30], [sflag:$0x4] =	stream.indirect_vreg.gather [hbm4b:s10+s6], $0x80, v19, vm0, $0xb8;
	[tilespmem:$0x1E880] =	vst v63  }
0x36f: {  	_ = 	snop  }
0x370: {  	[tilespmem:s26], [sflag:$0x4] =	stream.indirect_vreg.gather [hbm4b:s10+s6], $0x80, v63, vm0, $0xb8;
	[tilespmem:$0x1E880] =	vst v63  }
0x371: {  	_ = 	snop  }
0x372: {  	[tilespmem:s28], [sflag:$0x4] =	stream.indirect_vreg.gather [hbm4b:s10+s6], $0x80, v17, vm0, $0xb8;
	[tilespmem:$0x1E880] =	vst v63  }
.LBB2_3:
0x373: {  	_ =	swait.ge [sflag:s22], $0x2800  }
0x374: {  	s7 =	sshra.s32 s6, $0x2;
	[sflag:s22] =	ssyncset.done $0x0  }
0x375: {  	s8 =	sadd.s32 $0x800, s7;
	[sflag:s22] =	ssyncadd.s32 $0xFFFFD800  }
0x376: {  	[spmem:s2] =	stream.indirect.scatter.add.f32 [tilespmem:s21], [sflag:$0x5], $0x80, s8, s9, $0xb8;
	[tilespmem:$0x1E880] =	vst v63  }
0x377: {  	_ =	swait.ge [sflag:s19], $0x2800  }
0x378: {  	[sflag:s19] =	ssyncset.done $0x0  }
0x379: {  	[sflag:s19] =	ssyncadd.s32 $0xFFFFD800  }
0x37a: {  	v17 =	vld [tilespmem:s7+$0x140];
	_ =	sdelay $0x4  }
0x37b: {  	v18 =	vshll.u32 v17, $0x1  }
0x37c: {  	v17 =	vand.u32 $0x7, v17;
	v18 =	vand.u32 $0xFFFFFFF0, v18  }
0x37d: {  	v17 =	vor.u32 v17, v18  }
0x37e: {  	v18 =	vperm.xlane v17, v2;
	_ =	sdelay $0x1  }
0x37f: {  	v19 =	vperm.xlane v17, v1;
	v18 =	vadd.s32 v3, v18;
	_ =	sdelay $0x1  }
0x380: {  	v20 =	vperm.xlane v17, v4;
	v19 =	vadd.s32 v3, v19;
	_ =	sdelay $0x1  }
0x381: {  	v21 =	vperm.xlane v17, v5;
	v20 =	vadd.s32 v3, v20  }
0x382: {  	[tilespmem:s21], [sflag:$0x1] =	stream.indirect_vreg.gather [hbm4b:s10+s3], $0x80, v18, vm0, $0xb8;
	[tilespmem:$0x1E880] =	vst v63  }
0x383: {  	s4 =	simm.s32 $0x1080;
	v61 =	vperm.xlane v17, v6;
	v18 =	vadd.s32 v3, v21  }
0x384: {  	[tilespmem:s4], [sflag:$0x1] =	stream.indirect_vreg.gather [hbm4b:s10+s3], $0x80, v19, vm0, $0xb8;
	[tilespmem:$0x1E880] =	vst v63  }
0x385: {  	v62 =	vperm.xlane v17, v7;
	v19 =	vadd.s32 v3, v61;
	s4 =	simm.s32 $0x1100  }
0x386: {  	[tilespmem:s4], [sflag:$0x1] =	stream.indirect_vreg.gather [hbm4b:s10+s3], $0x80, v20, vm0, $0xb8;
	[tilespmem:$0x1E880] =	vst v63  }
0x387: {  	v24 =	vperm.xlane v17, v8;
	v63 =	vadd.s32 v3, v62;
	s4 =	simm.s32 $0x1180  }
0x388: {  	[tilespmem:s4], [sflag:$0x1] =	stream.indirect_vreg.gather [hbm4b:s10+s3], $0x80, v18, vm0, $0xb8;
	[tilespmem:$0x1E880] =	vst v63  }
0x389: {  	v25 =	vperm.xlane v17, v0;
	v18 =	vadd.s32 v3, v24;
	s4 =	simm.s32 $0x1200  }
0x38a: {  	[tilespmem:s4], [sflag:$0x1] =	stream.indirect_vreg.gather [hbm4b:s10+s3], $0x80, v19, vm0, $0xb8;
	[tilespmem:$0x1E880] =	vst v63  }
0x38b: {  	v26 =	vperm.xlane v17, v9;
	v19 =	vadd.s32 v3, v25;
	s4 =	simm.s32 $0x1280  }
0x38c: {  	[tilespmem:s4], [sflag:$0x1] =	stream.indirect_vreg.gather [hbm4b:s10+s3], $0x80, v63, vm0, $0xb8;
	[tilespmem:$0x1E880] =	vst v63  }
0x38d: {  	v28 =	vperm.xlane v17, v10;
	v27 =	vadd.s32 v3, v26;
	s4 =	simm.s32 $0x1300  }
0x38e: {  	[tilespmem:s4], [sflag:$0x1] =	stream.indirect_vreg.gather [hbm4b:s10+s3], $0x80, v18, vm0, $0xb8;
	[tilespmem:$0x1E880] =	vst v63  }
0x38f: {  	v29 =	vperm.xlane v17, v11;
	v18 =	vadd.s32 v3, v28;
	s4 =	simm.s32 $0x1380  }
0x390: {  	[tilespmem:s4], [sflag:$0x1] =	stream.indirect_vreg.gather [hbm4b:s10+s3], $0x80, v19, vm0, $0xb8;
	[tilespmem:$0x1E880] =	vst v63  }
0x391: {  	v30 =	vperm.xlane v17, v12;
	v19 =	vadd.s32 v3, v29;
	s4 =	simm.s32 $0x1400  }
0x392: {  	[tilespmem:s4], [sflag:$0x1] =	stream.indirect_vreg.gather [hbm4b:s10+s3], $0x80, v27, vm0, $0xb8;
	[tilespmem:$0x1E880] =	vst v63  }
0x393: {  	v32 =	vperm.xlane v17, v13;
	v31 =	vadd.s32 v3, v30;
	s4 =	simm.s32 $0x1480  }
0x394: {  	[tilespmem:s4], [sflag:$0x1] =	stream.indirect_vreg.gather [hbm4b:s10+s3], $0x80, v18, vm0, $0xb8;
	[tilespmem:$0x1E880] =	vst v63  }
0x395: {  	v33 =	vperm.xlane v17, v14;
	v18 =	vadd.s32 v3, v32;
	s4 =	simm.s32 $0x1500  }
0x396: {  	[tilespmem:s4], [sflag:$0x1] =	stream.indirect_vreg.gather [hbm4b:s10+s3], $0x80, v19, vm0, $0xb8;
	[tilespmem:$0x1E880] =	vst v63  }
0x397: {  	v34 =	vperm.xlane v17, v15;
	v19 =	vadd.s32 v3, v33;
	s4 =	simm.s32 $0x1580  }
0x398: {  	[tilespmem:s4], [sflag:$0x1] =	stream.indirect_vreg.gather [hbm4b:s10+s3], $0x80, v31, vm0, $0xb8;
	[tilespmem:$0x1E880] =	vst v63  }
0x399: {  	v17 =	vperm.xlane v17, v16;
	v35 =	vadd.s32 v3, v34;
	s4 =	simm.s32 $0x1600  }
0x39a: {  	[tilespmem:s4], [sflag:$0x1] =	stream.indirect_vreg.gather [hbm4b:s10+s3], $0x80, v18, vm0, $0xb8;
	[tilespmem:$0x1E880] =	vst v63  }
0x39b: {  	v17 =	vadd.s32 v3, v17;
	s4 =	simm.s32 $0x1680  }
0x39c: {  	[tilespmem:s4], [sflag:$0x1] =	stream.indirect_vreg.gather [hbm4b:s10+s3], $0x80, v19, vm0, $0xb8;
	[tilespmem:$0x1E880] =	vst v63  }
0x39d: {  	s4 =	simm.s32 $0x1700  }
0x39e: {  	[tilespmem:s4], [sflag:$0x1] =	stream.indirect_vreg.gather [hbm4b:s10+s3], $0x80, v35, vm0, $0xb8;
	[tilespmem:$0x1E880] =	vst v63  }
0x39f: {  	s4 =	simm.s32 $0x1780  }
0x3a0: {  	[tilespmem:s4], [sflag:$0x1] =	stream.indirect_vreg.gather [hbm4b:s10+s3], $0x80, v17, vm0, $0xb8;
	[tilespmem:$0x1E880] =	vst v63  }
0x3a1: {  	v17 =	vld [tilespmem:s7+$0x150];
	_ =	sdelay $0x4  }
0x3a2: {  	v18 =	vshll.u32 v17, $0x1  }
0x3a3: {  	v17 =	vand.u32 $0x7, v17;
	v18 =	vand.u32 $0xFFFFFFF0, v18  }
0x3a4: {  	v17 =	vor.u32 v17, v18  }
0x3a5: {  	v18 =	vperm.xlane v17, v2;
	_ =	sdelay $0x1  }
0x3a6: {  	v19 =	vperm.xlane v17, v1;
	v18 =	vadd.s32 v3, v18;
	_ =	sdelay $0x1  }
0x3a7: {  	v36 =	vperm.xlane v17, v4;
	v19 =	vadd.s32 v3, v19;
	_ =	sdelay $0x1  }
0x3a8: {  	s4 =	simm.s32 $0x1800;
	v37 =	vperm.xlane v17, v5;
	v20 =	vadd.s32 v3, v36  }
0x3a9: {  	[tilespmem:s4], [sflag:$0x1] =	stream.indirect_vreg.gather [hbm4b:s10+s3], $0x80, v18, vm0, $0xb8;
	[tilespmem:$0x1E880] =	vst v63  }
0x3aa: {  	v38 =	vperm.xlane v17, v6;
	v18 =	vadd.s32 v3, v37;
	s4 =	simm.s32 $0x1880  }
0x3ab: {  	[tilespmem:s4], [sflag:$0x1] =	stream.indirect_vreg.gather [hbm4b:s10+s3], $0x80, v19, vm0, $0xb8;
	[tilespmem:$0x1E880] =	vst v63  }
0x3ac: {  	v39 =	vperm.xlane v17, v7;
	v19 =	vadd.s32 v3, v38;
	s4 =	simm.s32 $0x1900  }
0x3ad: {  	[tilespmem:s4], [sflag:$0x1] =	stream.indirect_vreg.gather [hbm4b:s10+s3], $0x80, v20, vm0, $0xb8;
	[tilespmem:$0x1E880] =	vst v63  }
0x3ae: {  	v41 =	vperm.xlane v17, v8;
	v40 =	vadd.s32 v3, v39;
	s4 =	simm.s32 $0x1980  }
0x3af: {  	[tilespmem:s4], [sflag:$0x1] =	stream.indirect_vreg.gather [hbm4b:s10+s3], $0x80, v18, vm0, $0xb8;
	[tilespmem:$0x1E880] =	vst v63  }
0x3b0: {  	v42 =	vperm.xlane v17, v0;
	v18 =	vadd.s32 v3, v41;
	s4 =	simm.s32 $0x1A00  }
0x3b1: {  	[tilespmem:s4], [sflag:$0x1] =	stream.indirect_vreg.gather [hbm4b:s10+s3], $0x80, v19, vm0, $0xb8;
	[tilespmem:$0x1E880] =	vst v63  }
0x3b2: {  	v43 =	vperm.xlane v17, v9;
	v19 =	vadd.s32 v3, v42;
	s4 =	simm.s32 $0x1A80  }
0x3b3: {  	[tilespmem:s4], [sflag:$0x1] =	stream.indirect_vreg.gather [hbm4b:s10+s3], $0x80, v40, vm0, $0xb8;
	[tilespmem:$0x1E880] =	vst v63  }
0x3b4: {  	v45 =	vperm.xlane v17, v10;
	v44 =	vadd.s32 v3, v43;
	s4 =	simm.s32 $0x1B00  }
0x3b5: {  	[tilespmem:s4], [sflag:$0x1] =	stream.indirect_vreg.gather [hbm4b:s10+s3], $0x80, v18, vm0, $0xb8;
	[tilespmem:$0x1E880] =	vst v63  }
0x3b6: {  	v46 =	vperm.xlane v17, v11;
	v18 =	vadd.s32 v3, v45;
	s4 =	simm.s32 $0x1B80  }
0x3b7: {  	[tilespmem:s4], [sflag:$0x1] =	stream.indirect_vreg.gather [hbm4b:s10+s3], $0x80, v19, vm0, $0xb8;
	[tilespmem:$0x1E880] =	vst v63  }
0x3b8: {  	v47 =	vperm.xlane v17, v12;
	v19 =	vadd.s32 v3, v46;
	s4 =	simm.s32 $0x1C00  }
0x3b9: {  	[tilespmem:s4], [sflag:$0x1] =	stream.indirect_vreg.gather [hbm4b:s10+s3], $0x80, v44, vm0, $0xb8;
	[tilespmem:$0x1E880] =	vst v63  }
0x3ba: {  	v49 =	vperm.xlane v17, v13;
	v48 =	vadd.s32 v3, v47;
	s4 =	simm.s32 $0x1C80  }
0x3bb: {  	[tilespmem:s4], [sflag:$0x1] =	stream.indirect_vreg.gather [hbm4b:s10+s3], $0x80, v18, vm0, $0xb8;
	[tilespmem:$0x1E880] =	vst v63  }
0x3bc: {  	v50 =	vperm.xlane v17, v14;
	v18 =	vadd.s32 v3, v49;
	s4 =	simm.s32 $0x1D00  }
0x3bd: {  	[tilespmem:s4], [sflag:$0x1] =	stream.indirect_vreg.gather [hbm4b:s10+s3], $0x80, v19, vm0, $0xb8;
	[tilespmem:$0x1E880] =	vst v63  }
0x3be: {  	v51 =	vperm.xlane v17, v15;
	v19 =	vadd.s32 v3, v50;
	s4 =	simm.s32 $0x1D80  }
0x3bf: {  	[tilespmem:s4], [sflag:$0x1] =	stream.indirect_vreg.gather [hbm4b:s10+s3], $0x80, v48, vm0, $0xb8;
	[tilespmem:$0x1E880] =	vst v63  }
0x3c0: {  	v17 =	vperm.xlane v17, v16;
	v52 =	vadd.s32 v3, v51;
	s4 =	simm.s32 $0x1E00  }
0x3c1: {  	[tilespmem:s4], [sflag:$0x1] =	stream.indirect_vreg.gather [hbm4b:s10+s3], $0x80, v18, vm0, $0xb8;
	[tilespmem:$0x1E880] =	vst v63  }
0x3c2: {  	v17 =	vadd.s32 v3, v17;
	s4 =	simm.s32 $0x1E80  }
0x3c3: {  	[tilespmem:s4], [sflag:$0x1] =	stream.indirect_vreg.gather [hbm4b:s10+s3], $0x80, v19, vm0, $0xb8;
	[tilespmem:$0x1E880] =	vst v63  }
0x3c4: {  	s4 =	simm.s32 $0x1F00  }
0x3c5: {  	[tilespmem:s4], [sflag:$0x1] =	stream.indirect_vreg.gather [hbm4b:s10+s3], $0x80, v52, vm0, $0xb8;
	[tilespmem:$0x1E880] =	vst v63  }
0x3c6: {  	s4 =	simm.s32 $0x1F80  }
0x3c7: {  	[tilespmem:s4], [sflag:$0x1] =	stream.indirect_vreg.gather [hbm4b:s10+s3], $0x80, v17, vm0, $0xb8;
	[tilespmem:$0x1E880] =	vst v63  }
0x3c8: {  	v17 =	vld [tilespmem:s7+$0x160];
	_ =	sdelay $0x4  }
0x3c9: {  	v18 =	vshll.u32 v17, $0x1  }
0x3ca: {  	v17 =	vand.u32 $0x7, v17;
	v18 =	vand.u32 $0xFFFFFFF0, v18  }
0x3cb: {  	v17 =	vor.u32 v17, v18  }
0x3cc: {  	v18 =	vperm.xlane v17, v2;
	_ =	sdelay $0x1  }
0x3cd: {  	v19 =	vperm.xlane v17, v1;
	v18 =	vadd.s32 v3, v18;
	_ =	sdelay $0x1  }
0x3ce: {  	v53 =	vperm.xlane v17, v4;
	v19 =	vadd.s32 v3, v19;
	_ =	sdelay $0x1  }
0x3cf: {  	s4 =	simm.s32 $0x2000;
	v54 =	vperm.xlane v17, v5;
	v20 =	vadd.s32 v3, v53  }
0x3d0: {  	[tilespmem:s4], [sflag:$0x1] =	stream.indirect_vreg.gather [hbm4b:s10+s3], $0x80, v18, vm0, $0xb8;
	[tilespmem:$0x1E880] =	vst v63  }
0x3d1: {  	v55 =	vperm.xlane v17, v6;
	v18 =	vadd.s32 v3, v54;
	s4 =	simm.s32 $0x2080  }
0x3d2: {  	[tilespmem:s4], [sflag:$0x1] =	stream.indirect_vreg.gather [hbm4b:s10+s3], $0x80, v19, vm0, $0xb8;
	[tilespmem:$0x1E880] =	vst v63  }
0x3d3: {  	v56 =	vperm.xlane v17, v7;
	v19 =	vadd.s32 v3, v55;
	s4 =	simm.s32 $0x2100  }
0x3d4: {  	[tilespmem:s4], [sflag:$0x1] =	stream.indirect_vreg.gather [hbm4b:s10+s3], $0x80, v20, vm0, $0xb8;
	[tilespmem:$0x1E880] =	vst v63  }
0x3d5: {  	v58 =	vperm.xlane v17, v8;
	v57 =	vadd.s32 v3, v56;
	s4 =	simm.s32 $0x2180  }
0x3d6: {  	[tilespmem:s4], [sflag:$0x1] =	stream.indirect_vreg.gather [hbm4b:s10+s3], $0x80, v18, vm0, $0xb8;
	[tilespmem:$0x1E880] =	vst v63  }
0x3d7: {  	v59 =	vperm.xlane v17, v0;
	v18 =	vadd.s32 v3, v58;
	s4 =	simm.s32 $0x2200  }
0x3d8: {  	[tilespmem:s4], [sflag:$0x1] =	stream.indirect_vreg.gather [hbm4b:s10+s3], $0x80, v19, vm0, $0xb8;
	[tilespmem:$0x1E880] =	vst v63  }
0x3d9: {  	v60 =	vperm.xlane v17, v9;
	v19 =	vadd.s32 v3, v59;
	s4 =	simm.s32 $0x2280  }
0x3da: {  	[tilespmem:s4], [sflag:$0x1] =	stream.indirect_vreg.gather [hbm4b:s10+s3], $0x80, v57, vm0, $0xb8;
	[tilespmem:$0x1E880] =	vst v63  }
0x3db: {  	v62 =	vperm.xlane v17, v10;
	v61 =	vadd.s32 v3, v60;
	s4 =	simm.s32 $0x2300  }
0x3dc: {  	[tilespmem:s4], [sflag:$0x1] =	stream.indirect_vreg.gather [hbm4b:s10+s3], $0x80, v18, vm0, $0xb8;
	[tilespmem:$0x1E880] =	vst v63  }
0x3dd: {  	v63 =	vperm.xlane v17, v11;
	v18 =	vadd.s32 v3, v62;
	s4 =	simm.s32 $0x2380  }
0x3de: {  	[tilespmem:s4], [sflag:$0x1] =	stream.indirect_vreg.gather [hbm4b:s10+s3], $0x80, v19, vm0, $0xb8;
	[tilespmem:$0x1E880] =	vst v63  }
0x3df: {  	v24 =	vperm.xlane v17, v12;
	v19 =	vadd.s32 v3, v63;
	s4 =	simm.s32 $0x2400  }
0x3e0: {  	[tilespmem:s4], [sflag:$0x1] =	stream.indirect_vreg.gather [hbm4b:s10+s3], $0x80, v61, vm0, $0xb8;
	[tilespmem:$0x1E880] =	vst v63  }
0x3e1: {  	v26 =	vperm.xlane v17, v13;
	v25 =	vadd.s32 v3, v24;
	s4 =	simm.s32 $0x2480  }
0x3e2: {  	[tilespmem:s4], [sflag:$0x1] =	stream.indirect_vreg.gather [hbm4b:s10+s3], $0x80, v18, vm0, $0xb8;
	[tilespmem:$0x1E880] =	vst v63  }
0x3e3: {  	v27 =	vperm.xlane v17, v14;
	v18 =	vadd.s32 v3, v26;
	s4 =	simm.s32 $0x2500  }
0x3e4: {  	[tilespmem:s4], [sflag:$0x1] =	stream.indirect_vreg.gather [hbm4b:s10+s3], $0x80, v19, vm0, $0xb8;
	[tilespmem:$0x1E880] =	vst v63  }
0x3e5: {  	v28 =	vperm.xlane v17, v15;
	v19 =	vadd.s32 v3, v27;
	s4 =	simm.s32 $0x2580  }
0x3e6: {  	[tilespmem:s4], [sflag:$0x1] =	stream.indirect_vreg.gather [hbm4b:s10+s3], $0x80, v25, vm0, $0xb8;
	[tilespmem:$0x1E880] =	vst v63  }
0x3e7: {  	v17 =	vperm.xlane v17, v16;
	v29 =	vadd.s32 v3, v28;
	s4 =	simm.s32 $0x2600  }
0x3e8: {  	[tilespmem:s4], [sflag:$0x1] =	stream.indirect_vreg.gather [hbm4b:s10+s3], $0x80, v18, vm0, $0xb8;
	[tilespmem:$0x1E880] =	vst v63  }
0x3e9: {  	v17 =	vadd.s32 v3, v17;
	s4 =	simm.s32 $0x2680  }
0x3ea: {  	[tilespmem:s4], [sflag:$0x1] =	stream.indirect_vreg.gather [hbm4b:s10+s3], $0x80, v19, vm0, $0xb8;
	[tilespmem:$0x1E880] =	vst v63  }
0x3eb: {  	s4 =	simm.s32 $0x2700  }
0x3ec: {  	[tilespmem:s4], [sflag:$0x1] =	stream.indirect_vreg.gather [hbm4b:s10+s3], $0x80, v29, vm0, $0xb8;
	[tilespmem:$0x1E880] =	vst v63  }
0x3ed: {  	s4 =	simm.s32 $0x2780  }
0x3ee: {  	[tilespmem:s4], [sflag:$0x1] =	stream.indirect_vreg.gather [hbm4b:s10+s3], $0x80, v17, vm0, $0xb8;
	[tilespmem:$0x1E880] =	vst v63  }
0x3ef: {  	v17 =	vld [tilespmem:s7+$0x170];
	_ =	sdelay $0x4  }
0x3f0: {  	v18 =	vshll.u32 v17, $0x1  }
0x3f1: {  	v17 =	vand.u32 $0x7, v17;
	v18 =	vand.u32 $0xFFFFFFF0, v18  }
0x3f2: {  	v17 =	vor.u32 v17, v18  }
0x3f3: {  	v18 =	vperm.xlane v17, v2;
	_ =	sdelay $0x1  }
0x3f4: {  	v19 =	vperm.xlane v17, v1;
	v18 =	vadd.s32 v3, v18;
	_ =	sdelay $0x1  }
0x3f5: {  	v30 =	vperm.xlane v17, v4;
	v19 =	vadd.s32 v3, v19;
	_ =	sdelay $0x1  }
0x3f6: {  	s4 =	simm.s32 $0x2800;
	v31 =	vperm.xlane v17, v5;
	v20 =	vadd.s32 v3, v30  }
0x3f7: {  	[tilespmem:s4], [sflag:$0x1] =	stream.indirect_vreg.gather [hbm4b:s10+s3], $0x80, v18, vm0, $0xb8;
	[tilespmem:$0x1E880] =	vst v63  }
0x3f8: {  	v32 =	vperm.xlane v17, v6;
	v18 =	vadd.s32 v3, v31;
	s4 =	simm.s32 $0x2880  }
0x3f9: {  	[tilespmem:s4], [sflag:$0x1] =	stream.indirect_vreg.gather [hbm4b:s10+s3], $0x80, v19, vm0, $0xb8;
	[tilespmem:$0x1E880] =	vst v63  }
0x3fa: {  	v33 =	vperm.xlane v17, v7;
	v19 =	vadd.s32 v3, v32;
	s4 =	simm.s32 $0x2900  }
0x3fb: {  	[tilespmem:s4], [sflag:$0x1] =	stream.indirect_vreg.gather [hbm4b:s10+s3], $0x80, v20, vm0, $0xb8;
	[tilespmem:$0x1E880] =	vst v63  }
0x3fc: {  	v35 =	vperm.xlane v17, v8;
	v34 =	vadd.s32 v3, v33;
	s4 =	simm.s32 $0x2980  }
0x3fd: {  	[tilespmem:s4], [sflag:$0x1] =	stream.indirect_vreg.gather [hbm4b:s10+s3], $0x80, v18, vm0, $0xb8;
	[tilespmem:$0x1E880] =	vst v63  }
0x3fe: {  	v36 =	vperm.xlane v17, v0;
	v18 =	vadd.s32 v3, v35;
	s4 =	simm.s32 $0x2A00  }
0x3ff: {  	[tilespmem:s4], [sflag:$0x1] =	stream.indirect_vreg.gather [hbm4b:s10+s3], $0x80, v19, vm0, $0xb8;
	[tilespmem:$0x1E880] =	vst v63  }
0x400: {  	v37 =	vperm.xlane v17, v9;
	v19 =	vadd.s32 v3, v36;
	s4 =	simm.s32 $0x2A80  }
0x401: {  	[tilespmem:s4], [sflag:$0x1] =	stream.indirect_vreg.gather [hbm4b:s10+s3], $0x80, v34, vm0, $0xb8;
	[tilespmem:$0x1E880] =	vst v63  }
0x402: {  	v39 =	vperm.xlane v17, v10;
	v38 =	vadd.s32 v3, v37;
	s4 =	simm.s32 $0x2B00  }
0x403: {  	[tilespmem:s4], [sflag:$0x1] =	stream.indirect_vreg.gather [hbm4b:s10+s3], $0x80, v18, vm0, $0xb8;
	[tilespmem:$0x1E880] =	vst v63  }
0x404: {  	v40 =	vperm.xlane v17, v11;
	v18 =	vadd.s32 v3, v39;
	s4 =	simm.s32 $0x2B80  }
0x405: {  	[tilespmem:s4], [sflag:$0x1] =	stream.indirect_vreg.gather [hbm4b:s10+s3], $0x80, v19, vm0, $0xb8;
	[tilespmem:$0x1E880] =	vst v63  }
0x406: {  	v41 =	vperm.xlane v17, v12;
	v19 =	vadd.s32 v3, v40;
	s4 =	simm.s32 $0x2C00  }
0x407: {  	[tilespmem:s4], [sflag:$0x1] =	stream.indirect_vreg.gather [hbm4b:s10+s3], $0x80, v38, vm0, $0xb8;
	[tilespmem:$0x1E880] =	vst v63  }
0x408: {  	v43 =	vperm.xlane v17, v13;
	v42 =	vadd.s32 v3, v41;
	s4 =	simm.s32 $0x2C80  }
0x409: {  	[tilespmem:s4], [sflag:$0x1] =	stream.indirect_vreg.gather [hbm4b:s10+s3], $0x80, v18, vm0, $0xb8;
	[tilespmem:$0x1E880] =	vst v63  }
0x40a: {  	v44 =	vperm.xlane v17, v14;
	v18 =	vadd.s32 v3, v43;
	s4 =	simm.s32 $0x2D00  }
0x40b: {  	[tilespmem:s4], [sflag:$0x1] =	stream.indirect_vreg.gather [hbm4b:s10+s3], $0x80, v19, vm0, $0xb8;
	[tilespmem:$0x1E880] =	vst v63  }
0x40c: {  	v45 =	vperm.xlane v17, v15;
	v19 =	vadd.s32 v3, v44;
	s4 =	simm.s32 $0x2D80  }
0x40d: {  	[tilespmem:s4], [sflag:$0x1] =	stream.indirect_vreg.gather [hbm4b:s10+s3], $0x80, v42, vm0, $0xb8;
	[tilespmem:$0x1E880] =	vst v63  }
0x40e: {  	v17 =	vperm.xlane v17, v16;
	v46 =	vadd.s32 v3, v45;
	s4 =	simm.s32 $0x2E00  }
0x40f: {  	[tilespmem:s4], [sflag:$0x1] =	stream.indirect_vreg.gather [hbm4b:s10+s3], $0x80, v18, vm0, $0xb8;
	[tilespmem:$0x1E880] =	vst v63  }
0x410: {  	v17 =	vadd.s32 v3, v17;
	s4 =	simm.s32 $0x2E80  }
0x411: {  	[tilespmem:s4], [sflag:$0x1] =	stream.indirect_vreg.gather [hbm4b:s10+s3], $0x80, v19, vm0, $0xb8;
	[tilespmem:$0x1E880] =	vst v63  }
0x412: {  	s4 =	simm.s32 $0x2F00  }
0x413: {  	[tilespmem:s4], [sflag:$0x1] =	stream.indirect_vreg.gather [hbm4b:s10+s3], $0x80, v46, vm0, $0xb8;
	[tilespmem:$0x1E880] =	vst v63  }
0x414: {  	s4 =	simm.s32 $0x2F80  }
0x415: {  	[tilespmem:s4], [sflag:$0x1] =	stream.indirect_vreg.gather [hbm4b:s10+s3], $0x80, v17, vm0, $0xb8;
	[tilespmem:$0x1E880] =	vst v63  }
0x416: {  	v17 =	vld [tilespmem:s7+$0x180];
	_ =	sdelay $0x4  }
0x417: {  	v18 =	vshll.u32 v17, $0x1  }
0x418: {  	v17 =	vand.u32 $0x7, v17;
	v18 =	vand.u32 $0xFFFFFFF0, v18  }
0x419: {  	v17 =	vor.u32 v17, v18  }
0x41a: {  	v18 =	vperm.xlane v17, v2;
	_ =	sdelay $0x1  }
0x41b: {  	v19 =	vperm.xlane v17, v1;
	v18 =	vadd.s32 v3, v18;
	_ =	sdelay $0x1  }
0x41c: {  	v47 =	vperm.xlane v17, v4;
	v19 =	vadd.s32 v3, v19;
	_ =	sdelay $0x1  }
0x41d: {  	s4 =	simm.s32 $0x3000;
	v48 =	vperm.xlane v17, v5;
	v20 =	vadd.s32 v3, v47  }
0x41e: {  	[tilespmem:s4], [sflag:$0x1] =	stream.indirect_vreg.gather [hbm4b:s10+s3], $0x80, v18, vm0, $0xb8;
	[tilespmem:$0x1E880] =	vst v63  }
0x41f: {  	v49 =	vperm.xlane v17, v6;
	v18 =	vadd.s32 v3, v48;
	s4 =	simm.s32 $0x3080  }
0x420: {  	[tilespmem:s4], [sflag:$0x1] =	stream.indirect_vreg.gather [hbm4b:s10+s3], $0x80, v19, vm0, $0xb8;
	[tilespmem:$0x1E880] =	vst v63  }
0x421: {  	v50 =	vperm.xlane v17, v7;
	v19 =	vadd.s32 v3, v49;
	s4 =	simm.s32 $0x3100  }
0x422: {  	[tilespmem:s4], [sflag:$0x1] =	stream.indirect_vreg.gather [hbm4b:s10+s3], $0x80, v20, vm0, $0xb8;
	[tilespmem:$0x1E880] =	vst v63  }
0x423: {  	v52 =	vperm.xlane v17, v8;
	v51 =	vadd.s32 v3, v50;
	s4 =	simm.s32 $0x3180  }
0x424: {  	[tilespmem:s4], [sflag:$0x1] =	stream.indirect_vreg.gather [hbm4b:s10+s3], $0x80, v18, vm0, $0xb8;
	[tilespmem:$0x1E880] =	vst v63  }
0x425: {  	v53 =	vperm.xlane v17, v0;
	v18 =	vadd.s32 v3, v52;
	s4 =	simm.s32 $0x3200  }
0x426: {  	[tilespmem:s4], [sflag:$0x1] =	stream.indirect_vreg.gather [hbm4b:s10+s3], $0x80, v19, vm0, $0xb8;
	[tilespmem:$0x1E880] =	vst v63  }
0x427: {  	v54 =	vperm.xlane v17, v9;
	v19 =	vadd.s32 v3, v53;
	s4 =	simm.s32 $0x3280  }
0x428: {  	[tilespmem:s4], [sflag:$0x1] =	stream.indirect_vreg.gather [hbm4b:s10+s3], $0x80, v51, vm0, $0xb8;
	[tilespmem:$0x1E880] =	vst v63  }
0x429: {  	v56 =	vperm.xlane v17, v10;
	v55 =	vadd.s32 v3, v54;
	s4 =	simm.s32 $0x3300  }
0x42a: {  	[tilespmem:s4], [sflag:$0x1] =	stream.indirect_vreg.gather [hbm4b:s10+s3], $0x80, v18, vm0, $0xb8;
	[tilespmem:$0x1E880] =	vst v63  }
0x42b: {  	v57 =	vperm.xlane v17, v11;
	v18 =	vadd.s32 v3, v56;
	s4 =	simm.s32 $0x3380  }
0x42c: {  	[tilespmem:s4], [sflag:$0x1] =	stream.indirect_vreg.gather [hbm4b:s10+s3], $0x80, v19, vm0, $0xb8;
	[tilespmem:$0x1E880] =	vst v63  }
0x42d: {  	v58 =	vperm.xlane v17, v12;
	v19 =	vadd.s32 v3, v57;
	s4 =	simm.s32 $0x3400  }
0x42e: {  	[tilespmem:s4], [sflag:$0x1] =	stream.indirect_vreg.gather [hbm4b:s10+s3], $0x80, v55, vm0, $0xb8;
	[tilespmem:$0x1E880] =	vst v63  }
0x42f: {  	v60 =	vperm.xlane v17, v13;
	v59 =	vadd.s32 v3, v58;
	s4 =	simm.s32 $0x3480  }
0x430: {  	[tilespmem:s4], [sflag:$0x1] =	stream.indirect_vreg.gather [hbm4b:s10+s3], $0x80, v18, vm0, $0xb8;
	[tilespmem:$0x1E880] =	vst v63  }
0x431: {  	v61 =	vperm.xlane v17, v14;
	v18 =	vadd.s32 v3, v60;
	s4 =	simm.s32 $0x3500  }
0x432: {  	[tilespmem:s4], [sflag:$0x1] =	stream.indirect_vreg.gather [hbm4b:s10+s3], $0x80, v19, vm0, $0xb8;
	[tilespmem:$0x1E880] =	vst v63  }
0x433: {  	v62 =	vperm.xlane v17, v15;
	v19 =	vadd.s32 v3, v61;
	s4 =	simm.s32 $0x3580  }
0x434: {  	[tilespmem:s4], [sflag:$0x1] =	stream.indirect_vreg.gather [hbm4b:s10+s3], $0x80, v59, vm0, $0xb8;
	[tilespmem:$0x1E880] =	vst v63  }
0x435: {  	v17 =	vperm.xlane v17, v16;
	v63 =	vadd.s32 v3, v62;
	s4 =	simm.s32 $0x3600  }
0x436: {  	[tilespmem:s4], [sflag:$0x1] =	stream.indirect_vreg.gather [hbm4b:s10+s3], $0x80, v18, vm0, $0xb8;
	[tilespmem:$0x1E880] =	vst v63  }
0x437: {  	v17 =	vadd.s32 v3, v17;
	s4 =	simm.s32 $0x3680  }
0x438: {  	[tilespmem:s4], [sflag:$0x1] =	stream.indirect_vreg.gather [hbm4b:s10+s3], $0x80, v19, vm0, $0xb8;
	[tilespmem:$0x1E880] =	vst v63  }
0x439: {  	s4 =	simm.s32 $0x3700  }
0x43a: {  	[tilespmem:s4], [sflag:$0x1] =	stream.indirect_vreg.gather [hbm4b:s10+s3], $0x80, v63, vm0, $0xb8;
	[tilespmem:$0x1E880] =	vst v63  }
0x43b: {  	s4 =	simm.s32 $0x3780  }
0x43c: {  	[tilespmem:s4], [sflag:$0x1] =	stream.indirect_vreg.gather [hbm4b:s10+s3], $0x80, v17, vm0, $0xb8;
	[tilespmem:$0x1E880] =	vst v63  }
0x43d: {  	_ =	swait.ge [sflag:s5], $0x2800  }
0x43e: {  	p5 =	seq.s32 s6, $0x1900;
	[sflag:s5] =	ssyncset.done $0x0  }
.Ltmp4:
0x43f: {  	s4 =	sadd.s32 $0x850, s7;
	[sflag:s5] =	ssyncadd.s32 $0xFFFFD800;
	(pc) =	sbr.rel @!p5 .LBB2_4-.Ltmp4, $4  }
0x440: {  	[spmem:s2] =	stream.indirect.scatter.add.f32 [tilespmem:s23], [sflag:$0x5], $0x80, s4, s9, $0xb8;
	[tilespmem:$0x1E880] =	vst v63  }
0x441: {  	_ =	swait.ge [sflag:s19], $0x2800  }
0x442: {  	[sflag:s19] =	ssyncset.done $0x0  }
0x443: {  	s8 =	sadd.s32 $0x8A0, s7;
	[sflag:s19] =	ssyncadd.s32 $0xFFFFD800  }
0x444: {  	_ =	swait.ge [sflag:s20], $0x2800  }
0x445: {  	[sflag:s20] =	ssyncset.done $0x0  }
.Ltmp5:
0x446: {  	[sflag:s20] =	ssyncadd.s32 $0xFFFFD800;
	(pc) =	sbr.rel .LBB2_6-.Ltmp5, $4  }
0x447: {  	[spmem:s2] =	stream.indirect.scatter.add.f32 [tilespmem:s24], [sflag:$0x5], $0x80, s8, s9, $0xb8;
	[tilespmem:$0x1E880] =	vst v63  }
0x448: {  	_ =	swait.ge [sflag:s19], $0x2800  }
0x449: {  	[sflag:s19] =	ssyncset.done $0x0  }
0x44a: {  	[sflag:s19] =	ssyncadd.s32 $0xFFFFD800  }
.LBB2_4:
0x44b: {  	v17 =	vld [tilespmem:s7+$0x190];
	_ =	sdelay $0x4  }
0x44c: {  	v18 =	vshll.u32 v17, $0x1  }
0x44d: {  	v17 =	vand.u32 $0x7, v17;
	v18 =	vand.u32 $0xFFFFFFF0, v18  }
0x44e: {  	v17 =	vor.u32 v17, v18  }
0x44f: {  	v18 =	vperm.xlane v17, v2;
	_ =	sdelay $0x1  }
0x450: {  	v19 =	vperm.xlane v17, v1;
	v18 =	vadd.s32 v3, v18;
	_ =	sdelay $0x1  }
0x451: {  	v20 =	vperm.xlane v17, v4;
	v19 =	vadd.s32 v3, v19;
	_ =	sdelay $0x1  }
0x452: {  	v21 =	vperm.xlane v17, v5;
	v20 =	vadd.s32 v3, v20  }
0x453: {  	[tilespmem:s23], [sflag:$0x2] =	stream.indirect_vreg.gather [hbm4b:s10+s3], $0x80, v18, vm0, $0xb8;
	[tilespmem:$0x1E880] =	vst v63  }
0x454: {  	s4 =	simm.s32 $0x3880;
	v56 =	vperm.xlane v17, v6;
	v18 =	vadd.s32 v3, v21  }
0x455: {  	[tilespmem:s4], [sflag:$0x2] =	stream.indirect_vreg.gather [hbm4b:s10+s3], $0x80, v19, vm0, $0xb8;
	[tilespmem:$0x1E880] =	vst v63  }
0x456: {  	v57 =	vperm.xlane v17, v7;
	v19 =	vadd.s32 v3, v56;
	s4 =	simm.s32 $0x3900  }
0x457: {  	[tilespmem:s4], [sflag:$0x2] =	stream.indirect_vreg.gather [hbm4b:s10+s3], $0x80, v20, vm0, $0xb8;
	[tilespmem:$0x1E880] =	vst v63  }
0x458: {  	v59 =	vperm.xlane v17, v8;
	v58 =	vadd.s32 v3, v57;
	s4 =	simm.s32 $0x3980  }
0x459: {  	[tilespmem:s4], [sflag:$0x2] =	stream.indirect_vreg.gather [hbm4b:s10+s3], $0x80, v18, vm0, $0xb8;
	[tilespmem:$0x1E880] =	vst v63  }
0x45a: {  	v60 =	vperm.xlane v17, v0;
	v18 =	vadd.s32 v3, v59;
	s4 =	simm.s32 $0x3A00  }
0x45b: {  	[tilespmem:s4], [sflag:$0x2] =	stream.indirect_vreg.gather [hbm4b:s10+s3], $0x80, v19, vm0, $0xb8;
	[tilespmem:$0x1E880] =	vst v63  }
0x45c: {  	v61 =	vperm.xlane v17, v9;
	v19 =	vadd.s32 v3, v60;
	s4 =	simm.s32 $0x3A80  }
0x45d: {  	[tilespmem:s4], [sflag:$0x2] =	stream.indirect_vreg.gather [hbm4b:s10+s3], $0x80, v58, vm0, $0xb8;
	[tilespmem:$0x1E880] =	vst v63  }
0x45e: {  	v63 =	vperm.xlane v17, v10;
	v62 =	vadd.s32 v3, v61;
	s4 =	simm.s32 $0x3B00  }
0x45f: {  	[tilespmem:s4], [sflag:$0x2] =	stream.indirect_vreg.gather [hbm4b:s10+s3], $0x80, v18, vm0, $0xb8;
	[tilespmem:$0x1E880] =	vst v63  }
0x460: {  	v24 =	vperm.xlane v17, v11;
	v18 =	vadd.s32 v3, v63;
	s4 =	simm.s32 $0x3B80  }
0x461: {  	[tilespmem:s4], [sflag:$0x2] =	stream.indirect_vreg.gather [hbm4b:s10+s3], $0x80, v19, vm0, $0xb8;
	[tilespmem:$0x1E880] =	vst v63  }
0x462: {  	v25 =	vperm.xlane v17, v12;
	v19 =	vadd.s32 v3, v24;
	s4 =	simm.s32 $0x3C00  }
0x463: {  	[tilespmem:s4], [sflag:$0x2] =	stream.indirect_vreg.gather [hbm4b:s10+s3], $0x80, v62, vm0, $0xb8;
	[tilespmem:$0x1E880] =	vst v63  }
0x464: {  	v27 =	vperm.xlane v17, v13;
	v26 =	vadd.s32 v3, v25;
	s4 =	simm.s32 $0x3C80  }
0x465: {  	[tilespmem:s4], [sflag:$0x2] =	stream.indirect_vreg.gather [hbm4b:s10+s3], $0x80, v18, vm0, $0xb8;
	[tilespmem:$0x1E880] =	vst v63  }
0x466: {  	v28 =	vperm.xlane v17, v14;
	v18 =	vadd.s32 v3, v27;
	s4 =	simm.s32 $0x3D00  }
0x467: {  	[tilespmem:s4], [sflag:$0x2] =	stream.indirect_vreg.gather [hbm4b:s10+s3], $0x80, v19, vm0, $0xb8;
	[tilespmem:$0x1E880] =	vst v63  }
0x468: {  	v29 =	vperm.xlane v17, v15;
	v19 =	vadd.s32 v3, v28;
	s4 =	simm.s32 $0x3D80  }
0x469: {  	[tilespmem:s4], [sflag:$0x2] =	stream.indirect_vreg.gather [hbm4b:s10+s3], $0x80, v26, vm0, $0xb8;
	[tilespmem:$0x1E880] =	vst v63  }
0x46a: {  	v17 =	vperm.xlane v17, v16;
	v30 =	vadd.s32 v3, v29;
	s4 =	simm.s32 $0x3E00  }
0x46b: {  	[tilespmem:s4], [sflag:$0x2] =	stream.indirect_vreg.gather [hbm4b:s10+s3], $0x80, v18, vm0, $0xb8;
	[tilespmem:$0x1E880] =	vst v63  }
0x46c: {  	v17 =	vadd.s32 v3, v17;
	s4 =	simm.s32 $0x3E80  }
0x46d: {  	[tilespmem:s4], [sflag:$0x2] =	stream.indirect_vreg.gather [hbm4b:s10+s3], $0x80, v19, vm0, $0xb8;
	[tilespmem:$0x1E880] =	vst v63  }
0x46e: {  	s4 =	simm.s32 $0x3F00  }
0x46f: {  	[tilespmem:s4], [sflag:$0x2] =	stream.indirect_vreg.gather [hbm4b:s10+s3], $0x80, v30, vm0, $0xb8;
	[tilespmem:$0x1E880] =	vst v63  }
0x470: {  	s4 =	simm.s32 $0x3F80  }
0x471: {  	[tilespmem:s4], [sflag:$0x2] =	stream.indirect_vreg.gather [hbm4b:s10+s3], $0x80, v17, vm0, $0xb8;
	[tilespmem:$0x1E880] =	vst v63  }
0x472: {  	v17 =	vld [tilespmem:s7+$0x1A0];
	_ =	sdelay $0x4  }
0x473: {  	v18 =	vshll.u32 v17, $0x1  }
0x474: {  	v17 =	vand.u32 $0x7, v17;
	v18 =	vand.u32 $0xFFFFFFF0, v18  }
0x475: {  	v17 =	vor.u32 v17, v18  }
0x476: {  	v18 =	vperm.xlane v17, v2;
	_ =	sdelay $0x1  }
0x477: {  	v19 =	vperm.xlane v17, v1;
	v18 =	vadd.s32 v3, v18;
	_ =	sdelay $0x1  }
0x478: {  	v31 =	vperm.xlane v17, v4;
	v19 =	vadd.s32 v3, v19;
	_ =	sdelay $0x1  }
0x479: {  	s4 =	simm.s32 $0x4000;
	v32 =	vperm.xlane v17, v5;
	v20 =	vadd.s32 v3, v31  }
0x47a: {  	[tilespmem:s4], [sflag:$0x2] =	stream.indirect_vreg.gather [hbm4b:s10+s3], $0x80, v18, vm0, $0xb8;
	[tilespmem:$0x1E880] =	vst v63  }
0x47b: {  	v33 =	vperm.xlane v17, v6;
	v18 =	vadd.s32 v3, v32;
	s4 =	simm.s32 $0x4080  }
0x47c: {  	[tilespmem:s4], [sflag:$0x2] =	stream.indirect_vreg.gather [hbm4b:s10+s3], $0x80, v19, vm0, $0xb8;
	[tilespmem:$0x1E880] =	vst v63  }
0x47d: {  	v34 =	vperm.xlane v17, v7;
	v19 =	vadd.s32 v3, v33;
	s4 =	simm.s32 $0x4100  }
0x47e: {  	[tilespmem:s4], [sflag:$0x2] =	stream.indirect_vreg.gather [hbm4b:s10+s3], $0x80, v20, vm0, $0xb8;
	[tilespmem:$0x1E880] =	vst v63  }
0x47f: {  	v36 =	vperm.xlane v17, v8;
	v35 =	vadd.s32 v3, v34;
	s4 =	simm.s32 $0x4180  }
0x480: {  	[tilespmem:s4], [sflag:$0x2] =	stream.indirect_vreg.gather [hbm4b:s10+s3], $0x80, v18, vm0, $0xb8;
	[tilespmem:$0x1E880] =	vst v63  }
0x481: {  	v37 =	vperm.xlane v17, v0;
	v18 =	vadd.s32 v3, v36;
	s4 =	simm.s32 $0x4200  }
0x482: {  	[tilespmem:s4], [sflag:$0x2] =	stream.indirect_vreg.gather [hbm4b:s10+s3], $0x80, v19, vm0, $0xb8;
	[tilespmem:$0x1E880] =	vst v63  }
0x483: {  	v38 =	vperm.xlane v17, v9;
	v19 =	vadd.s32 v3, v37;
	s4 =	simm.s32 $0x4280  }
0x484: {  	[tilespmem:s4], [sflag:$0x2] =	stream.indirect_vreg.gather [hbm4b:s10+s3], $0x80, v35, vm0, $0xb8;
	[tilespmem:$0x1E880] =	vst v63  }
0x485: {  	v40 =	vperm.xlane v17, v10;
	v39 =	vadd.s32 v3, v38;
	s4 =	simm.s32 $0x4300  }
0x486: {  	[tilespmem:s4], [sflag:$0x2] =	stream.indirect_vreg.gather [hbm4b:s10+s3], $0x80, v18, vm0, $0xb8;
	[tilespmem:$0x1E880] =	vst v63  }
0x487: {  	v41 =	vperm.xlane v17, v11;
	v18 =	vadd.s32 v3, v40;
	s4 =	simm.s32 $0x4380  }
0x488: {  	[tilespmem:s4], [sflag:$0x2] =	stream.indirect_vreg.gather [hbm4b:s10+s3], $0x80, v19, vm0, $0xb8;
	[tilespmem:$0x1E880] =	vst v63  }
0x489: {  	v42 =	vperm.xlane v17, v12;
	v19 =	vadd.s32 v3, v41;
	s4 =	simm.s32 $0x4400  }
0x48a: {  	[tilespmem:s4], [sflag:$0x2] =	stream.indirect_vreg.gather [hbm4b:s10+s3], $0x80, v39, vm0, $0xb8;
	[tilespmem:$0x1E880] =	vst v63  }
0x48b: {  	v44 =	vperm.xlane v17, v13;
	v43 =	vadd.s32 v3, v42;
	s4 =	simm.s32 $0x4480  }
0x48c: {  	[tilespmem:s4], [sflag:$0x2] =	stream.indirect_vreg.gather [hbm4b:s10+s3], $0x80, v18, vm0, $0xb8;
	[tilespmem:$0x1E880] =	vst v63  }
0x48d: {  	v45 =	vperm.xlane v17, v14;
	v18 =	vadd.s32 v3, v44;
	s4 =	simm.s32 $0x4500  }
0x48e: {  	[tilespmem:s4], [sflag:$0x2] =	stream.indirect_vreg.gather [hbm4b:s10+s3], $0x80, v19, vm0, $0xb8;
	[tilespmem:$0x1E880] =	vst v63  }
0x48f: {  	v46 =	vperm.xlane v17, v15;
	v19 =	vadd.s32 v3, v45;
	s4 =	simm.s32 $0x4580  }
0x490: {  	[tilespmem:s4], [sflag:$0x2] =	stream.indirect_vreg.gather [hbm4b:s10+s3], $0x80, v43, vm0, $0xb8;
	[tilespmem:$0x1E880] =	vst v63  }
0x491: {  	v17 =	vperm.xlane v17, v16;
	v47 =	vadd.s32 v3, v46;
	s4 =	simm.s32 $0x4600  }
0x492: {  	[tilespmem:s4], [sflag:$0x2] =	stream.indirect_vreg.gather [hbm4b:s10+s3], $0x80, v18, vm0, $0xb8;
	[tilespmem:$0x1E880] =	vst v63  }
0x493: {  	v17 =	vadd.s32 v3, v17;
	s4 =	simm.s32 $0x4680  }
0x494: {  	[tilespmem:s4], [sflag:$0x2] =	stream.indirect_vreg.gather [hbm4b:s10+s3], $0x80, v19, vm0, $0xb8;
	[tilespmem:$0x1E880] =	vst v63  }
0x495: {  	s4 =	simm.s32 $0x4700  }
0x496: {  	[tilespmem:s4], [sflag:$0x2] =	stream.indirect_vreg.gather [hbm4b:s10+s3], $0x80, v47, vm0, $0xb8;
	[tilespmem:$0x1E880] =	vst v63  }
0x497: {  	s4 =	simm.s32 $0x4780  }
0x498: {  	[tilespmem:s4], [sflag:$0x2] =	stream.indirect_vreg.gather [hbm4b:s10+s3], $0x80, v17, vm0, $0xb8;
	[tilespmem:$0x1E880] =	vst v63  }
0x499: {  	v17 =	vld [tilespmem:s7+$0x1B0];
	_ =	sdelay $0x4  }
0x49a: {  	v18 =	vshll.u32 v17, $0x1  }
0x49b: {  	v17 =	vand.u32 $0x7, v17;
	v18 =	vand.u32 $0xFFFFFFF0, v18  }
0x49c: {  	v17 =	vor.u32 v17, v18  }
0x49d: {  	v18 =	vperm.xlane v17, v2;
	_ =	sdelay $0x1  }
0x49e: {  	v19 =	vperm.xlane v17, v1;
	v18 =	vadd.s32 v3, v18;
	_ =	sdelay $0x1  }
0x49f: {  	v48 =	vperm.xlane v17, v4;
	v19 =	vadd.s32 v3, v19;
	_ =	sdelay $0x1  }
0x4a0: {  	s4 =	simm.s32 $0x4800;
	v49 =	vperm.xlane v17, v5;
	v20 =	vadd.s32 v3, v48  }
0x4a1: {  	[tilespmem:s4], [sflag:$0x2] =	stream.indirect_vreg.gather [hbm4b:s10+s3], $0x80, v18, vm0, $0xb8;
	[tilespmem:$0x1E880] =	vst v63  }
0x4a2: {  	v50 =	vperm.xlane v17, v6;
	v18 =	vadd.s32 v3, v49;
	s4 =	simm.s32 $0x4880  }
0x4a3: {  	[tilespmem:s4], [sflag:$0x2] =	stream.indirect_vreg.gather [hbm4b:s10+s3], $0x80, v19, vm0, $0xb8;
	[tilespmem:$0x1E880] =	vst v63  }
0x4a4: {  	v51 =	vperm.xlane v17, v7;
	v19 =	vadd.s32 v3, v50;
	s4 =	simm.s32 $0x4900  }
0x4a5: {  	[tilespmem:s4], [sflag:$0x2] =	stream.indirect_vreg.gather [hbm4b:s10+s3], $0x80, v20, vm0, $0xb8;
	[tilespmem:$0x1E880] =	vst v63  }
0x4a6: {  	v53 =	vperm.xlane v17, v8;
	v52 =	vadd.s32 v3, v51;
	s4 =	simm.s32 $0x4980  }
0x4a7: {  	[tilespmem:s4], [sflag:$0x2] =	stream.indirect_vreg.gather [hbm4b:s10+s3], $0x80, v18, vm0, $0xb8;
	[tilespmem:$0x1E880] =	vst v63  }
0x4a8: {  	v54 =	vperm.xlane v17, v0;
	v18 =	vadd.s32 v3, v53;
	s4 =	simm.s32 $0x4A00  }
0x4a9: {  	[tilespmem:s4], [sflag:$0x2] =	stream.indirect_vreg.gather [hbm4b:s10+s3], $0x80, v19, vm0, $0xb8;
	[tilespmem:$0x1E880] =	vst v63  }
0x4aa: {  	v55 =	vperm.xlane v17, v9;
	v19 =	vadd.s32 v3, v54;
	s4 =	simm.s32 $0x4A80  }
0x4ab: {  	[tilespmem:s4], [sflag:$0x2] =	stream.indirect_vreg.gather [hbm4b:s10+s3], $0x80, v52, vm0, $0xb8;
	[tilespmem:$0x1E880] =	vst v63  }
0x4ac: {  	v57 =	vperm.xlane v17, v10;
	v56 =	vadd.s32 v3, v55;
	s4 =	simm.s32 $0x4B00  }
0x4ad: {  	[tilespmem:s4], [sflag:$0x2] =	stream.indirect_vreg.gather [hbm4b:s10+s3], $0x80, v18, vm0, $0xb8;
	[tilespmem:$0x1E880] =	vst v63  }
0x4ae: {  	v58 =	vperm.xlane v17, v11;
	v18 =	vadd.s32 v3, v57;
	s4 =	simm.s32 $0x4B80  }
0x4af: {  	[tilespmem:s4], [sflag:$0x2] =	stream.indirect_vreg.gather [hbm4b:s10+s3], $0x80, v19, vm0, $0xb8;
	[tilespmem:$0x1E880] =	vst v63  }
0x4b0: {  	v59 =	vperm.xlane v17, v12;
	v19 =	vadd.s32 v3, v58;
	s4 =	simm.s32 $0x4C00  }
0x4b1: {  	[tilespmem:s4], [sflag:$0x2] =	stream.indirect_vreg.gather [hbm4b:s10+s3], $0x80, v56, vm0, $0xb8;
	[tilespmem:$0x1E880] =	vst v63  }
0x4b2: {  	v61 =	vperm.xlane v17, v13;
	v60 =	vadd.s32 v3, v59;
	s4 =	simm.s32 $0x4C80  }
0x4b3: {  	[tilespmem:s4], [sflag:$0x2] =	stream.indirect_vreg.gather [hbm4b:s10+s3], $0x80, v18, vm0, $0xb8;
	[tilespmem:$0x1E880] =	vst v63  }
0x4b4: {  	v62 =	vperm.xlane v17, v14;
	v18 =	vadd.s32 v3, v61;
	s4 =	simm.s32 $0x4D00  }
0x4b5: {  	[tilespmem:s4], [sflag:$0x2] =	stream.indirect_vreg.gather [hbm4b:s10+s3], $0x80, v19, vm0, $0xb8;
	[tilespmem:$0x1E880] =	vst v63  }
0x4b6: {  	v63 =	vperm.xlane v17, v15;
	v19 =	vadd.s32 v3, v62;
	s4 =	simm.s32 $0x4D80  }
0x4b7: {  	[tilespmem:s4], [sflag:$0x2] =	stream.indirect_vreg.gather [hbm4b:s10+s3], $0x80, v60, vm0, $0xb8;
	[tilespmem:$0x1E880] =	vst v63  }
0x4b8: {  	v17 =	vperm.xlane v17, v16;
	v24 =	vadd.s32 v3, v63;
	s4 =	simm.s32 $0x4E00  }
0x4b9: {  	[tilespmem:s4], [sflag:$0x2] =	stream.indirect_vreg.gather [hbm4b:s10+s3], $0x80, v18, vm0, $0xb8;
	[tilespmem:$0x1E880] =	vst v63  }
0x4ba: {  	v17 =	vadd.s32 v3, v17;
	s4 =	simm.s32 $0x4E80  }
0x4bb: {  	[tilespmem:s4], [sflag:$0x2] =	stream.indirect_vreg.gather [hbm4b:s10+s3], $0x80, v19, vm0, $0xb8;
	[tilespmem:$0x1E880] =	vst v63  }
0x4bc: {  	s4 =	simm.s32 $0x4F00  }
0x4bd: {  	[tilespmem:s4], [sflag:$0x2] =	stream.indirect_vreg.gather [hbm4b:s10+s3], $0x80, v24, vm0, $0xb8;
	[tilespmem:$0x1E880] =	vst v63  }
0x4be: {  	s4 =	simm.s32 $0x4F80  }
0x4bf: {  	[tilespmem:s4], [sflag:$0x2] =	stream.indirect_vreg.gather [hbm4b:s10+s3], $0x80, v17, vm0, $0xb8;
	[tilespmem:$0x1E880] =	vst v63  }
0x4c0: {  	v17 =	vld [tilespmem:s7+$0x1C0];
	_ =	sdelay $0x4  }
0x4c1: {  	v18 =	vshll.u32 v17, $0x1  }
0x4c2: {  	v17 =	vand.u32 $0x7, v17;
	v18 =	vand.u32 $0xFFFFFFF0, v18  }
0x4c3: {  	v17 =	vor.u32 v17, v18  }
0x4c4: {  	v18 =	vperm.xlane v17, v2;
	_ =	sdelay $0x1  }
0x4c5: {  	v19 =	vperm.xlane v17, v1;
	v18 =	vadd.s32 v3, v18;
	_ =	sdelay $0x1  }
0x4c6: {  	v25 =	vperm.xlane v17, v4;
	v19 =	vadd.s32 v3, v19;
	_ =	sdelay $0x1  }
0x4c7: {  	s4 =	simm.s32 $0x5000;
	v26 =	vperm.xlane v17, v5;
	v20 =	vadd.s32 v3, v25  }
0x4c8: {  	[tilespmem:s4], [sflag:$0x2] =	stream.indirect_vreg.gather [hbm4b:s10+s3], $0x80, v18, vm0, $0xb8;
	[tilespmem:$0x1E880] =	vst v63  }
0x4c9: {  	v27 =	vperm.xlane v17, v6;
	v18 =	vadd.s32 v3, v26;
	s4 =	simm.s32 $0x5080  }
0x4ca: {  	[tilespmem:s4], [sflag:$0x2] =	stream.indirect_vreg.gather [hbm4b:s10+s3], $0x80, v19, vm0, $0xb8;
	[tilespmem:$0x1E880] =	vst v63  }
0x4cb: {  	v28 =	vperm.xlane v17, v7;
	v19 =	vadd.s32 v3, v27;
	s4 =	simm.s32 $0x5100  }
0x4cc: {  	[tilespmem:s4], [sflag:$0x2] =	stream.indirect_vreg.gather [hbm4b:s10+s3], $0x80, v20, vm0, $0xb8;
	[tilespmem:$0x1E880] =	vst v63  }
0x4cd: {  	v30 =	vperm.xlane v17, v8;
	v29 =	vadd.s32 v3, v28;
	s4 =	simm.s32 $0x5180  }
0x4ce: {  	[tilespmem:s4], [sflag:$0x2] =	stream.indirect_vreg.gather [hbm4b:s10+s3], $0x80, v18, vm0, $0xb8;
	[tilespmem:$0x1E880] =	vst v63  }
0x4cf: {  	v31 =	vperm.xlane v17, v0;
	v18 =	vadd.s32 v3, v30;
	s4 =	simm.s32 $0x5200  }
0x4d0: {  	[tilespmem:s4], [sflag:$0x2] =	stream.indirect_vreg.gather [hbm4b:s10+s3], $0x80, v19, vm0, $0xb8;
	[tilespmem:$0x1E880] =	vst v63  }
0x4d1: {  	v32 =	vperm.xlane v17, v9;
	v19 =	vadd.s32 v3, v31;
	s4 =	simm.s32 $0x5280  }
0x4d2: {  	[tilespmem:s4], [sflag:$0x2] =	stream.indirect_vreg.gather [hbm4b:s10+s3], $0x80, v29, vm0, $0xb8;
	[tilespmem:$0x1E880] =	vst v63  }
0x4d3: {  	v34 =	vperm.xlane v17, v10;
	v33 =	vadd.s32 v3, v32;
	s4 =	simm.s32 $0x5300  }
0x4d4: {  	[tilespmem:s4], [sflag:$0x2] =	stream.indirect_vreg.gather [hbm4b:s10+s3], $0x80, v18, vm0, $0xb8;
	[tilespmem:$0x1E880] =	vst v63  }
0x4d5: {  	v35 =	vperm.xlane v17, v11;
	v18 =	vadd.s32 v3, v34;
	s4 =	simm.s32 $0x5380  }
0x4d6: {  	[tilespmem:s4], [sflag:$0x2] =	stream.indirect_vreg.gather [hbm4b:s10+s3], $0x80, v19, vm0, $0xb8;
	[tilespmem:$0x1E880] =	vst v63  }
0x4d7: {  	v36 =	vperm.xlane v17, v12;
	v19 =	vadd.s32 v3, v35;
	s4 =	simm.s32 $0x5400  }
0x4d8: {  	[tilespmem:s4], [sflag:$0x2] =	stream.indirect_vreg.gather [hbm4b:s10+s3], $0x80, v33, vm0, $0xb8;
	[tilespmem:$0x1E880] =	vst v63  }
0x4d9: {  	v38 =	vperm.xlane v17, v13;
	v37 =	vadd.s32 v3, v36;
	s4 =	simm.s32 $0x5480  }
0x4da: {  	[tilespmem:s4], [sflag:$0x2] =	stream.indirect_vreg.gather [hbm4b:s10+s3], $0x80, v18, vm0, $0xb8;
	[tilespmem:$0x1E880] =	vst v63  }
0x4db: {  	v39 =	vperm.xlane v17, v14;
	v18 =	vadd.s32 v3, v38;
	s4 =	simm.s32 $0x5500  }
0x4dc: {  	[tilespmem:s4], [sflag:$0x2] =	stream.indirect_vreg.gather [hbm4b:s10+s3], $0x80, v19, vm0, $0xb8;
	[tilespmem:$0x1E880] =	vst v63  }
0x4dd: {  	v40 =	vperm.xlane v17, v15;
	v19 =	vadd.s32 v3, v39;
	s4 =	simm.s32 $0x5580  }
0x4de: {  	[tilespmem:s4], [sflag:$0x2] =	stream.indirect_vreg.gather [hbm4b:s10+s3], $0x80, v37, vm0, $0xb8;
	[tilespmem:$0x1E880] =	vst v63  }
0x4df: {  	v17 =	vperm.xlane v17, v16;
	v41 =	vadd.s32 v3, v40;
	s4 =	simm.s32 $0x5600  }
0x4e0: {  	[tilespmem:s4], [sflag:$0x2] =	stream.indirect_vreg.gather [hbm4b:s10+s3], $0x80, v18, vm0, $0xb8;
	[tilespmem:$0x1E880] =	vst v63  }
0x4e1: {  	v17 =	vadd.s32 v3, v17;
	s4 =	simm.s32 $0x5680  }
0x4e2: {  	[tilespmem:s4], [sflag:$0x2] =	stream.indirect_vreg.gather [hbm4b:s10+s3], $0x80, v19, vm0, $0xb8;
	[tilespmem:$0x1E880] =	vst v63  }
0x4e3: {  	s4 =	simm.s32 $0x5700  }
0x4e4: {  	[tilespmem:s4], [sflag:$0x2] =	stream.indirect_vreg.gather [hbm4b:s10+s3], $0x80, v41, vm0, $0xb8;
	[tilespmem:$0x1E880] =	vst v63  }
0x4e5: {  	s4 =	simm.s32 $0x5780  }
0x4e6: {  	[tilespmem:s4], [sflag:$0x2] =	stream.indirect_vreg.gather [hbm4b:s10+s3], $0x80, v17, vm0, $0xb8;
	[tilespmem:$0x1E880] =	vst v63  }
0x4e7: {  	v17 =	vld [tilespmem:s7+$0x1D0];
	_ =	sdelay $0x4  }
0x4e8: {  	v18 =	vshll.u32 v17, $0x1  }
0x4e9: {  	v17 =	vand.u32 $0x7, v17;
	v18 =	vand.u32 $0xFFFFFFF0, v18  }
0x4ea: {  	v17 =	vor.u32 v17, v18  }
0x4eb: {  	v18 =	vperm.xlane v17, v2;
	_ =	sdelay $0x1  }
0x4ec: {  	v19 =	vperm.xlane v17, v1;
	v18 =	vadd.s32 v3, v18;
	_ =	sdelay $0x1  }
0x4ed: {  	v42 =	vperm.xlane v17, v4;
	v19 =	vadd.s32 v3, v19;
	_ =	sdelay $0x1  }
0x4ee: {  	s4 =	simm.s32 $0x5800;
	v43 =	vperm.xlane v17, v5;
	v20 =	vadd.s32 v3, v42  }
0x4ef: {  	[tilespmem:s4], [sflag:$0x2] =	stream.indirect_vreg.gather [hbm4b:s10+s3], $0x80, v18, vm0, $0xb8;
	[tilespmem:$0x1E880] =	vst v63  }
0x4f0: {  	v44 =	vperm.xlane v17, v6;
	v18 =	vadd.s32 v3, v43;
	s4 =	simm.s32 $0x5880  }
0x4f1: {  	[tilespmem:s4], [sflag:$0x2] =	stream.indirect_vreg.gather [hbm4b:s10+s3], $0x80, v19, vm0, $0xb8;
	[tilespmem:$0x1E880] =	vst v63  }
0x4f2: {  	v45 =	vperm.xlane v17, v7;
	v19 =	vadd.s32 v3, v44;
	s4 =	simm.s32 $0x5900  }
0x4f3: {  	[tilespmem:s4], [sflag:$0x2] =	stream.indirect_vreg.gather [hbm4b:s10+s3], $0x80, v20, vm0, $0xb8;
	[tilespmem:$0x1E880] =	vst v63  }
0x4f4: {  	v47 =	vperm.xlane v17, v8;
	v46 =	vadd.s32 v3, v45;
	s4 =	simm.s32 $0x5980  }
0x4f5: {  	[tilespmem:s4], [sflag:$0x2] =	stream.indirect_vreg.gather [hbm4b:s10+s3], $0x80, v18, vm0, $0xb8;
	[tilespmem:$0x1E880] =	vst v63  }
0x4f6: {  	v48 =	vperm.xlane v17, v0;
	v18 =	vadd.s32 v3, v47;
	s4 =	simm.s32 $0x5A00  }
0x4f7: {  	[tilespmem:s4], [sflag:$0x2] =	stream.indirect_vreg.gather [hbm4b:s10+s3], $0x80, v19, vm0, $0xb8;
	[tilespmem:$0x1E880] =	vst v63  }
0x4f8: {  	v49 =	vperm.xlane v17, v9;
	v19 =	vadd.s32 v3, v48;
	s4 =	simm.s32 $0x5A80  }
0x4f9: {  	[tilespmem:s4], [sflag:$0x2] =	stream.indirect_vreg.gather [hbm4b:s10+s3], $0x80, v46, vm0, $0xb8;
	[tilespmem:$0x1E880] =	vst v63  }
0x4fa: {  	v51 =	vperm.xlane v17, v10;
	v50 =	vadd.s32 v3, v49;
	s4 =	simm.s32 $0x5B00  }
0x4fb: {  	[tilespmem:s4], [sflag:$0x2] =	stream.indirect_vreg.gather [hbm4b:s10+s3], $0x80, v18, vm0, $0xb8;
	[tilespmem:$0x1E880] =	vst v63  }
0x4fc: {  	v52 =	vperm.xlane v17, v11;
	v18 =	vadd.s32 v3, v51;
	s4 =	simm.s32 $0x5B80  }
0x4fd: {  	[tilespmem:s4], [sflag:$0x2] =	stream.indirect_vreg.gather [hbm4b:s10+s3], $0x80, v19, vm0, $0xb8;
	[tilespmem:$0x1E880] =	vst v63  }
0x4fe: {  	v53 =	vperm.xlane v17, v12;
	v19 =	vadd.s32 v3, v52;
	s4 =	simm.s32 $0x5C00  }
0x4ff: {  	[tilespmem:s4], [sflag:$0x2] =	stream.indirect_vreg.gather [hbm4b:s10+s3], $0x80, v50, vm0, $0xb8;
	[tilespmem:$0x1E880] =	vst v63  }
0x500: {  	v55 =	vperm.xlane v17, v13;
	v54 =	vadd.s32 v3, v53;
	s4 =	simm.s32 $0x5C80  }
0x501: {  	[tilespmem:s4], [sflag:$0x2] =	stream.indirect_vreg.gather [hbm4b:s10+s3], $0x80, v18, vm0, $0xb8;
	[tilespmem:$0x1E880] =	vst v63  }
0x502: {  	v56 =	vperm.xlane v17, v14;
	v18 =	vadd.s32 v3, v55;
	s4 =	simm.s32 $0x5D00  }
0x503: {  	[tilespmem:s4], [sflag:$0x2] =	stream.indirect_vreg.gather [hbm4b:s10+s3], $0x80, v19, vm0, $0xb8;
	[tilespmem:$0x1E880] =	vst v63  }
0x504: {  	v57 =	vperm.xlane v17, v15;
	v19 =	vadd.s32 v3, v56;
	s4 =	simm.s32 $0x5D80  }
0x505: {  	[tilespmem:s4], [sflag:$0x2] =	stream.indirect_vreg.gather [hbm4b:s10+s3], $0x80, v54, vm0, $0xb8;
	[tilespmem:$0x1E880] =	vst v63  }
0x506: {  	v17 =	vperm.xlane v17, v16;
	v58 =	vadd.s32 v3, v57;
	s4 =	simm.s32 $0x5E00  }
0x507: {  	[tilespmem:s4], [sflag:$0x2] =	stream.indirect_vreg.gather [hbm4b:s10+s3], $0x80, v18, vm0, $0xb8;
	[tilespmem:$0x1E880] =	vst v63  }
0x508: {  	v17 =	vadd.s32 v3, v17;
	s4 =	simm.s32 $0x5E80  }
0x509: {  	[tilespmem:s4], [sflag:$0x2] =	stream.indirect_vreg.gather [hbm4b:s10+s3], $0x80, v19, vm0, $0xb8;
	[tilespmem:$0x1E880] =	vst v63  }
0x50a: {  	s4 =	simm.s32 $0x5F00  }
0x50b: {  	[tilespmem:s4], [sflag:$0x2] =	stream.indirect_vreg.gather [hbm4b:s10+s3], $0x80, v58, vm0, $0xb8;
	[tilespmem:$0x1E880] =	vst v63  }
0x50c: {  	s4 =	simm.s32 $0x5F80  }
0x50d: {  	[tilespmem:s4], [sflag:$0x2] =	stream.indirect_vreg.gather [hbm4b:s10+s3], $0x80, v17, vm0, $0xb8;
	[tilespmem:$0x1E880] =	vst v63  }
0x50e: {  	_ =	swait.ge [sflag:s20], $0x2800  }
0x50f: {  	[sflag:s20] =	ssyncset.done $0x0  }
0x510: {  	[sflag:s20] =	ssyncadd.s32 $0xFFFFD800  }
0x511: {  	[spmem:s2] =	stream.indirect.scatter.add.f32 [tilespmem:s24], [sflag:$0x5], $0x80, s8, s9, $0xb8;
	[tilespmem:$0x1E880] =	vst v63  }
0x512: {  	_ =	swait.ge [sflag:s19], $0x2800  }
0x513: {  	[sflag:s19] =	ssyncset.done $0x0  }
0x514: {  	[sflag:s19] =	ssyncadd.s32 $0xFFFFD800  }
0x515: {  	v17 =	vld [tilespmem:s7+$0x1E0];
	_ =	sdelay $0x4  }
0x516: {  	v18 =	vshll.u32 v17, $0x1  }
0x517: {  	v17 =	vand.u32 $0x7, v17;
	v18 =	vand.u32 $0xFFFFFFF0, v18  }
0x518: {  	v17 =	vor.u32 v17, v18  }
0x519: {  	v18 =	vperm.xlane v17, v2;
	_ =	sdelay $0x1  }
0x51a: {  	v19 =	vperm.xlane v17, v1;
	v18 =	vadd.s32 v3, v18;
	_ =	sdelay $0x1  }
0x51b: {  	v59 =	vperm.xlane v17, v4;
	v19 =	vadd.s32 v3, v19;
	_ =	sdelay $0x1  }
0x51c: {  	v60 =	vperm.xlane v17, v5;
	v20 =	vadd.s32 v3, v59  }
0x51d: {  	[tilespmem:s24], [sflag:$0x3] =	stream.indirect_vreg.gather [hbm4b:s10+s3], $0x80, v18, vm0, $0xb8;
	[tilespmem:$0x1E880] =	vst v63  }
0x51e: {  	s8 =	simm.s32 $0x6080;
	v61 =	vperm.xlane v17, v6;
	v18 =	vadd.s32 v3, v60  }
0x51f: {  	[tilespmem:s8], [sflag:$0x3] =	stream.indirect_vreg.gather [hbm4b:s10+s3], $0x80, v19, vm0, $0xb8;
	[tilespmem:$0x1E880] =	vst v63  }
0x520: {  	v62 =	vperm.xlane v17, v7;
	v19 =	vadd.s32 v3, v61;
	s8 =	simm.s32 $0x6100  }
0x521: {  	[tilespmem:s8], [sflag:$0x3] =	stream.indirect_vreg.gather [hbm4b:s10+s3], $0x80, v20, vm0, $0xb8;
	[tilespmem:$0x1E880] =	vst v63  }
0x522: {  	v24 =	vperm.xlane v17, v8;
	v63 =	vadd.s32 v3, v62;
	s8 =	simm.s32 $0x6180  }
0x523: {  	[tilespmem:s8], [sflag:$0x3] =	stream.indirect_vreg.gather [hbm4b:s10+s3], $0x80, v18, vm0, $0xb8;
	[tilespmem:$0x1E880] =	vst v63  }
0x524: {  	v25 =	vperm.xlane v17, v0;
	v18 =	vadd.s32 v3, v24;
	s8 =	simm.s32 $0x6200  }
0x525: {  	[tilespmem:s8], [sflag:$0x3] =	stream.indirect_vreg.gather [hbm4b:s10+s3], $0x80, v19, vm0, $0xb8;
	[tilespmem:$0x1E880] =	vst v63  }
0x526: {  	v26 =	vperm.xlane v17, v9;
	v19 =	vadd.s32 v3, v25;
	s8 =	simm.s32 $0x6280  }
0x527: {  	[tilespmem:s8], [sflag:$0x3] =	stream.indirect_vreg.gather [hbm4b:s10+s3], $0x80, v63, vm0, $0xb8;
	[tilespmem:$0x1E880] =	vst v63  }
0x528: {  	v28 =	vperm.xlane v17, v10;
	v27 =	vadd.s32 v3, v26;
	s8 =	simm.s32 $0x6300  }
0x529: {  	[tilespmem:s8], [sflag:$0x3] =	stream.indirect_vreg.gather [hbm4b:s10+s3], $0x80, v18, vm0, $0xb8;
	[tilespmem:$0x1E880] =	vst v63  }
0x52a: {  	v29 =	vperm.xlane v17, v11;
	v18 =	vadd.s32 v3, v28;
	s8 =	simm.s32 $0x6380  }
0x52b: {  	[tilespmem:s8], [sflag:$0x3] =	stream.indirect_vreg.gather [hbm4b:s10+s3], $0x80, v19, vm0, $0xb8;
	[tilespmem:$0x1E880] =	vst v63  }
0x52c: {  	v30 =	vperm.xlane v17, v12;
	v19 =	vadd.s32 v3, v29;
	s8 =	simm.s32 $0x6400  }
0x52d: {  	[tilespmem:s8], [sflag:$0x3] =	stream.indirect_vreg.gather [hbm4b:s10+s3], $0x80, v27, vm0, $0xb8;
	[tilespmem:$0x1E880] =	vst v63  }
0x52e: {  	v32 =	vperm.xlane v17, v13;
	v31 =	vadd.s32 v3, v30;
	s8 =	simm.s32 $0x6480  }
0x52f: {  	[tilespmem:s8], [sflag:$0x3] =	stream.indirect_vreg.gather [hbm4b:s10+s3], $0x80, v18, vm0, $0xb8;
	[tilespmem:$0x1E880] =	vst v63  }
0x530: {  	v33 =	vperm.xlane v17, v14;
	v18 =	vadd.s32 v3, v32;
	s8 =	simm.s32 $0x6500  }
0x531: {  	[tilespmem:s8], [sflag:$0x3] =	stream.indirect_vreg.gather [hbm4b:s10+s3], $0x80, v19, vm0, $0xb8;
	[tilespmem:$0x1E880] =	vst v63  }
0x532: {  	v34 =	vperm.xlane v17, v15;
	v19 =	vadd.s32 v3, v33;
	s8 =	simm.s32 $0x6580  }
0x533: {  	[tilespmem:s8], [sflag:$0x3] =	stream.indirect_vreg.gather [hbm4b:s10+s3], $0x80, v31, vm0, $0xb8;
	[tilespmem:$0x1E880] =	vst v63  }
0x534: {  	v17 =	vperm.xlane v17, v16;
	v35 =	vadd.s32 v3, v34;
	s8 =	simm.s32 $0x6600  }
0x535: {  	[tilespmem:s8], [sflag:$0x3] =	stream.indirect_vreg.gather [hbm4b:s10+s3], $0x80, v18, vm0, $0xb8;
	[tilespmem:$0x1E880] =	vst v63  }
0x536: {  	v17 =	vadd.s32 v3, v17;
	s8 =	simm.s32 $0x6680  }
0x537: {  	[tilespmem:s8], [sflag:$0x3] =	stream.indirect_vreg.gather [hbm4b:s10+s3], $0x80, v19, vm0, $0xb8;
	[tilespmem:$0x1E880] =	vst v63  }
0x538: {  	s8 =	simm.s32 $0x6700  }
0x539: {  	[tilespmem:s8], [sflag:$0x3] =	stream.indirect_vreg.gather [hbm4b:s10+s3], $0x80, v35, vm0, $0xb8;
	[tilespmem:$0x1E880] =	vst v63  }
0x53a: {  	s8 =	simm.s32 $0x6780  }
0x53b: {  	[tilespmem:s8], [sflag:$0x3] =	stream.indirect_vreg.gather [hbm4b:s10+s3], $0x80, v17, vm0, $0xb8;
	[tilespmem:$0x1E880] =	vst v63  }
0x53c: {  	v17 =	vld [tilespmem:s7+$0x1F0];
	_ =	sdelay $0x4  }
0x53d: {  	v18 =	vshll.u32 v17, $0x1  }
0x53e: {  	v17 =	vand.u32 $0x7, v17;
	v18 =	vand.u32 $0xFFFFFFF0, v18  }
0x53f: {  	v17 =	vor.u32 v17, v18  }
0x540: {  	v18 =	vperm.xlane v17, v2;
	_ =	sdelay $0x1  }
0x541: {  	v19 =	vperm.xlane v17, v1;
	v18 =	vadd.s32 v3, v18;
	_ =	sdelay $0x1  }
0x542: {  	v36 =	vperm.xlane v17, v4;
	v19 =	vadd.s32 v3, v19;
	_ =	sdelay $0x1  }
0x543: {  	s8 =	simm.s32 $0x6800;
	v37 =	vperm.xlane v17, v5;
	v20 =	vadd.s32 v3, v36  }
0x544: {  	[tilespmem:s8], [sflag:$0x3] =	stream.indirect_vreg.gather [hbm4b:s10+s3], $0x80, v18, vm0, $0xb8;
	[tilespmem:$0x1E880] =	vst v63  }
0x545: {  	v38 =	vperm.xlane v17, v6;
	v18 =	vadd.s32 v3, v37;
	s8 =	simm.s32 $0x6880  }
0x546: {  	[tilespmem:s8], [sflag:$0x3] =	stream.indirect_vreg.gather [hbm4b:s10+s3], $0x80, v19, vm0, $0xb8;
	[tilespmem:$0x1E880] =	vst v63  }
0x547: {  	v39 =	vperm.xlane v17, v7;
	v19 =	vadd.s32 v3, v38;
	s8 =	simm.s32 $0x6900  }
0x548: {  	[tilespmem:s8], [sflag:$0x3] =	stream.indirect_vreg.gather [hbm4b:s10+s3], $0x80, v20, vm0, $0xb8;
	[tilespmem:$0x1E880] =	vst v63  }
0x549: {  	v41 =	vperm.xlane v17, v8;
	v40 =	vadd.s32 v3, v39;
	s8 =	simm.s32 $0x6980  }
0x54a: {  	[tilespmem:s8], [sflag:$0x3] =	stream.indirect_vreg.gather [hbm4b:s10+s3], $0x80, v18, vm0, $0xb8;
	[tilespmem:$0x1E880] =	vst v63  }
0x54b: {  	v42 =	vperm.xlane v17, v0;
	v18 =	vadd.s32 v3, v41;
	s8 =	simm.s32 $0x6A00  }
0x54c: {  	[tilespmem:s8], [sflag:$0x3] =	stream.indirect_vreg.gather [hbm4b:s10+s3], $0x80, v19, vm0, $0xb8;
	[tilespmem:$0x1E880] =	vst v63  }
0x54d: {  	v43 =	vperm.xlane v17, v9;
	v19 =	vadd.s32 v3, v42;
	s8 =	simm.s32 $0x6A80  }
0x54e: {  	[tilespmem:s8], [sflag:$0x3] =	stream.indirect_vreg.gather [hbm4b:s10+s3], $0x80, v40, vm0, $0xb8;
	[tilespmem:$0x1E880] =	vst v63  }
0x54f: {  	v45 =	vperm.xlane v17, v10;
	v44 =	vadd.s32 v3, v43;
	s8 =	simm.s32 $0x6B00  }
0x550: {  	[tilespmem:s8], [sflag:$0x3] =	stream.indirect_vreg.gather [hbm4b:s10+s3], $0x80, v18, vm0, $0xb8;
	[tilespmem:$0x1E880] =	vst v63  }
0x551: {  	v46 =	vperm.xlane v17, v11;
	v18 =	vadd.s32 v3, v45;
	s8 =	simm.s32 $0x6B80  }
0x552: {  	[tilespmem:s8], [sflag:$0x3] =	stream.indirect_vreg.gather [hbm4b:s10+s3], $0x80, v19, vm0, $0xb8;
	[tilespmem:$0x1E880] =	vst v63  }
0x553: {  	v47 =	vperm.xlane v17, v12;
	v19 =	vadd.s32 v3, v46;
	s8 =	simm.s32 $0x6C00  }
0x554: {  	[tilespmem:s8], [sflag:$0x3] =	stream.indirect_vreg.gather [hbm4b:s10+s3], $0x80, v44, vm0, $0xb8;
	[tilespmem:$0x1E880] =	vst v63  }
0x555: {  	v49 =	vperm.xlane v17, v13;
	v48 =	vadd.s32 v3, v47;
	s8 =	simm.s32 $0x6C80  }
0x556: {  	[tilespmem:s8], [sflag:$0x3] =	stream.indirect_vreg.gather [hbm4b:s10+s3], $0x80, v18, vm0, $0xb8;
	[tilespmem:$0x1E880] =	vst v63  }
0x557: {  	v50 =	vperm.xlane v17, v14;
	v18 =	vadd.s32 v3, v49;
	s8 =	simm.s32 $0x6D00  }
0x558: {  	[tilespmem:s8], [sflag:$0x3] =	stream.indirect_vreg.gather [hbm4b:s10+s3], $0x80, v19, vm0, $0xb8;
	[tilespmem:$0x1E880] =	vst v63  }
0x559: {  	v51 =	vperm.xlane v17, v15;
	v19 =	vadd.s32 v3, v50;
	s8 =	simm.s32 $0x6D80  }
0x55a: {  	[tilespmem:s8], [sflag:$0x3] =	stream.indirect_vreg.gather [hbm4b:s10+s3], $0x80, v48, vm0, $0xb8;
	[tilespmem:$0x1E880] =	vst v63  }
0x55b: {  	v17 =	vperm.xlane v17, v16;
	v52 =	vadd.s32 v3, v51;
	s8 =	simm.s32 $0x6E00  }
0x55c: {  	[tilespmem:s8], [sflag:$0x3] =	stream.indirect_vreg.gather [hbm4b:s10+s3], $0x80, v18, vm0, $0xb8;
	[tilespmem:$0x1E880] =	vst v63  }
0x55d: {  	v17 =	vadd.s32 v3, v17;
	s8 =	simm.s32 $0x6E80  }
0x55e: {  	[tilespmem:s8], [sflag:$0x3] =	stream.indirect_vreg.gather [hbm4b:s10+s3], $0x80, v19, vm0, $0xb8;
	[tilespmem:$0x1E880] =	vst v63  }
0x55f: {  	s8 =	simm.s32 $0x6F00  }
0x560: {  	[tilespmem:s8], [sflag:$0x3] =	stream.indirect_vreg.gather [hbm4b:s10+s3], $0x80, v52, vm0, $0xb8;
	[tilespmem:$0x1E880] =	vst v63  }
0x561: {  	s8 =	simm.s32 $0x6F80  }
0x562: {  	[tilespmem:s8], [sflag:$0x3] =	stream.indirect_vreg.gather [hbm4b:s10+s3], $0x80, v17, vm0, $0xb8;
	[tilespmem:$0x1E880] =	vst v63  }
0x563: {  	v17 =	vld [tilespmem:s7+$0x200];
	_ =	sdelay $0x4  }
0x564: {  	v18 =	vshll.u32 v17, $0x1  }
0x565: {  	v17 =	vand.u32 $0x7, v17;
	v18 =	vand.u32 $0xFFFFFFF0, v18  }
0x566: {  	v17 =	vor.u32 v17, v18  }
0x567: {  	v18 =	vperm.xlane v17, v2;
	_ =	sdelay $0x1  }
0x568: {  	v19 =	vperm.xlane v17, v1;
	v18 =	vadd.s32 v3, v18;
	_ =	sdelay $0x1  }
0x569: {  	v53 =	vperm.xlane v17, v4;
	v19 =	vadd.s32 v3, v19;
	_ =	sdelay $0x1  }
0x56a: {  	s8 =	simm.s32 $0x7000;
	v54 =	vperm.xlane v17, v5;
	v20 =	vadd.s32 v3, v53  }
0x56b: {  	[tilespmem:s8], [sflag:$0x3] =	stream.indirect_vreg.gather [hbm4b:s10+s3], $0x80, v18, vm0, $0xb8;
	[tilespmem:$0x1E880] =	vst v63  }
0x56c: {  	v55 =	vperm.xlane v17, v6;
	v18 =	vadd.s32 v3, v54;
	s8 =	simm.s32 $0x7080  }
0x56d: {  	[tilespmem:s8], [sflag:$0x3] =	stream.indirect_vreg.gather [hbm4b:s10+s3], $0x80, v19, vm0, $0xb8;
	[tilespmem:$0x1E880] =	vst v63  }
0x56e: {  	v56 =	vperm.xlane v17, v7;
	v19 =	vadd.s32 v3, v55;
	s8 =	simm.s32 $0x7100  }
0x56f: {  	[tilespmem:s8], [sflag:$0x3] =	stream.indirect_vreg.gather [hbm4b:s10+s3], $0x80, v20, vm0, $0xb8;
	[tilespmem:$0x1E880] =	vst v63  }
0x570: {  	v58 =	vperm.xlane v17, v8;
	v57 =	vadd.s32 v3, v56;
	s8 =	simm.s32 $0x7180  }
0x571: {  	[tilespmem:s8], [sflag:$0x3] =	stream.indirect_vreg.gather [hbm4b:s10+s3], $0x80, v18, vm0, $0xb8;
	[tilespmem:$0x1E880] =	vst v63  }
0x572: {  	v59 =	vperm.xlane v17, v0;
	v18 =	vadd.s32 v3, v58;
	s8 =	simm.s32 $0x7200  }
0x573: {  	[tilespmem:s8], [sflag:$0x3] =	stream.indirect_vreg.gather [hbm4b:s10+s3], $0x80, v19, vm0, $0xb8;
	[tilespmem:$0x1E880] =	vst v63  }
0x574: {  	v60 =	vperm.xlane v17, v9;
	v19 =	vadd.s32 v3, v59;
	s8 =	simm.s32 $0x7280  }
0x575: {  	[tilespmem:s8], [sflag:$0x3] =	stream.indirect_vreg.gather [hbm4b:s10+s3], $0x80, v57, vm0, $0xb8;
	[tilespmem:$0x1E880] =	vst v63  }
0x576: {  	v62 =	vperm.xlane v17, v10;
	v61 =	vadd.s32 v3, v60;
	s8 =	simm.s32 $0x7300  }
0x577: {  	[tilespmem:s8], [sflag:$0x3] =	stream.indirect_vreg.gather [hbm4b:s10+s3], $0x80, v18, vm0, $0xb8;
	[tilespmem:$0x1E880] =	vst v63  }
0x578: {  	v63 =	vperm.xlane v17, v11;
	v18 =	vadd.s32 v3, v62;
	s8 =	simm.s32 $0x7380  }
0x579: {  	[tilespmem:s8], [sflag:$0x3] =	stream.indirect_vreg.gather [hbm4b:s10+s3], $0x80, v19, vm0, $0xb8;
	[tilespmem:$0x1E880] =	vst v63  }
0x57a: {  	v24 =	vperm.xlane v17, v12;
	v19 =	vadd.s32 v3, v63;
	s8 =	simm.s32 $0x7400  }
0x57b: {  	[tilespmem:s8], [sflag:$0x3] =	stream.indirect_vreg.gather [hbm4b:s10+s3], $0x80, v61, vm0, $0xb8;
	[tilespmem:$0x1E880] =	vst v63  }
0x57c: {  	v26 =	vperm.xlane v17, v13;
	v25 =	vadd.s32 v3, v24;
	s8 =	simm.s32 $0x7480  }
0x57d: {  	[tilespmem:s8], [sflag:$0x3] =	stream.indirect_vreg.gather [hbm4b:s10+s3], $0x80, v18, vm0, $0xb8;
	[tilespmem:$0x1E880] =	vst v63  }
0x57e: {  	v27 =	vperm.xlane v17, v14;
	v18 =	vadd.s32 v3, v26;
	s8 =	simm.s32 $0x7500  }
0x57f: {  	[tilespmem:s8], [sflag:$0x3] =	stream.indirect_vreg.gather [hbm4b:s10+s3], $0x80, v19, vm0, $0xb8;
	[tilespmem:$0x1E880] =	vst v63  }
0x580: {  	v28 =	vperm.xlane v17, v15;
	v19 =	vadd.s32 v3, v27;
	s8 =	simm.s32 $0x7580  }
0x581: {  	[tilespmem:s8], [sflag:$0x3] =	stream.indirect_vreg.gather [hbm4b:s10+s3], $0x80, v25, vm0, $0xb8;
	[tilespmem:$0x1E880] =	vst v63  }
0x582: {  	v17 =	vperm.xlane v17, v16;
	v29 =	vadd.s32 v3, v28;
	s8 =	simm.s32 $0x7600  }
0x583: {  	[tilespmem:s8], [sflag:$0x3] =	stream.indirect_vreg.gather [hbm4b:s10+s3], $0x80, v18, vm0, $0xb8;
	[tilespmem:$0x1E880] =	vst v63  }
0x584: {  	v17 =	vadd.s32 v3, v17;
	s8 =	simm.s32 $0x7680  }
0x585: {  	[tilespmem:s8], [sflag:$0x3] =	stream.indirect_vreg.gather [hbm4b:s10+s3], $0x80, v19, vm0, $0xb8;
	[tilespmem:$0x1E880] =	vst v63  }
0x586: {  	s8 =	simm.s32 $0x7700  }
0x587: {  	[tilespmem:s8], [sflag:$0x3] =	stream.indirect_vreg.gather [hbm4b:s10+s3], $0x80, v29, vm0, $0xb8;
	[tilespmem:$0x1E880] =	vst v63  }
0x588: {  	s8 =	simm.s32 $0x7780  }
0x589: {  	[tilespmem:s8], [sflag:$0x3] =	stream.indirect_vreg.gather [hbm4b:s10+s3], $0x80, v17, vm0, $0xb8;
	[tilespmem:$0x1E880] =	vst v63  }
0x58a: {  	v17 =	vld [tilespmem:s7+$0x210];
	_ =	sdelay $0x4  }
0x58b: {  	v18 =	vshll.u32 v17, $0x1  }
0x58c: {  	v17 =	vand.u32 $0x7, v17;
	v18 =	vand.u32 $0xFFFFFFF0, v18  }
0x58d: {  	v17 =	vor.u32 v17, v18  }
0x58e: {  	v18 =	vperm.xlane v17, v2;
	_ =	sdelay $0x1  }
0x58f: {  	v19 =	vperm.xlane v17, v1;
	v18 =	vadd.s32 v3, v18;
	_ =	sdelay $0x1  }
0x590: {  	v30 =	vperm.xlane v17, v4;
	v19 =	vadd.s32 v3, v19;
	_ =	sdelay $0x1  }
0x591: {  	s8 =	simm.s32 $0x7800;
	v31 =	vperm.xlane v17, v5;
	v20 =	vadd.s32 v3, v30  }
0x592: {  	[tilespmem:s8], [sflag:$0x3] =	stream.indirect_vreg.gather [hbm4b:s10+s3], $0x80, v18, vm0, $0xb8;
	[tilespmem:$0x1E880] =	vst v63  }
0x593: {  	v32 =	vperm.xlane v17, v6;
	v18 =	vadd.s32 v3, v31;
	s8 =	simm.s32 $0x7880  }
0x594: {  	[tilespmem:s8], [sflag:$0x3] =	stream.indirect_vreg.gather [hbm4b:s10+s3], $0x80, v19, vm0, $0xb8;
	[tilespmem:$0x1E880] =	vst v63  }
0x595: {  	v33 =	vperm.xlane v17, v7;
	v19 =	vadd.s32 v3, v32;
	s8 =	simm.s32 $0x7900  }
0x596: {  	[tilespmem:s8], [sflag:$0x3] =	stream.indirect_vreg.gather [hbm4b:s10+s3], $0x80, v20, vm0, $0xb8;
	[tilespmem:$0x1E880] =	vst v63  }
0x597: {  	v35 =	vperm.xlane v17, v8;
	v34 =	vadd.s32 v3, v33;
	s8 =	simm.s32 $0x7980  }
0x598: {  	[tilespmem:s8], [sflag:$0x3] =	stream.indirect_vreg.gather [hbm4b:s10+s3], $0x80, v18, vm0, $0xb8;
	[tilespmem:$0x1E880] =	vst v63  }
0x599: {  	v36 =	vperm.xlane v17, v0;
	v18 =	vadd.s32 v3, v35;
	s8 =	simm.s32 $0x7A00  }
0x59a: {  	[tilespmem:s8], [sflag:$0x3] =	stream.indirect_vreg.gather [hbm4b:s10+s3], $0x80, v19, vm0, $0xb8;
	[tilespmem:$0x1E880] =	vst v63  }
0x59b: {  	v37 =	vperm.xlane v17, v9;
	v19 =	vadd.s32 v3, v36;
	s8 =	simm.s32 $0x7A80  }
0x59c: {  	[tilespmem:s8], [sflag:$0x3] =	stream.indirect_vreg.gather [hbm4b:s10+s3], $0x80, v34, vm0, $0xb8;
	[tilespmem:$0x1E880] =	vst v63  }
0x59d: {  	v39 =	vperm.xlane v17, v10;
	v38 =	vadd.s32 v3, v37;
	s8 =	simm.s32 $0x7B00  }
0x59e: {  	[tilespmem:s8], [sflag:$0x3] =	stream.indirect_vreg.gather [hbm4b:s10+s3], $0x80, v18, vm0, $0xb8;
	[tilespmem:$0x1E880] =	vst v63  }
0x59f: {  	v40 =	vperm.xlane v17, v11;
	v18 =	vadd.s32 v3, v39;
	s8 =	simm.s32 $0x7B80  }
0x5a0: {  	[tilespmem:s8], [sflag:$0x3] =	stream.indirect_vreg.gather [hbm4b:s10+s3], $0x80, v19, vm0, $0xb8;
	[tilespmem:$0x1E880] =	vst v63  }
0x5a1: {  	v41 =	vperm.xlane v17, v12;
	v19 =	vadd.s32 v3, v40;
	s8 =	simm.s32 $0x7C00  }
0x5a2: {  	[tilespmem:s8], [sflag:$0x3] =	stream.indirect_vreg.gather [hbm4b:s10+s3], $0x80, v38, vm0, $0xb8;
	[tilespmem:$0x1E880] =	vst v63  }
0x5a3: {  	v43 =	vperm.xlane v17, v13;
	v42 =	vadd.s32 v3, v41;
	s8 =	simm.s32 $0x7C80  }
0x5a4: {  	[tilespmem:s8], [sflag:$0x3] =	stream.indirect_vreg.gather [hbm4b:s10+s3], $0x80, v18, vm0, $0xb8;
	[tilespmem:$0x1E880] =	vst v63  }
0x5a5: {  	v44 =	vperm.xlane v17, v14;
	v18 =	vadd.s32 v3, v43;
	s8 =	simm.s32 $0x7D00  }
0x5a6: {  	[tilespmem:s8], [sflag:$0x3] =	stream.indirect_vreg.gather [hbm4b:s10+s3], $0x80, v19, vm0, $0xb8;
	[tilespmem:$0x1E880] =	vst v63  }
0x5a7: {  	v45 =	vperm.xlane v17, v15;
	v19 =	vadd.s32 v3, v44;
	s8 =	simm.s32 $0x7D80  }
0x5a8: {  	[tilespmem:s8], [sflag:$0x3] =	stream.indirect_vreg.gather [hbm4b:s10+s3], $0x80, v42, vm0, $0xb8;
	[tilespmem:$0x1E880] =	vst v63  }
0x5a9: {  	v17 =	vperm.xlane v17, v16;
	v46 =	vadd.s32 v3, v45;
	s8 =	simm.s32 $0x7E00  }
0x5aa: {  	[tilespmem:s8], [sflag:$0x3] =	stream.indirect_vreg.gather [hbm4b:s10+s3], $0x80, v18, vm0, $0xb8;
	[tilespmem:$0x1E880] =	vst v63  }
0x5ab: {  	v17 =	vadd.s32 v3, v17;
	s8 =	simm.s32 $0x7E80  }
0x5ac: {  	[tilespmem:s8], [sflag:$0x3] =	stream.indirect_vreg.gather [hbm4b:s10+s3], $0x80, v19, vm0, $0xb8;
	[tilespmem:$0x1E880] =	vst v63  }
0x5ad: {  	s8 =	simm.s32 $0x7F00  }
0x5ae: {  	[tilespmem:s8], [sflag:$0x3] =	stream.indirect_vreg.gather [hbm4b:s10+s3], $0x80, v46, vm0, $0xb8;
	[tilespmem:$0x1E880] =	vst v63  }
0x5af: {  	s8 =	simm.s32 $0x7F80  }
0x5b0: {  	[tilespmem:s8], [sflag:$0x3] =	stream.indirect_vreg.gather [hbm4b:s10+s3], $0x80, v17, vm0, $0xb8;
	[tilespmem:$0x1E880] =	vst v63  }
0x5b1: {  	v17 =	vld [tilespmem:s7+$0x220];
	_ =	sdelay $0x4  }
0x5b2: {  	v18 =	vshll.u32 v17, $0x1  }
0x5b3: {  	v17 =	vand.u32 $0x7, v17;
	v18 =	vand.u32 $0xFFFFFFF0, v18  }
0x5b4: {  	v17 =	vor.u32 v17, v18  }
0x5b5: {  	v18 =	vperm.xlane v17, v2;
	_ =	sdelay $0x1  }
0x5b6: {  	v19 =	vperm.xlane v17, v1;
	v18 =	vadd.s32 v3, v18;
	_ =	sdelay $0x1  }
0x5b7: {  	v47 =	vperm.xlane v17, v4;
	v19 =	vadd.s32 v3, v19;
	_ =	sdelay $0x1  }
0x5b8: {  	s8 =	simm.s32 $0x8000;
	v48 =	vperm.xlane v17, v5;
	v20 =	vadd.s32 v3, v47  }
0x5b9: {  	[tilespmem:s8], [sflag:$0x3] =	stream.indirect_vreg.gather [hbm4b:s10+s3], $0x80, v18, vm0, $0xb8;
	[tilespmem:$0x1E880] =	vst v63  }
0x5ba: {  	v49 =	vperm.xlane v17, v6;
	v18 =	vadd.s32 v3, v48;
	s8 =	simm.s32 $0x8080  }
0x5bb: {  	[tilespmem:s8], [sflag:$0x3] =	stream.indirect_vreg.gather [hbm4b:s10+s3], $0x80, v19, vm0, $0xb8;
	[tilespmem:$0x1E880] =	vst v63  }
0x5bc: {  	v50 =	vperm.xlane v17, v7;
	v19 =	vadd.s32 v3, v49;
	s8 =	simm.s32 $0x8100  }
0x5bd: {  	[tilespmem:s8], [sflag:$0x3] =	stream.indirect_vreg.gather [hbm4b:s10+s3], $0x80, v20, vm0, $0xb8;
	[tilespmem:$0x1E880] =	vst v63  }
0x5be: {  	v52 =	vperm.xlane v17, v8;
	v51 =	vadd.s32 v3, v50;
	s8 =	simm.s32 $0x8180  }
0x5bf: {  	[tilespmem:s8], [sflag:$0x3] =	stream.indirect_vreg.gather [hbm4b:s10+s3], $0x80, v18, vm0, $0xb8;
	[tilespmem:$0x1E880] =	vst v63  }
0x5c0: {  	v53 =	vperm.xlane v17, v0;
	v18 =	vadd.s32 v3, v52;
	s8 =	simm.s32 $0x8200  }
0x5c1: {  	[tilespmem:s8], [sflag:$0x3] =	stream.indirect_vreg.gather [hbm4b:s10+s3], $0x80, v19, vm0, $0xb8;
	[tilespmem:$0x1E880] =	vst v63  }
0x5c2: {  	v54 =	vperm.xlane v17, v9;
	v19 =	vadd.s32 v3, v53;
	s8 =	simm.s32 $0x8280  }
0x5c3: {  	[tilespmem:s8], [sflag:$0x3] =	stream.indirect_vreg.gather [hbm4b:s10+s3], $0x80, v51, vm0, $0xb8;
	[tilespmem:$0x1E880] =	vst v63  }
0x5c4: {  	v56 =	vperm.xlane v17, v10;
	v55 =	vadd.s32 v3, v54;
	s8 =	simm.s32 $0x8300  }
0x5c5: {  	[tilespmem:s8], [sflag:$0x3] =	stream.indirect_vreg.gather [hbm4b:s10+s3], $0x80, v18, vm0, $0xb8;
	[tilespmem:$0x1E880] =	vst v63  }
0x5c6: {  	v57 =	vperm.xlane v17, v11;
	v18 =	vadd.s32 v3, v56;
	s8 =	simm.s32 $0x8380  }
0x5c7: {  	[tilespmem:s8], [sflag:$0x3] =	stream.indirect_vreg.gather [hbm4b:s10+s3], $0x80, v19, vm0, $0xb8;
	[tilespmem:$0x1E880] =	vst v63  }
0x5c8: {  	v58 =	vperm.xlane v17, v12;
	v19 =	vadd.s32 v3, v57;
	s8 =	simm.s32 $0x8400  }
0x5c9: {  	[tilespmem:s8], [sflag:$0x3] =	stream.indirect_vreg.gather [hbm4b:s10+s3], $0x80, v55, vm0, $0xb8;
	[tilespmem:$0x1E880] =	vst v63  }
0x5ca: {  	v60 =	vperm.xlane v17, v13;
	v59 =	vadd.s32 v3, v58;
	s8 =	simm.s32 $0x8480  }
0x5cb: {  	[tilespmem:s8], [sflag:$0x3] =	stream.indirect_vreg.gather [hbm4b:s10+s3], $0x80, v18, vm0, $0xb8;
	[tilespmem:$0x1E880] =	vst v63  }
0x5cc: {  	v61 =	vperm.xlane v17, v14;
	v18 =	vadd.s32 v3, v60;
	s8 =	simm.s32 $0x8500  }
0x5cd: {  	[tilespmem:s8], [sflag:$0x3] =	stream.indirect_vreg.gather [hbm4b:s10+s3], $0x80, v19, vm0, $0xb8;
	[tilespmem:$0x1E880] =	vst v63  }
0x5ce: {  	v62 =	vperm.xlane v17, v15;
	v19 =	vadd.s32 v3, v61;
	s8 =	simm.s32 $0x8580  }
0x5cf: {  	[tilespmem:s8], [sflag:$0x3] =	stream.indirect_vreg.gather [hbm4b:s10+s3], $0x80, v59, vm0, $0xb8;
	[tilespmem:$0x1E880] =	vst v63  }
0x5d0: {  	v17 =	vperm.xlane v17, v16;
	v63 =	vadd.s32 v3, v62;
	s8 =	simm.s32 $0x8600  }
0x5d1: {  	[tilespmem:s8], [sflag:$0x3] =	stream.indirect_vreg.gather [hbm4b:s10+s3], $0x80, v18, vm0, $0xb8;
	[tilespmem:$0x1E880] =	vst v63  }
0x5d2: {  	v17 =	vadd.s32 v3, v17;
	s8 =	simm.s32 $0x8680  }
0x5d3: {  	[tilespmem:s8], [sflag:$0x3] =	stream.indirect_vreg.gather [hbm4b:s10+s3], $0x80, v19, vm0, $0xb8;
	[tilespmem:$0x1E880] =	vst v63  }
0x5d4: {  	s8 =	simm.s32 $0x8700  }
0x5d5: {  	[tilespmem:s8], [sflag:$0x3] =	stream.indirect_vreg.gather [hbm4b:s10+s3], $0x80, v63, vm0, $0xb8;
	[tilespmem:$0x1E880] =	vst v63  }
0x5d6: {  	s8 =	simm.s32 $0x8780  }
0x5d7: {  	[tilespmem:s8], [sflag:$0x3] =	stream.indirect_vreg.gather [hbm4b:s10+s3], $0x80, v17, vm0, $0xb8;
	[tilespmem:$0x1E880] =	vst v63  }
.LBB2_6:
0x5d8: {  	_ =	swait.ge [sflag:s1], $0x2800  }
0x5d9: {  	[sflag:s1] =	ssyncset.done $0x0  }
.Ltmp6:
0x5da: {  	s8 =	sadd.s32 $0x8F0, s7;
	[sflag:s1] =	ssyncadd.s32 $0xFFFFD800;
	(pc) =	sbr.rel @p5 .LBB2_8-.Ltmp6, $4  }
0x5db: {  	[spmem:s2] =	stream.indirect.scatter.add.f32 [tilespmem:s25], [sflag:$0x5], $0x80, s8, s9, $0xb8;
	[tilespmem:$0x1E880] =	vst v63  }
0x5dc: {  	_ =	swait.ge [sflag:s19], $0x2800  }
0x5dd: {  	[sflag:s19] =	ssyncset.done $0x0  }
0x5de: {  	[sflag:s19] =	ssyncadd.s32 $0xFFFFD800  }
0x5df: {  	v17 =	vld [tilespmem:s7+$0x230];
	_ =	sdelay $0x4  }
0x5e0: {  	v18 =	vshll.u32 v17, $0x1  }
0x5e1: {  	v17 =	vand.u32 $0x7, v17;
	v18 =	vand.u32 $0xFFFFFFF0, v18  }
0x5e2: {  	v17 =	vor.u32 v17, v18  }
0x5e3: {  	v18 =	vperm.xlane v17, v2;
	_ =	sdelay $0x1  }
0x5e4: {  	v19 =	vperm.xlane v17, v1;
	v18 =	vadd.s32 v3, v18;
	_ =	sdelay $0x1  }
0x5e5: {  	v20 =	vperm.xlane v17, v4;
	v19 =	vadd.s32 v3, v19;
	_ =	sdelay $0x1  }
0x5e6: {  	v21 =	vperm.xlane v17, v5;
	v20 =	vadd.s32 v3, v20  }
0x5e7: {  	[tilespmem:s25], [sflag:$0x4] =	stream.indirect_vreg.gather [hbm4b:s10+s3], $0x80, v18, vm0, $0xb8;
	[tilespmem:$0x1E880] =	vst v63  }
0x5e8: {  	s4 =	simm.s32 $0x8880;
	v61 =	vperm.xlane v17, v6;
	v18 =	vadd.s32 v3, v21  }
0x5e9: {  	[tilespmem:s4], [sflag:$0x4] =	stream.indirect_vreg.gather [hbm4b:s10+s3], $0x80, v19, vm0, $0xb8;
	[tilespmem:$0x1E880] =	vst v63  }
0x5ea: {  	s8 =	simm.s32 $0x8900;
	v62 =	vperm.xlane v17, v7;
	v19 =	vadd.s32 v3, v61  }
0x5eb: {  	[tilespmem:s8], [sflag:$0x4] =	stream.indirect_vreg.gather [hbm4b:s10+s3], $0x80, v20, vm0, $0xb8;
	[tilespmem:$0x1E880] =	vst v63  }
0x5ec: {  	v24 =	vperm.xlane v17, v8;
	v63 =	vadd.s32 v3, v62;
	s8 =	simm.s32 $0x8980  }
0x5ed: {  	[tilespmem:s8], [sflag:$0x4] =	stream.indirect_vreg.gather [hbm4b:s10+s3], $0x80, v18, vm0, $0xb8;
	[tilespmem:$0x1E880] =	vst v63  }
0x5ee: {  	v25 =	vperm.xlane v17, v0;
	v18 =	vadd.s32 v3, v24;
	s8 =	simm.s32 $0x8A00  }
0x5ef: {  	[tilespmem:s8], [sflag:$0x4] =	stream.indirect_vreg.gather [hbm4b:s10+s3], $0x80, v19, vm0, $0xb8;
	[tilespmem:$0x1E880] =	vst v63  }
0x5f0: {  	v26 =	vperm.xlane v17, v9;
	v19 =	vadd.s32 v3, v25;
	s8 =	simm.s32 $0x8A80  }
0x5f1: {  	[tilespmem:s8], [sflag:$0x4] =	stream.indirect_vreg.gather [hbm4b:s10+s3], $0x80, v63, vm0, $0xb8;
	[tilespmem:$0x1E880] =	vst v63  }
0x5f2: {  	v28 =	vperm.xlane v17, v10;
	v27 =	vadd.s32 v3, v26;
	s8 =	simm.s32 $0x8B00  }
0x5f3: {  	[tilespmem:s8], [sflag:$0x4] =	stream.indirect_vreg.gather [hbm4b:s10+s3], $0x80, v18, vm0, $0xb8;
	[tilespmem:$0x1E880] =	vst v63  }
0x5f4: {  	v29 =	vperm.xlane v17, v11;
	v18 =	vadd.s32 v3, v28;
	s8 =	simm.s32 $0x8B80  }
0x5f5: {  	[tilespmem:s8], [sflag:$0x4] =	stream.indirect_vreg.gather [hbm4b:s10+s3], $0x80, v19, vm0, $0xb8;
	[tilespmem:$0x1E880] =	vst v63  }
0x5f6: {  	v30 =	vperm.xlane v17, v12;
	v19 =	vadd.s32 v3, v29;
	s8 =	simm.s32 $0x8C00  }
0x5f7: {  	[tilespmem:s8], [sflag:$0x4] =	stream.indirect_vreg.gather [hbm4b:s10+s3], $0x80, v27, vm0, $0xb8;
	[tilespmem:$0x1E880] =	vst v63  }
0x5f8: {  	v32 =	vperm.xlane v17, v13;
	v31 =	vadd.s32 v3, v30;
	s8 =	simm.s32 $0x8C80  }
0x5f9: {  	[tilespmem:s8], [sflag:$0x4] =	stream.indirect_vreg.gather [hbm4b:s10+s3], $0x80, v18, vm0, $0xb8;
	[tilespmem:$0x1E880] =	vst v63  }
0x5fa: {  	v33 =	vperm.xlane v17, v14;
	v18 =	vadd.s32 v3, v32;
	s8 =	simm.s32 $0x8D00  }
0x5fb: {  	[tilespmem:s8], [sflag:$0x4] =	stream.indirect_vreg.gather [hbm4b:s10+s3], $0x80, v19, vm0, $0xb8;
	[tilespmem:$0x1E880] =	vst v63  }
0x5fc: {  	v34 =	vperm.xlane v17, v15;
	v19 =	vadd.s32 v3, v33;
	s8 =	simm.s32 $0x8D80  }
0x5fd: {  	[tilespmem:s8], [sflag:$0x4] =	stream.indirect_vreg.gather [hbm4b:s10+s3], $0x80, v31, vm0, $0xb8;
	[tilespmem:$0x1E880] =	vst v63  }
0x5fe: {  	v17 =	vperm.xlane v17, v16;
	v35 =	vadd.s32 v3, v34;
	s8 =	simm.s32 $0x8E00  }
0x5ff: {  	[tilespmem:s8], [sflag:$0x4] =	stream.indirect_vreg.gather [hbm4b:s10+s3], $0x80, v18, vm0, $0xb8;
	[tilespmem:$0x1E880] =	vst v63  }
0x600: {  	v17 =	vadd.s32 v3, v17;
	s8 =	simm.s32 $0x8E80  }
0x601: {  	[tilespmem:s8], [sflag:$0x4] =	stream.indirect_vreg.gather [hbm4b:s10+s3], $0x80, v19, vm0, $0xb8;
	[tilespmem:$0x1E880] =	vst v63  }
0x602: {  	s8 =	simm.s32 $0x8F00  }
0x603: {  	[tilespmem:s8], [sflag:$0x4] =	stream.indirect_vreg.gather [hbm4b:s10+s3], $0x80, v35, vm0, $0xb8;
	[tilespmem:$0x1E880] =	vst v63  }
0x604: {  	s8 =	simm.s32 $0x8F80  }
0x605: {  	[tilespmem:s8], [sflag:$0x4] =	stream.indirect_vreg.gather [hbm4b:s10+s3], $0x80, v17, vm0, $0xb8;
	[tilespmem:$0x1E880] =	vst v63  }
0x606: {  	v17 =	vld [tilespmem:s7+$0x240];
	_ =	sdelay $0x4  }
0x607: {  	v18 =	vshll.u32 v17, $0x1  }
0x608: {  	v17 =	vand.u32 $0x7, v17;
	v18 =	vand.u32 $0xFFFFFFF0, v18  }
0x609: {  	v17 =	vor.u32 v17, v18  }
0x60a: {  	v18 =	vperm.xlane v17, v2;
	_ =	sdelay $0x1  }
0x60b: {  	v19 =	vperm.xlane v17, v1;
	v18 =	vadd.s32 v3, v18;
	_ =	sdelay $0x1  }
0x60c: {  	v36 =	vperm.xlane v17, v4;
	v19 =	vadd.s32 v3, v19;
	_ =	sdelay $0x1  }
0x60d: {  	s8 =	simm.s32 $0x9000;
	v37 =	vperm.xlane v17, v5;
	v20 =	vadd.s32 v3, v36  }
0x60e: {  	[tilespmem:s8], [sflag:$0x4] =	stream.indirect_vreg.gather [hbm4b:s10+s3], $0x80, v18, vm0, $0xb8;
	[tilespmem:$0x1E880] =	vst v63  }
0x60f: {  	v38 =	vperm.xlane v17, v6;
	v18 =	vadd.s32 v3, v37;
	s8 =	simm.s32 $0x9080  }
0x610: {  	[tilespmem:s8], [sflag:$0x4] =	stream.indirect_vreg.gather [hbm4b:s10+s3], $0x80, v19, vm0, $0xb8;
	[tilespmem:$0x1E880] =	vst v63  }
0x611: {  	v39 =	vperm.xlane v17, v7;
	v19 =	vadd.s32 v3, v38;
	s8 =	simm.s32 $0x9100  }
0x612: {  	[tilespmem:s8], [sflag:$0x4] =	stream.indirect_vreg.gather [hbm4b:s10+s3], $0x80, v20, vm0, $0xb8;
	[tilespmem:$0x1E880] =	vst v63  }
0x613: {  	v41 =	vperm.xlane v17, v8;
	v40 =	vadd.s32 v3, v39;
	s8 =	simm.s32 $0x9180  }
0x614: {  	[tilespmem:s8], [sflag:$0x4] =	stream.indirect_vreg.gather [hbm4b:s10+s3], $0x80, v18, vm0, $0xb8;
	[tilespmem:$0x1E880] =	vst v63  }
0x615: {  	v42 =	vperm.xlane v17, v0;
	v18 =	vadd.s32 v3, v41;
	s8 =	simm.s32 $0x9200  }
0x616: {  	[tilespmem:s8], [sflag:$0x4] =	stream.indirect_vreg.gather [hbm4b:s10+s3], $0x80, v19, vm0, $0xb8;
	[tilespmem:$0x1E880] =	vst v63  }
0x617: {  	v43 =	vperm.xlane v17, v9;
	v19 =	vadd.s32 v3, v42;
	s8 =	simm.s32 $0x9280  }
0x618: {  	[tilespmem:s8], [sflag:$0x4] =	stream.indirect_vreg.gather [hbm4b:s10+s3], $0x80, v40, vm0, $0xb8;
	[tilespmem:$0x1E880] =	vst v63  }
0x619: {  	v45 =	vperm.xlane v17, v10;
	v44 =	vadd.s32 v3, v43;
	s8 =	simm.s32 $0x9300  }
0x61a: {  	[tilespmem:s8], [sflag:$0x4] =	stream.indirect_vreg.gather [hbm4b:s10+s3], $0x80, v18, vm0, $0xb8;
	[tilespmem:$0x1E880] =	vst v63  }
0x61b: {  	v46 =	vperm.xlane v17, v11;
	v18 =	vadd.s32 v3, v45;
	s8 =	simm.s32 $0x9380  }
0x61c: {  	[tilespmem:s8], [sflag:$0x4] =	stream.indirect_vreg.gather [hbm4b:s10+s3], $0x80, v19, vm0, $0xb8;
	[tilespmem:$0x1E880] =	vst v63  }
0x61d: {  	v47 =	vperm.xlane v17, v12;
	v19 =	vadd.s32 v3, v46;
	s8 =	simm.s32 $0x9400  }
0x61e: {  	[tilespmem:s8], [sflag:$0x4] =	stream.indirect_vreg.gather [hbm4b:s10+s3], $0x80, v44, vm0, $0xb8;
	[tilespmem:$0x1E880] =	vst v63  }
0x61f: {  	v49 =	vperm.xlane v17, v13;
	v48 =	vadd.s32 v3, v47;
	s8 =	simm.s32 $0x9480  }
0x620: {  	[tilespmem:s8], [sflag:$0x4] =	stream.indirect_vreg.gather [hbm4b:s10+s3], $0x80, v18, vm0, $0xb8;
	[tilespmem:$0x1E880] =	vst v63  }
0x621: {  	v50 =	vperm.xlane v17, v14;
	v18 =	vadd.s32 v3, v49;
	s8 =	simm.s32 $0x9500  }
0x622: {  	[tilespmem:s8], [sflag:$0x4] =	stream.indirect_vreg.gather [hbm4b:s10+s3], $0x80, v19, vm0, $0xb8;
	[tilespmem:$0x1E880] =	vst v63  }
0x623: {  	v51 =	vperm.xlane v17, v15;
	v19 =	vadd.s32 v3, v50;
	s8 =	simm.s32 $0x9580  }
0x624: {  	[tilespmem:s8], [sflag:$0x4] =	stream.indirect_vreg.gather [hbm4b:s10+s3], $0x80, v48, vm0, $0xb8;
	[tilespmem:$0x1E880] =	vst v63  }
0x625: {  	v17 =	vperm.xlane v17, v16;
	v52 =	vadd.s32 v3, v51;
	s8 =	simm.s32 $0x9600  }
0x626: {  	[tilespmem:s8], [sflag:$0x4] =	stream.indirect_vreg.gather [hbm4b:s10+s3], $0x80, v18, vm0, $0xb8;
	[tilespmem:$0x1E880] =	vst v63  }
0x627: {  	v17 =	vadd.s32 v3, v17;
	s8 =	simm.s32 $0x9680  }
0x628: {  	[tilespmem:s8], [sflag:$0x4] =	stream.indirect_vreg.gather [hbm4b:s10+s3], $0x80, v19, vm0, $0xb8;
	[tilespmem:$0x1E880] =	vst v63  }
0x629: {  	s8 =	simm.s32 $0x9700  }
0x62a: {  	[tilespmem:s8], [sflag:$0x4] =	stream.indirect_vreg.gather [hbm4b:s10+s3], $0x80, v52, vm0, $0xb8;
	[tilespmem:$0x1E880] =	vst v63  }
0x62b: {  	s8 =	simm.s32 $0x9780  }
0x62c: {  	[tilespmem:s8], [sflag:$0x4] =	stream.indirect_vreg.gather [hbm4b:s10+s3], $0x80, v17, vm0, $0xb8;
	[tilespmem:$0x1E880] =	vst v63  }
0x62d: {  	v17 =	vld [tilespmem:s7+$0x250];
	_ =	sdelay $0x4  }
0x62e: {  	v18 =	vshll.u32 v17, $0x1  }
0x62f: {  	v17 =	vand.u32 $0x7, v17;
	v18 =	vand.u32 $0xFFFFFFF0, v18  }
0x630: {  	v17 =	vor.u32 v17, v18  }
0x631: {  	v18 =	vperm.xlane v17, v2;
	_ =	sdelay $0x1  }
0x632: {  	v19 =	vperm.xlane v17, v1;
	v18 =	vadd.s32 v3, v18;
	_ =	sdelay $0x1  }
0x633: {  	v53 =	vperm.xlane v17, v4;
	v19 =	vadd.s32 v3, v19;
	_ =	sdelay $0x1  }
0x634: {  	s8 =	simm.s32 $0x9800;
	v54 =	vperm.xlane v17, v5;
	v20 =	vadd.s32 v3, v53  }
0x635: {  	[tilespmem:s8], [sflag:$0x4] =	stream.indirect_vreg.gather [hbm4b:s10+s3], $0x80, v18, vm0, $0xb8;
	[tilespmem:$0x1E880] =	vst v63  }
0x636: {  	v55 =	vperm.xlane v17, v6;
	v18 =	vadd.s32 v3, v54;
	s8 =	simm.s32 $0x9880  }
0x637: {  	[tilespmem:s8], [sflag:$0x4] =	stream.indirect_vreg.gather [hbm4b:s10+s3], $0x80, v19, vm0, $0xb8;
	[tilespmem:$0x1E880] =	vst v63  }
0x638: {  	v56 =	vperm.xlane v17, v7;
	v19 =	vadd.s32 v3, v55;
	s8 =	simm.s32 $0x9900  }
0x639: {  	[tilespmem:s8], [sflag:$0x4] =	stream.indirect_vreg.gather [hbm4b:s10+s3], $0x80, v20, vm0, $0xb8;
	[tilespmem:$0x1E880] =	vst v63  }
0x63a: {  	v58 =	vperm.xlane v17, v8;
	v57 =	vadd.s32 v3, v56;
	s8 =	simm.s32 $0x9980  }
0x63b: {  	[tilespmem:s8], [sflag:$0x4] =	stream.indirect_vreg.gather [hbm4b:s10+s3], $0x80, v18, vm0, $0xb8;
	[tilespmem:$0x1E880] =	vst v63  }
0x63c: {  	v59 =	vperm.xlane v17, v0;
	v18 =	vadd.s32 v3, v58;
	s8 =	simm.s32 $0x9A00  }
0x63d: {  	[tilespmem:s8], [sflag:$0x4] =	stream.indirect_vreg.gather [hbm4b:s10+s3], $0x80, v19, vm0, $0xb8;
	[tilespmem:$0x1E880] =	vst v63  }
0x63e: {  	v60 =	vperm.xlane v17, v9;
	v19 =	vadd.s32 v3, v59;
	s8 =	simm.s32 $0x9A80  }
0x63f: {  	[tilespmem:s8], [sflag:$0x4] =	stream.indirect_vreg.gather [hbm4b:s10+s3], $0x80, v57, vm0, $0xb8;
	[tilespmem:$0x1E880] =	vst v63  }
0x640: {  	v62 =	vperm.xlane v17, v10;
	v61 =	vadd.s32 v3, v60;
	s8 =	simm.s32 $0x9B00  }
0x641: {  	[tilespmem:s8], [sflag:$0x4] =	stream.indirect_vreg.gather [hbm4b:s10+s3], $0x80, v18, vm0, $0xb8;
	[tilespmem:$0x1E880] =	vst v63  }
0x642: {  	v63 =	vperm.xlane v17, v11;
	v18 =	vadd.s32 v3, v62;
	s8 =	simm.s32 $0x9B80  }
0x643: {  	[tilespmem:s8], [sflag:$0x4] =	stream.indirect_vreg.gather [hbm4b:s10+s3], $0x80, v19, vm0, $0xb8;
	[tilespmem:$0x1E880] =	vst v63  }
0x644: {  	v24 =	vperm.xlane v17, v12;
	v19 =	vadd.s32 v3, v63;
	s8 =	simm.s32 $0x9C00  }
0x645: {  	[tilespmem:s8], [sflag:$0x4] =	stream.indirect_vreg.gather [hbm4b:s10+s3], $0x80, v61, vm0, $0xb8;
	[tilespmem:$0x1E880] =	vst v63  }
0x646: {  	v26 =	vperm.xlane v17, v13;
	v25 =	vadd.s32 v3, v24;
	s8 =	simm.s32 $0x9C80  }
0x647: {  	[tilespmem:s8], [sflag:$0x4] =	stream.indirect_vreg.gather [hbm4b:s10+s3], $0x80, v18, vm0, $0xb8;
	[tilespmem:$0x1E880] =	vst v63  }
0x648: {  	v27 =	vperm.xlane v17, v14;
	v18 =	vadd.s32 v3, v26;
	s8 =	simm.s32 $0x9D00  }
0x649: {  	[tilespmem:s8], [sflag:$0x4] =	stream.indirect_vreg.gather [hbm4b:s10+s3], $0x80, v19, vm0, $0xb8;
	[tilespmem:$0x1E880] =	vst v63  }
0x64a: {  	v28 =	vperm.xlane v17, v15;
	v19 =	vadd.s32 v3, v27;
	s8 =	simm.s32 $0x9D80  }
0x64b: {  	[tilespmem:s8], [sflag:$0x4] =	stream.indirect_vreg.gather [hbm4b:s10+s3], $0x80, v25, vm0, $0xb8;
	[tilespmem:$0x1E880] =	vst v63  }
0x64c: {  	v17 =	vperm.xlane v17, v16;
	v29 =	vadd.s32 v3, v28;
	s8 =	simm.s32 $0x9E00  }
0x64d: {  	[tilespmem:s8], [sflag:$0x4] =	stream.indirect_vreg.gather [hbm4b:s10+s3], $0x80, v18, vm0, $0xb8;
	[tilespmem:$0x1E880] =	vst v63  }
0x64e: {  	v17 =	vadd.s32 v3, v17;
	s8 =	simm.s32 $0x9E80  }
0x64f: {  	[tilespmem:s8], [sflag:$0x4] =	stream.indirect_vreg.gather [hbm4b:s10+s3], $0x80, v19, vm0, $0xb8;
	[tilespmem:$0x1E880] =	vst v63  }
0x650: {  	s8 =	simm.s32 $0x9F00  }
0x651: {  	[tilespmem:s8], [sflag:$0x4] =	stream.indirect_vreg.gather [hbm4b:s10+s3], $0x80, v29, vm0, $0xb8;
	[tilespmem:$0x1E880] =	vst v63  }
0x652: {  	s8 =	simm.s32 $0x9F80  }
0x653: {  	[tilespmem:s8], [sflag:$0x4] =	stream.indirect_vreg.gather [hbm4b:s10+s3], $0x80, v17, vm0, $0xb8;
	[tilespmem:$0x1E880] =	vst v63  }
0x654: {  	v17 =	vld [tilespmem:s7+$0x260];
	_ =	sdelay $0x4  }
0x655: {  	v18 =	vshll.u32 v17, $0x1  }
0x656: {  	v17 =	vand.u32 $0x7, v17;
	v18 =	vand.u32 $0xFFFFFFF0, v18  }
0x657: {  	v17 =	vor.u32 v17, v18  }
0x658: {  	v18 =	vperm.xlane v17, v2;
	_ =	sdelay $0x1  }
0x659: {  	v19 =	vperm.xlane v17, v1;
	v18 =	vadd.s32 v3, v18;
	_ =	sdelay $0x1  }
0x65a: {  	v30 =	vperm.xlane v17, v4;
	v19 =	vadd.s32 v3, v19;
	_ =	sdelay $0x1  }
0x65b: {  	s8 =	simm.s32 $0xA000;
	v31 =	vperm.xlane v17, v5;
	v20 =	vadd.s32 v3, v30  }
0x65c: {  	[tilespmem:s8], [sflag:$0x4] =	stream.indirect_vreg.gather [hbm4b:s10+s3], $0x80, v18, vm0, $0xb8;
	[tilespmem:$0x1E880] =	vst v63  }
0x65d: {  	v32 =	vperm.xlane v17, v6;
	v18 =	vadd.s32 v3, v31;
	s8 =	simm.s32 $0xA080  }
0x65e: {  	[tilespmem:s8], [sflag:$0x4] =	stream.indirect_vreg.gather [hbm4b:s10+s3], $0x80, v19, vm0, $0xb8;
	[tilespmem:$0x1E880] =	vst v63  }
0x65f: {  	v33 =	vperm.xlane v17, v7;
	v19 =	vadd.s32 v3, v32;
	s8 =	simm.s32 $0xA100  }
0x660: {  	[tilespmem:s8], [sflag:$0x4] =	stream.indirect_vreg.gather [hbm4b:s10+s3], $0x80, v20, vm0, $0xb8;
	[tilespmem:$0x1E880] =	vst v63  }
0x661: {  	v35 =	vperm.xlane v17, v8;
	v34 =	vadd.s32 v3, v33;
	s8 =	simm.s32 $0xA180  }
0x662: {  	[tilespmem:s8], [sflag:$0x4] =	stream.indirect_vreg.gather [hbm4b:s10+s3], $0x80, v18, vm0, $0xb8;
	[tilespmem:$0x1E880] =	vst v63  }
0x663: {  	v36 =	vperm.xlane v17, v0;
	v18 =	vadd.s32 v3, v35;
	s8 =	simm.s32 $0xA200  }
0x664: {  	[tilespmem:s8], [sflag:$0x4] =	stream.indirect_vreg.gather [hbm4b:s10+s3], $0x80, v19, vm0, $0xb8;
	[tilespmem:$0x1E880] =	vst v63  }
0x665: {  	v37 =	vperm.xlane v17, v9;
	v19 =	vadd.s32 v3, v36;
	s8 =	simm.s32 $0xA280  }
0x666: {  	[tilespmem:s8], [sflag:$0x4] =	stream.indirect_vreg.gather [hbm4b:s10+s3], $0x80, v34, vm0, $0xb8;
	[tilespmem:$0x1E880] =	vst v63  }
0x667: {  	v39 =	vperm.xlane v17, v10;
	v38 =	vadd.s32 v3, v37;
	s8 =	simm.s32 $0xA300  }
0x668: {  	[tilespmem:s8], [sflag:$0x4] =	stream.indirect_vreg.gather [hbm4b:s10+s3], $0x80, v18, vm0, $0xb8;
	[tilespmem:$0x1E880] =	vst v63  }
0x669: {  	v40 =	vperm.xlane v17, v11;
	v18 =	vadd.s32 v3, v39;
	s8 =	simm.s32 $0xA380  }
0x66a: {  	[tilespmem:s8], [sflag:$0x4] =	stream.indirect_vreg.gather [hbm4b:s10+s3], $0x80, v19, vm0, $0xb8;
	[tilespmem:$0x1E880] =	vst v63  }
0x66b: {  	v41 =	vperm.xlane v17, v12;
	v19 =	vadd.s32 v3, v40;
	s8 =	simm.s32 $0xA400  }
0x66c: {  	[tilespmem:s8], [sflag:$0x4] =	stream.indirect_vreg.gather [hbm4b:s10+s3], $0x80, v38, vm0, $0xb8;
	[tilespmem:$0x1E880] =	vst v63  }
0x66d: {  	v43 =	vperm.xlane v17, v13;
	v42 =	vadd.s32 v3, v41;
	s8 =	simm.s32 $0xA480  }
0x66e: {  	[tilespmem:s8], [sflag:$0x4] =	stream.indirect_vreg.gather [hbm4b:s10+s3], $0x80, v18, vm0, $0xb8;
	[tilespmem:$0x1E880] =	vst v63  }
0x66f: {  	v44 =	vperm.xlane v17, v14;
	v18 =	vadd.s32 v3, v43;
	s8 =	simm.s32 $0xA500  }
0x670: {  	[tilespmem:s8], [sflag:$0x4] =	stream.indirect_vreg.gather [hbm4b:s10+s3], $0x80, v19, vm0, $0xb8;
	[tilespmem:$0x1E880] =	vst v63  }
0x671: {  	v45 =	vperm.xlane v17, v15;
	v19 =	vadd.s32 v3, v44;
	s8 =	simm.s32 $0xA580  }
0x672: {  	[tilespmem:s8], [sflag:$0x4] =	stream.indirect_vreg.gather [hbm4b:s10+s3], $0x80, v42, vm0, $0xb8;
	[tilespmem:$0x1E880] =	vst v63  }
0x673: {  	v17 =	vperm.xlane v17, v16;
	v46 =	vadd.s32 v3, v45;
	s8 =	simm.s32 $0xA600  }
0x674: {  	[tilespmem:s8], [sflag:$0x4] =	stream.indirect_vreg.gather [hbm4b:s10+s3], $0x80, v18, vm0, $0xb8;
	[tilespmem:$0x1E880] =	vst v63  }
0x675: {  	v17 =	vadd.s32 v3, v17;
	s8 =	simm.s32 $0xA680  }
0x676: {  	[tilespmem:s8], [sflag:$0x4] =	stream.indirect_vreg.gather [hbm4b:s10+s3], $0x80, v19, vm0, $0xb8;
	[tilespmem:$0x1E880] =	vst v63  }
0x677: {  	s8 =	simm.s32 $0xA700  }
0x678: {  	[tilespmem:s8], [sflag:$0x4] =	stream.indirect_vreg.gather [hbm4b:s10+s3], $0x80, v46, vm0, $0xb8;
	[tilespmem:$0x1E880] =	vst v63  }
0x679: {  	s8 =	simm.s32 $0xA780  }
0x67a: {  	[tilespmem:s8], [sflag:$0x4] =	stream.indirect_vreg.gather [hbm4b:s10+s3], $0x80, v17, vm0, $0xb8;
	[tilespmem:$0x1E880] =	vst v63  }
0x67b: {  	v17 =	vld [tilespmem:s7+$0x270];
	_ =	sdelay $0x4  }
0x67c: {  	v18 =	vshll.u32 v17, $0x1  }
0x67d: {  	v17 =	vand.u32 $0x7, v17;
	v18 =	vand.u32 $0xFFFFFFF0, v18  }
0x67e: {  	v17 =	vor.u32 v17, v18  }
0x67f: {  	v18 =	vperm.xlane v17, v2;
	_ =	sdelay $0x1  }
0x680: {  	v19 =	vperm.xlane v17, v1;
	v18 =	vadd.s32 v3, v18;
	_ =	sdelay $0x1  }
0x681: {  	v47 =	vperm.xlane v17, v4;
	v19 =	vadd.s32 v3, v19;
	_ =	sdelay $0x1  }
0x682: {  	s7 =	simm.s32 $0xA800;
	v48 =	vperm.xlane v17, v5;
	v20 =	vadd.s32 v3, v47  }
0x683: {  	[tilespmem:s7], [sflag:$0x4] =	stream.indirect_vreg.gather [hbm4b:s10+s3], $0x80, v18, vm0, $0xb8;
	[tilespmem:$0x1E880] =	vst v63  }
0x684: {  	s8 =	simm.s32 $0xA880;
	v49 =	vperm.xlane v17, v6;
	v18 =	vadd.s32 v3, v48  }
0x685: {  	[tilespmem:s8], [sflag:$0x4] =	stream.indirect_vreg.gather [hbm4b:s10+s3], $0x80, v19, vm0, $0xb8;
	[tilespmem:$0x1E880] =	vst v63  }
0x686: {  	v50 =	vperm.xlane v17, v7;
	v19 =	vadd.s32 v3, v49  }
0x687: {  	[tilespmem:s13], [sflag:$0x4] =	stream.indirect_vreg.gather [hbm4b:s10+s3], $0x80, v20, vm0, $0xb8;
	[tilespmem:$0x1E880] =	vst v63  }
0x688: {  	v52 =	vperm.xlane v17, v8;
	v51 =	vadd.s32 v3, v50  }
0x689: {  	[tilespmem:s14], [sflag:$0x4] =	stream.indirect_vreg.gather [hbm4b:s10+s3], $0x80, v18, vm0, $0xb8;
	[tilespmem:$0x1E880] =	vst v63  }
0x68a: {  	v53 =	vperm.xlane v17, v0;
	v18 =	vadd.s32 v3, v52  }
0x68b: {  	[tilespmem:s15], [sflag:$0x4] =	stream.indirect_vreg.gather [hbm4b:s10+s3], $0x80, v19, vm0, $0xb8;
	[tilespmem:$0x1E880] =	vst v63  }
0x68c: {  	v54 =	vperm.xlane v17, v9;
	v19 =	vadd.s32 v3, v53  }
0x68d: {  	[tilespmem:s16], [sflag:$0x4] =	stream.indirect_vreg.gather [hbm4b:s10+s3], $0x80, v51, vm0, $0xb8;
	[tilespmem:$0x1E880] =	vst v63  }
0x68e: {  	v56 =	vperm.xlane v17, v10;
	v55 =	vadd.s32 v3, v54  }
0x68f: {  	[tilespmem:s17], [sflag:$0x4] =	stream.indirect_vreg.gather [hbm4b:s10+s3], $0x80, v18, vm0, $0xb8;
	[tilespmem:$0x1E880] =	vst v63  }
0x690: {  	v57 =	vperm.xlane v17, v11;
	v18 =	vadd.s32 v3, v56  }
0x691: {  	[tilespmem:s18], [sflag:$0x4] =	stream.indirect_vreg.gather [hbm4b:s10+s3], $0x80, v19, vm0, $0xb8;
	[tilespmem:$0x1E880] =	vst v63  }
0x692: {  	v58 =	vperm.xlane v17, v12;
	v19 =	vadd.s32 v3, v57  }
0x693: {  	[tilespmem:s12], [sflag:$0x4] =	stream.indirect_vreg.gather [hbm4b:s10+s3], $0x80, v55, vm0, $0xb8;
	[tilespmem:$0x1E880] =	vst v63  }
0x694: {  	v60 =	vperm.xlane v17, v13;
	v59 =	vadd.s32 v3, v58  }
0x695: {  	[tilespmem:s11], [sflag:$0x4] =	stream.indirect_vreg.gather [hbm4b:s10+s3], $0x80, v18, vm0, $0xb8;
	[tilespmem:$0x1E880] =	vst v63  }
0x696: {  	v61 =	vperm.xlane v17, v14;
	v18 =	vadd.s32 v3, v60  }
0x697: {  	[tilespmem:s0], [sflag:$0x4] =	stream.indirect_vreg.gather [hbm4b:s10+s3], $0x80, v19, vm0, $0xb8;
	[tilespmem:$0x1E880] =	vst v63  }
0x698: {  	v19 =	vadd.s32 v3, v61  }
0x699: {  	v62 =	vperm.xlane v17, v15;
	[tilespmem:s29], [sflag:$0x4] =	stream.indirect_vreg.gather [hbm4b:s10+s3], $0x80, v59, vm0, $0xb8;
	[tilespmem:$0x1E880] =	vst v63  }
0x69a: {  	_ = 	snop  }
0x69b: {  	v17 =	vperm.xlane v17, v16;
	v63 =	vadd.s32 v3, v62;
	[tilespmem:s31], [sflag:$0x4] =	stream.indirect_vreg.gather [hbm4b:s10+s3], $0x80, v18, vm0, $0xb8;
	[tilespmem:$0x1E880] =	vst v63  }
0x69c: {  	_ = 	snop  }
0x69d: {  	v17 =	vadd.s32 v3, v17;
	[tilespmem:s30], [sflag:$0x4] =	stream.indirect_vreg.gather [hbm4b:s10+s3], $0x80, v19, vm0, $0xb8;
	[tilespmem:$0x1E880] =	vst v63  }
.Ltmp7:
0x69e: {  	_ = 	snop;
	(pc) =	sbr.rel .LBB2_3-.Ltmp7, $4  }
0x69f: {  	_ = 	snop  }
0x6a0: {  	[tilespmem:s26], [sflag:$0x4] =	stream.indirect_vreg.gather [hbm4b:s10+s3], $0x80, v63, vm0, $0xb8;
	[tilespmem:$0x1E880] =	vst v63  }
0x6a1: {  	s6 =	sadd.s32 $0x500, s6  }
0x6a2: {  	[tilespmem:s28], [sflag:$0x4] =	stream.indirect_vreg.gather [hbm4b:s10+s3], $0x80, v17, vm0, $0xb8;
	[tilespmem:$0x1E880] =	vst v63  }
.LBB2_10:
0x6a3: {  	_ =	sfence.sel $0x180000  }
0x6a4: {  	[bflag:$0x0] =	sbarrier.arrive $0xFFFF  }
0x6a5: {  	_ =	strace $0x90000047  }
0x6a6: {  	s0 =	stileid.u32;
	[bflag:$0x2] =	sbarrier.arrive $0xFFFF  }
0x6a7: {  	p0 =	sne.s32 s0, $0x0;
	s0 =	rddreg [dreg:$0x4]  }
0x6a8: {  	s0 =	sadd.s32 @!p0 $0x100000, s0  }
0x6a9: {  	[sflag:s0] =	ssyncadd.tile.s32 @!p0 $0x1;
	_ =	shalt  }
.Lfunc_end2:
_tile_overlayer_lowered:
.L_overlay_start_2:
0x6aa: {  	(tag) =	ssettag $0x2  }
0x6ab: {  	s0 =	rddreg [dreg:$0x0];
	s2 =	stileid.u32  }
0x6ac: {  	s1 =	rddreg [dreg:$0x1];
	p0 =	sne.s32 s2, $0x0  }
0x6ad: {  	s3 =	rddreg [dreg:$0x2];
	[bflag:$0x3] =	sbarrier.arrive $0xFFFF;
	s2 =	simm.s32 @!p0 $0x1C05  }
0x6ae: {  	[timem:s3], [sflag:s2] =	dma.local @!p0 [hbm:s0], s1  }
0x6af: {  	s0 =	simm.s32 @!p0 $0x5  }
0x6b0: {  	_ =	swait.ge @!p0 [sflag:s0], s1  }
0x6b1: {  	s1 =	ssub.s32 @!p0 $0x0, s1;
	[sflag:s0] =	ssyncset.done @!p0 $0x0  }
0x6b2: {  	[sflag:s0] =	ssyncadd.s32 @!p0 s1  }
0x6b3: {  	[bflag:$0x3] =	sbarrier.arrive $0xFFFF  }
0x6b4: {  	_ =	shalt  }

</sc_bundles>
